<compile_context>
chip_gen: v7x
topology: tpu7x:2x2x1
jax: 0.10.2.dev20260603
libtpu: 0.0.44.dev20260713+nightly
codegen_flags: <defaults>
</compile_context>

<pallas_src>
import functools

import jax
import jax.numpy as jnp
from jax import lax
from jax.experimental import pallas as pl
from jax.experimental.pallas import tpu as pltpu
from jax.experimental.pallas import tpu_sc as plsc

_MAX_ARG = 30.0
_EPS = 1e-7
_CHUNK = 128
_NW = 32
_NSUB = 16
_BLK = 1024
_NC_A = 80



def _col0_mask(ncols):
    ids = lax.broadcasted_iota(jnp.int32, (1, ncols), 1)
    return ids == 0


def _cosh_sinh(theta):
    e = jnp.exp(theta)
    ei = 1.0 / e
    return 0.5 * (e + ei), 0.5 * (e - ei)


def _acosh(x):
    return jnp.log(x + jnp.sqrt((x - 1.0) * (x + 1.0)))


def _expmap0_ambient(v):
    vnorm = jnp.maximum(jnp.sqrt(jnp.sum(v * v, axis=1, keepdims=True)), _EPS)
    theta = jnp.minimum(vnorm, _MAX_ARG)
    ch, sh = _cosh_sinh(theta)
    res = (sh / vnorm) * v
    return jnp.where(_col0_mask(v.shape[1]), ch, res)


def _logmap0_ambient(h):
    m0 = _col0_mask(h.shape[1])
    x0 = jnp.sum(jnp.where(m0, h, 0.0), axis=1, keepdims=True)
    hr = jnp.where(m0, 0.0, h)
    rn = jnp.maximum(jnp.sqrt(jnp.sum(hr * hr, axis=1, keepdims=True)), _EPS)
    th = _acosh(jnp.maximum(x0, 1.0 + _EPS))
    return (th / rn) * hr


def _centroid_relu_tangent(p, h2, dg):
    m = (p + h2) / (dg + 1.0)
    m0 = jnp.sum(jnp.where(_col0_mask(m.shape[1]), m, 0.0), axis=1, keepdims=True)
    sq = jnp.sum(m * m, axis=1, keepdims=True)
    inner = sq - 2.0 * m0 * m0
    mu = m / jnp.sqrt(jnp.maximum(jnp.abs(inner), _EPS))
    return jnp.maximum(_logmap0_ambient(mu), 0.0)


def _matmul(t, w, b):
    return jnp.dot(t, w, preferred_element_type=jnp.float32,
                   precision=lax.Precision.HIGHEST) + b


def _pre0_body(x_ref, w_ref, b_ref, o_ref):
    x = x_ref[:]
    vn = jnp.maximum(jnp.sqrt(jnp.sum(x * x, axis=1, keepdims=True)), _EPS)
    th = jnp.minimum(vn, _MAX_ARG)
    ch, sh = _cosh_sinh(th)
    xr = (sh / vn) * x
    rn = jnp.maximum(jnp.sqrt(jnp.sum(xr * xr, axis=1, keepdims=True)), _EPS)
    th2 = _acosh(jnp.maximum(ch, 1.0 + _EPS))
    t = (th2 / rn) * xr
    o_ref[:] = _expmap0_ambient(_matmul(t, w_ref[:], b_ref[:]))


def _deg_from(d0, d1):
    return jnp.sum(jnp.where(_col0_mask(d0.shape[1]), d0 + d1, 0.0),
                   axis=1, keepdims=True)


def _mid_body(p0_ref, p1_ref, d0_ref, d1_ref, h2_ref, w_ref, b_ref, o_ref):
    dg = _deg_from(d0_ref[:], d1_ref[:])
    u = _centroid_relu_tangent(p0_ref[:] + p1_ref[:], h2_ref[:], dg)
    y = _expmap0_ambient(u)
    t1 = _logmap0_ambient(y)
    o_ref[:] = _expmap0_ambient(_matmul(t1, w_ref[:], b_ref[:]))


def _post_body(p0_ref, p1_ref, d0_ref, d1_ref, h2_ref, o_ref):
    dg = _deg_from(d0_ref[:], d1_ref[:])
    u = _centroid_relu_tangent(p0_ref[:] + p1_ref[:], h2_ref[:], dg)
    o_ref[:] = _expmap0_ambient(u)


def _row_spec(d):
    return pl.BlockSpec((_BLK, d), lambda i: (i, 0))


def _full_spec(shape):
    return pl.BlockSpec(shape, lambda i: (0, 0))


def _tc_pre0(xp, w0p, b0p):
    n_pad, d = xp.shape
    return pl.pallas_call(
        _pre0_body,
        grid=(n_pad // _BLK,),
        in_specs=[_row_spec(d), _full_spec((d, d)), _full_spec((1, d))],
        out_specs=_row_spec(d),
        out_shape=jax.ShapeDtypeStruct((n_pad, d), jnp.float32),
    )(xp, w0p, b0p)


def _tc_mid(p0, p1, d0, d1, h2, w1p, b1p):
    n_pad, d = h2.shape
    return pl.pallas_call(
        _mid_body,
        grid=(n_pad // _BLK,),
        in_specs=[_row_spec(d), _row_spec(d), _row_spec(16), _row_spec(16),
                  _row_spec(d), _full_spec((d, d)), _full_spec((1, d))],
        out_specs=_row_spec(d),
        out_shape=jax.ShapeDtypeStruct((n_pad, d), jnp.float32),
    )(p0, p1, d0, d1, h2, w1p, b1p)


def _tc_post(p0, p1, d0, d1, h2):
    n_pad, d = h2.shape
    return pl.pallas_call(
        _post_body,
        grid=(n_pad // _BLK,),
        in_specs=[_row_spec(d), _row_spec(d), _row_spec(16), _row_spec(16),
                  _row_spec(d)],
        out_specs=_row_spec(d),
        out_shape=jax.ShapeDtypeStruct((n_pad, d), jnp.float32),
    )(p0, p1, d0, d1, h2)



def _make_sc_agg(n_pad, d):
    mesh = plsc.VectorSubcoreMesh(core_axis_name="c", subcore_axis_name="s")
    out_type = jax.ShapeDtypeStruct((2, n_pad, d), jnp.float32)
    qmax = 40
    scratch = [
        pltpu.VMEM((qmax, _CHUNK), jnp.int32),
        pltpu.VMEM((qmax, _CHUNK), jnp.int32),
        pltpu.VMEM((_CHUNK, d), jnp.float32),
        pltpu.VMEM((_CHUNK, d), jnp.float32),
        pltpu.VMEM_SHARED((n_pad, d), jnp.float32),
        pltpu.SemaphoreType.DMA,
        pltpu.SemaphoreType.DMA,
    ]

    @functools.partial(pl.kernel, mesh=mesh, out_type=out_type,
                       scratch_types=scratch)
    def agg(table, srci, dsti, z_d, out,
            src_v, dst_v, rows0, rows1, acc, sem0, sem1):
        c = lax.axis_index("c")
        s = lax.axis_index("s")
        w = s * 2 + c
        rpt = n_pad // _NSUB
        r0 = s * rpt

        pltpu.sync_copy(z_d.at[pl.ds(r0, rpt)], acc.at[pl.ds(r0, rpt)])
        plsc.subcore_barrier()

        def consume(j, rows, sem):
            pltpu.make_async_copy(table.at[src_v.at[0]], rows, sem).wait()
            pltpu.sync_copy(rows, acc.at[dst_v.at[j]], add=True)

        half = _NC_A // 2
        for p in range(2):
            pltpu.sync_copy(srci.at[w, pl.ds(p * half, half)], src_v)
            pltpu.sync_copy(dsti.at[w, pl.ds(p * half, half)], dst_v)
            pltpu.async_copy(table.at[src_v.at[0]], rows0, sem0)
            pltpu.async_copy(table.at[src_v.at[1]], rows1, sem1)

            def pair(jj, carry):
                j0 = 2 * jj
                consume(j0, rows0, sem0)
                pltpu.async_copy(table.at[src_v.at[j0 + 2]], rows0, sem0)
                consume(j0 + 1, rows1, sem1)
                pltpu.async_copy(table.at[src_v.at[j0 + 3]], rows1, sem1)
                return carry

            lax.fori_loop(0, half // 2 - 1, pair, 0)
            consume(half - 2, rows0, sem0)
            consume(half - 1, rows1, sem1)

        plsc.subcore_barrier()
        pltpu.sync_copy(acc.at[pl.ds(r0, rpt)], out.at[c, pl.ds(r0, rpt)])

    return agg


def _make_sc_deg(n_pad, n_chunks):
    mesh = plsc.VectorSubcoreMesh(core_axis_name="c", subcore_axis_name="s")
    out_type = jax.ShapeDtypeStruct((2, n_pad, 16), jnp.float32)
    scratch = [
        pltpu.VMEM((n_chunks, _CHUNK), jnp.int32),
        pltpu.VMEM((_CHUNK, 16), jnp.float32),
        pltpu.VMEM_SHARED((n_pad, 16), jnp.float32),
    ]

    @functools.partial(pl.kernel, mesh=mesh, out_type=out_type,
                       scratch_types=scratch)
    def deg(dsti, z_16, ones16, out, dst_v, ones_v, dacc):
        c = lax.axis_index("c")
        s = lax.axis_index("s")
        w = s * 2 + c
        rpt = n_pad // _NSUB
        r0 = s * rpt

        pltpu.sync_copy(z_16.at[pl.ds(r0, rpt)], dacc.at[pl.ds(r0, rpt)])
        pltpu.sync_copy(ones16, ones_v)
        pltpu.sync_copy(dsti.at[w], dst_v)
        plsc.subcore_barrier()

        def body(j, carry):
            pltpu.sync_copy(ones_v, dacc.at[dst_v.at[j]], add=True)
            return carry

        lax.fori_loop(0, n_chunks, body, 0)
        plsc.subcore_barrier()

        pltpu.sync_copy(dacc.at[pl.ds(r0, rpt)], out.at[c, pl.ds(r0, rpt)])

    return deg



def kernel(x, edge_index, W0, b0, W1, b1):
    n, d = x.shape
    n_pad = -(-n // _BLK) * _BLK
    e = edge_index.shape[1]
    srci = edge_index[0].astype(jnp.int32)
    dsti = edge_index[1].astype(jnp.int32)

    e_pad = _NW * _NC_A * _CHUNK
    assert e_pad >= e
    src = jnp.concatenate(
        [srci, jnp.zeros((e_pad - e,), jnp.int32)]
    ).reshape(_NW, _NC_A, _CHUNK)
    dst = jnp.concatenate(
        [dsti, jnp.full((e_pad - e,), n_pad - 1, jnp.int32)]
    ).reshape(_NW, _NC_A, _CHUNK)

    per32 = -(-e // (_NW * _CHUNK)) * _CHUNK
    nc32 = per32 // _CHUNK
    e32 = per32 * _NW
    dstd = jnp.concatenate(
        [dsti, jnp.full((e32 - e,), n_pad - 1, jnp.int32)]
    ).reshape(_NW, nc32, _CHUNK)

    xp = jnp.pad(x.astype(jnp.float32), ((0, n_pad - n), (0, 0)))
    w0p = jnp.zeros((d, d), jnp.float32).at[:, 1:].set(W0)
    b0p = jnp.zeros((1, d), jnp.float32).at[0, 1:].set(b0)
    w1p = jnp.zeros((d, d), jnp.float32).at[1:, 1:].set(W1)
    b1p = jnp.zeros((1, d), jnp.float32).at[0, 1:].set(b1)
    z_d = jnp.zeros((n_pad, d), jnp.float32)
    z_16 = jnp.zeros((n_pad, 16), jnp.float32)
    ones16 = jnp.zeros((_CHUNK, 16), jnp.float32).at[:, 0].set(1.0)

    h2a = _tc_pre0(xp, w0p, b0p)
    p = _make_sc_agg(n_pad, d)(h2a, src, dst, z_d)
    dg = _make_sc_deg(n_pad, nc32)(dstd, z_16, ones16)
    h2b = _tc_mid(p[0], p[1], dg[0], dg[1], h2a, w1p, b1p)
    q = _make_sc_agg(n_pad, d)(h2b, src, dst, z_d)
    y = _tc_post(q[0], q[1], dg[0], dg[1], h2b)
    return y[:n]

# --- scband reference (transcript-rebuilt; emitter-appended) ---
"""Pipeline reference for scband-lgcn-4277787427320 (READ-ONLY COPY).

The authoritative reference and input builder live on the scoring server;
editing this copy changes nothing except your own understanding.
"""

import jax, jax.numpy as jnp
import numpy as np

C = 1.0
MAX_ARG = 30.0
EPS = 1e-7


def expmap0(v, c):
    # v: [N, d] tangent vector at the Lorentz origin (spatial part only)
    sqrt_c = jnp.sqrt(c)
    vnorm = jnp.clip(jnp.linalg.norm(v, axis=-1, keepdims=True), EPS, None)
    theta = jnp.clip(sqrt_c * vnorm, None, MAX_ARG)
    x0 = jnp.cosh(theta) / sqrt_c
    xr = (jnp.sinh(theta) / sqrt_c) * (v / vnorm)
    return jnp.concatenate([x0, xr], axis=-1)


def logmap0(x, c):
    # x: [N, d+1] point on the Lorentz hyperboloid -> spatial tangent [N, d]
    sqrt_c = jnp.sqrt(c)
    x0 = x[..., :1]
    xr = x[..., 1:]
    xr_norm = jnp.clip(jnp.linalg.norm(xr, axis=-1, keepdims=True), EPS, None)
    theta = jnp.arccosh(jnp.clip(sqrt_c * x0, 1.0 + EPS, None))
    return (theta / sqrt_c) * (xr / xr_norm)


def lgnn_layer(h, src, dst, n_nodes, W, b, c_in, c_out):
    # Lorentzian feature transform in tangent space at the origin
    t = logmap0(h, c_in)
    mv = t @ W + b
    h2 = expmap0(mv, c_in)
    # Lorentzian aggregation (Lorentzian centroid of neighbors + self loop)
    msg = jax.ops.segment_sum(h2[src], dst, num_segments=n_nodes)
    deg = jax.ops.segment_sum(jnp.ones_like(dst, dtype=h2.dtype), dst, num_segments=n_nodes)
    m = (msg + h2) / (deg[:, None] + 1.0)
    inner = -m[..., :1] ** 2 + jnp.sum(m[..., 1:] ** 2, axis=-1, keepdims=True)
    mu = m / (jnp.sqrt(c_in) * jnp.sqrt(jnp.clip(jnp.abs(inner), EPS, None)))
    # Lorentzian activation (relu in tangent space, curvature c_in -> c_out)
    y = expmap0(jax.nn.relu(logmap0(mu, c_in)), c_out)
    return y


def setup_inputs(seed: int = 0) -> dict:
    key = jax.random.key(seed)
    k1, k2, k3, k4, k5, k6 = jax.random.split(key, 6)
    n_nodes, n_edges, d_feat, d_hid = 10000, 320000, 128, 128
    x = jax.random.normal(k1, (n_nodes, d_feat), dtype=jnp.float32)
    edge_index = jax.random.randint(k2, (2, n_edges), 0, n_nodes, dtype=jnp.int64)
    # layer 0: in_dim = feat_dim (spatial), out spatial = dim - 1 (ambient = dim)
    W0 = jax.random.normal(k3, (d_feat, d_hid - 1), dtype=jnp.float32) * 0.05
    b0 = jnp.zeros((d_hid - 1,), dtype=jnp.float32)
    # layer 1: in_dim = dim - 1 (spatial of previous ambient dim)
    W1 = jax.random.normal(k5, (d_hid - 1, d_hid - 1), dtype=jnp.float32) * 0.05
    b1 = jnp.zeros((d_hid - 1,), dtype=jnp.float32)
    return {"x": x, "edge_index": edge_index, "W0": W0, "b0": b0, "W1": W1, "b1": b1}


def reference(x, edge_index, W0, b0, W1, b1):
    n_nodes = x.shape[0]
    src = edge_index[0]
    dst = edge_index[1]
    # normalize_input: lift Euclidean features onto the Lorentz manifold
    h = expmap0(x, C)
    h = lgnn_layer(h, src, dst, n_nodes, W0, b0, C, C)
    h = lgnn_layer(h, src, dst, n_nodes, W1, b1, C, C)
    return h

if __name__ == "__main__":
    import jax
    _d = setup_inputs()
    print(jax.jit(kernel)(*tuple(_d.values())))

</pallas_src>

<mosaic_0001>
#map = affine_map<(d0, d1) -> (0, 0, 0)>
#map1 = affine_map<(d0, d1) -> (0, 0)>
module attributes {stable_mosaic.version = 14 : i64} {
  func.func @deg(%arg0: i32, %arg1: i32, %arg2: memref<32x79x128xi32, #tpu.memory_space<hbm>>, %arg3: memref<10240x16xf32, #tpu.memory_space<hbm>>, %arg4: memref<128x16xf32, #tpu.memory_space<hbm>>, %arg5: memref<2x10240x16xf32, #tpu.memory_space<hbm>>, %arg6: memref<79x128xi32, #tpu.memory_space<vmem>>, %arg7: memref<128x16xf32, #tpu.memory_space<vmem>>, %arg8: memref<10240x16xf32, #tpu.memory_space<vmem_shared>>) attributes {dimension_semantics = [#tpu.dimension_semantics<core_parallel>, #tpu.dimension_semantics<subcore_parallel>], iteration_bounds = array<i64: 2, 16>, scalar_prefetch = 0 : i64, scratch_operands = 3 : i64, tpu.core_type = #tpu.core_type<sc_vector_subcore>, window_params = [{transform_indices = #map}, {transform_indices = #map1}, {transform_indices = #map1}, {transform_indices = #map}]} {
    %mul3A = arith.constant 2 : i32
    %mul3A_0 = arith.muli %arg1, %mul3A : i32
    %add3A = arith.addi %mul3A_0, %arg0 : i32
    %mul3A_1 = arith.constant 640 : i32
    %mul3A_2 = arith.muli %arg1, %mul3A_1 : i32
    "tpu.region"() ({
      %run_scoped3A = tpu.sem_alloc : memref<!tpu.dma_semaphore, #tpu.memory_space<semaphore_mem>>
      %dma_start3A = arith.constant 0 : i32
      %dma_start3A_9 = tpu.memref_slice %arg8[%mul3A_2, %dma_start3A] : memref<10240x16xf32, #tpu.memory_space<vmem_shared>> -> memref<640x16xf32, #tpu.memory_space<vmem_shared>>
      %dma_start3A_10 = arith.constant 0 : i32
      %dma_start3A_11 = tpu.memref_slice %arg3[%mul3A_2, %dma_start3A_10] : memref<10240x16xf32, #tpu.memory_space<hbm>> -> memref<640x16xf32, #tpu.memory_space<hbm>>
      tpu.enqueue_dma source(%dma_start3A_11 : memref<640x16xf32, #tpu.memory_space<hbm>>) target(%dma_start3A_9 : memref<640x16xf32, #tpu.memory_space<vmem_shared>>) target_semaphore(%run_scoped3A : memref<!tpu.dma_semaphore, #tpu.memory_space<semaphore_mem>>)
      %dma_wait3A = arith.constant 0 : i32
      %dma_wait3A_12 = tpu.memref_slice %arg8[%mul3A_2, %dma_wait3A] : memref<10240x16xf32, #tpu.memory_space<vmem_shared>> -> memref<640x16xf32, #tpu.memory_space<vmem_shared>>
      %dma_wait3A_13 = arith.constant 0 : i32
      %dma_wait3A_14 = tpu.memref_slice %arg3[%mul3A_2, %dma_wait3A_13] : memref<10240x16xf32, #tpu.memory_space<hbm>> -> memref<640x16xf32, #tpu.memory_space<hbm>>
      tpu.wait_dma2 semaphore(%run_scoped3A : memref<!tpu.dma_semaphore, #tpu.memory_space<semaphore_mem>>) src(%dma_wait3A_14 : memref<640x16xf32, #tpu.memory_space<hbm>>) dst(%dma_wait3A_12 : memref<640x16xf32, #tpu.memory_space<vmem_shared>>)
      tpu.yield
    }) : () -> ()
    "tpu.region"() ({
      %run_scoped3A = tpu.sem_alloc : memref<!tpu.dma_semaphore, #tpu.memory_space<semaphore_mem>>
      tpu.enqueue_dma source(%arg4 : memref<128x16xf32, #tpu.memory_space<hbm>>) target(%arg7 : memref<128x16xf32, #tpu.memory_space<vmem>>) target_semaphore(%run_scoped3A : memref<!tpu.dma_semaphore, #tpu.memory_space<semaphore_mem>>)
      tpu.wait_dma2 semaphore(%run_scoped3A : memref<!tpu.dma_semaphore, #tpu.memory_space<semaphore_mem>>) src(%arg4 : memref<128x16xf32, #tpu.memory_space<hbm>>) dst(%arg7 : memref<128x16xf32, #tpu.memory_space<vmem>>)
      tpu.yield
    }) : () -> ()
    "tpu.region"() ({
      %run_scoped3A = tpu.sem_alloc : memref<!tpu.dma_semaphore, #tpu.memory_space<semaphore_mem>>
      %dma_start3A = arith.constant 0 : i32
      %dma_start3A_9 = arith.constant 0 : i32
      %dma_start3A_10 = tpu.memref_slice %arg2[%add3A, %dma_start3A, %dma_start3A_9] : memref<32x79x128xi32, #tpu.memory_space<hbm>> -> memref<1x79x128xi32, #tpu.memory_space<hbm>>
      %dma_start3A_11 = tpu.memref_squeeze %dma_start3A_10 : memref<1x79x128xi32, #tpu.memory_space<hbm>> -> memref<79x128xi32, #tpu.memory_space<hbm>>
      %dma_start3A_12 = arith.constant 0 : i32
      %dma_start3A_13 = arith.constant 0 : i32
      %dma_start3A_14 = tpu.memref_slice %arg2[%add3A, %dma_start3A_12, %dma_start3A_13] : memref<32x79x128xi32, #tpu.memory_space<hbm>> -> memref<1x79x128xi32, #tpu.memory_space<hbm>>
      %dma_start3A_15 = tpu.memref_squeeze %dma_start3A_14 : memref<1x79x128xi32, #tpu.memory_space<hbm>> -> memref<79x128xi32, #tpu.memory_space<hbm>>
      tpu.enqueue_dma source(%dma_start3A_15 : memref<79x128xi32, #tpu.memory_space<hbm>>) target(%arg6 : memref<79x128xi32, #tpu.memory_space<vmem>>) target_semaphore(%run_scoped3A : memref<!tpu.dma_semaphore, #tpu.memory_space<semaphore_mem>>)
      %dma_wait3A = arith.constant 0 : i32
      %dma_wait3A_16 = arith.constant 0 : i32
      %dma_wait3A_17 = tpu.memref_slice %arg2[%add3A, %dma_wait3A, %dma_wait3A_16] : memref<32x79x128xi32, #tpu.memory_space<hbm>> -> memref<1x79x128xi32, #tpu.memory_space<hbm>>
      %dma_wait3A_18 = tpu.memref_squeeze %dma_wait3A_17 : memref<1x79x128xi32, #tpu.memory_space<hbm>> -> memref<79x128xi32, #tpu.memory_space<hbm>>
      %dma_wait3A_19 = arith.constant 0 : i32
      %dma_wait3A_20 = arith.constant 0 : i32
      %dma_wait3A_21 = tpu.memref_slice %arg2[%add3A, %dma_wait3A_19, %dma_wait3A_20] : memref<32x79x128xi32, #tpu.memory_space<hbm>> -> memref<1x79x128xi32, #tpu.memory_space<hbm>>
      %dma_wait3A_22 = tpu.memref_squeeze %dma_wait3A_21 : memref<1x79x128xi32, #tpu.memory_space<hbm>> -> memref<79x128xi32, #tpu.memory_space<hbm>>
      tpu.wait_dma2 semaphore(%run_scoped3A : memref<!tpu.dma_semaphore, #tpu.memory_space<semaphore_mem>>) src(%dma_wait3A_22 : memref<79x128xi32, #tpu.memory_space<hbm>>) dst(%arg6 : memref<79x128xi32, #tpu.memory_space<vmem>>)
      tpu.yield
    }) : () -> ()
    %barrier3A = arith.constant 0 : index
    tpu.barrier barrier_id(%barrier3A)
    %scan3A = arith.constant 0 : i32
    %scan3A_3 = arith.constant 0 : i32
    %scan3A_4 = arith.constant 79 : i32
    %scan3A_5 = arith.addi %scan3A_3, %scan3A_4 : i32
    %scan3A_6 = arith.constant 1 : i32
    scf.for %scan3A_9 = %scan3A_3 to %scan3A_5 step %scan3A_6  : i32 {
      "tpu.region"() ({
        %run_scoped3A = tpu.sem_alloc : memref<!tpu.dma_semaphore, #tpu.memory_space<semaphore_mem>>
        %dma_start3A = arith.constant 0 : i32
        %dma_start3A_10 = tpu.memref_slice %arg6[%scan3A_9, %dma_start3A] : memref<79x128xi32, #tpu.memory_space<vmem>> -> memref<1x128xi32, #tpu.memory_space<vmem>>
        %dma_start3A_11 = tpu.memref_squeeze %dma_start3A_10 : memref<1x128xi32, #tpu.memory_space<vmem>> -> memref<128xi32, #tpu.memory_space<vmem>>
        %dma_start3A_12 = arith.constant 0 : i32
        %dma_start3A_13 = arith.constant 0 : i32
        %dma_start3A_14 = tpu.memref_slice %arg8[%dma_start3A_12, %dma_start3A_13] : memref<10240x16xf32, #tpu.memory_space<vmem_shared>> -> memref<10240x16xf32, #tpu.memory_space<vmem_shared>>
        tpu.enqueue_indirect_dma source(%arg7 : memref<128x16xf32, #tpu.memory_space<vmem>>) target(%dma_start3A_14 : memref<10240x16xf32, #tpu.memory_space<vmem_shared>>) offsets(%dma_start3A_11 : memref<128xi32, #tpu.memory_space<vmem>>) semaphore(%run_scoped3A : memref<!tpu.dma_semaphore, #tpu.memory_space<semaphore_mem>>) {add = true}
        %dma_wait3A = arith.constant 0 : i32
        %dma_wait3A_15 = tpu.memref_slice %arg6[%scan3A_9, %dma_wait3A] : memref<79x128xi32, #tpu.memory_space<vmem>> -> memref<1x128xi32, #tpu.memory_space<vmem>>
        %dma_wait3A_16 = tpu.memref_squeeze %dma_wait3A_15 : memref<1x128xi32, #tpu.memory_space<vmem>> -> memref<128xi32, #tpu.memory_space<vmem>>
        %dma_wait3A_17 = arith.constant 0 : i32
        %dma_wait3A_18 = arith.constant 0 : i32
        %dma_wait3A_19 = tpu.memref_slice %arg8[%dma_wait3A_17, %dma_wait3A_18] : memref<10240x16xf32, #tpu.memory_space<vmem_shared>> -> memref<10240x16xf32, #tpu.memory_space<vmem_shared>>
        tpu.wait_indirect_dma semaphore(%run_scoped3A : memref<!tpu.dma_semaphore, #tpu.memory_space<semaphore_mem>>) src(%arg7 : memref<128x16xf32, #tpu.memory_space<vmem>>) dst(%dma_wait3A_19 : memref<10240x16xf32, #tpu.memory_space<vmem_shared>>)
        tpu.yield
      }) : () -> ()
    }
    %scan3A_7 = arith.constant 79 : i32
    %barrier3A_8 = arith.constant 0 : index
    tpu.barrier barrier_id(%barrier3A_8)
    "tpu.region"() ({
      %run_scoped3A = tpu.sem_alloc : memref<!tpu.dma_semaphore, #tpu.memory_space<semaphore_mem>>
      %dma_start3A = arith.constant 0 : i32
      %dma_start3A_9 = tpu.memref_slice %arg5[%arg0, %mul3A_2, %dma_start3A] : memref<2x10240x16xf32, #tpu.memory_space<hbm>> -> memref<1x640x16xf32, #tpu.memory_space<hbm>>
      %dma_start3A_10 = tpu.memref_squeeze %dma_start3A_9 : memref<1x640x16xf32, #tpu.memory_space<hbm>> -> memref<640x16xf32, #tpu.memory_space<hbm>>
      %dma_start3A_11 = arith.constant 0 : i32
      %dma_start3A_12 = tpu.memref_slice %arg8[%mul3A_2, %dma_start3A_11] : memref<10240x16xf32, #tpu.memory_space<vmem_shared>> -> memref<640x16xf32, #tpu.memory_space<vmem_shared>>
      tpu.enqueue_dma source(%dma_start3A_12 : memref<640x16xf32, #tpu.memory_space<vmem_shared>>) target(%dma_start3A_10 : memref<640x16xf32, #tpu.memory_space<hbm>>) target_semaphore(%run_scoped3A : memref<!tpu.dma_semaphore, #tpu.memory_space<semaphore_mem>>)
      %dma_wait3A = arith.constant 0 : i32
      %dma_wait3A_13 = tpu.memref_slice %arg5[%arg0, %mul3A_2, %dma_wait3A] : memref<2x10240x16xf32, #tpu.memory_space<hbm>> -> memref<1x640x16xf32, #tpu.memory_space<hbm>>
      %dma_wait3A_14 = tpu.memref_squeeze %dma_wait3A_13 : memref<1x640x16xf32, #tpu.memory_space<hbm>> -> memref<640x16xf32, #tpu.memory_space<hbm>>
      %dma_wait3A_15 = arith.constant 0 : i32
      %dma_wait3A_16 = tpu.memref_slice %arg8[%mul3A_2, %dma_wait3A_15] : memref<10240x16xf32, #tpu.memory_space<vmem_shared>> -> memref<640x16xf32, #tpu.memory_space<vmem_shared>>
      tpu.wait_dma2 semaphore(%run_scoped3A : memref<!tpu.dma_semaphore, #tpu.memory_space<semaphore_mem>>) src(%dma_wait3A_16 : memref<640x16xf32, #tpu.memory_space<vmem_shared>>) dst(%dma_wait3A_14 : memref<640x16xf32, #tpu.memory_space<hbm>>)
      tpu.yield
    }) : () -> ()
    return
  }
}

#map = affine_map<(d0, d1) -> (0, 0)>
#map1 = affine_map<(d0, d1) -> (0, 0, 0)>
module attributes {stable_mosaic.version = 14 : i64} {
  func.func @agg(%arg0: i32, %arg1: i32, %arg2: memref<10240x128xf32, #tpu.memory_space<hbm>>, %arg3: memref<32x80x128xi32, #tpu.memory_space<hbm>>, %arg4: memref<32x80x128xi32, #tpu.memory_space<hbm>>, %arg5: memref<10240x128xf32, #tpu.memory_space<hbm>>, %arg6: memref<2x10240x128xf32, #tpu.memory_space<hbm>>, %arg7: memref<40x128xi32, #tpu.memory_space<vmem>>, %arg8: memref<40x128xi32, #tpu.memory_space<vmem>>, %arg9: memref<128x128xf32, #tpu.memory_space<vmem>>, %arg10: memref<128x128xf32, #tpu.memory_space<vmem>>, %arg11: memref<10240x128xf32, #tpu.memory_space<vmem_shared>>, %arg12: memref<!tpu.dma_semaphore, #tpu.memory_space<semaphore_mem>>, %arg13: memref<!tpu.dma_semaphore, #tpu.memory_space<semaphore_mem>>) attributes {dimension_semantics = [#tpu.dimension_semantics<core_parallel>, #tpu.dimension_semantics<subcore_parallel>], iteration_bounds = array<i64: 2, 16>, scalar_prefetch = 0 : i64, scratch_operands = 7 : i64, tpu.core_type = #tpu.core_type<sc_vector_subcore>, window_params = [{transform_indices = #map}, {transform_indices = #map1}, {transform_indices = #map1}, {transform_indices = #map}, {transform_indices = #map1}]} {
    %mul3A = arith.constant 2 : i32
    %mul3A_0 = arith.muli %arg1, %mul3A : i32
    %add3A = arith.addi %mul3A_0, %arg0 : i32
    %mul3A_1 = arith.constant 640 : i32
    %mul3A_2 = arith.muli %arg1, %mul3A_1 : i32
    "tpu.region"() ({
      %run_scoped3A_72 = tpu.sem_alloc : memref<!tpu.dma_semaphore, #tpu.memory_space<semaphore_mem>>
      %dma_start3A_73 = arith.constant 0 : i32
      %dma_start3A_74 = tpu.memref_slice %arg11[%mul3A_2, %dma_start3A_73] : memref<10240x128xf32, #tpu.memory_space<vmem_shared>> -> memref<640x128xf32, #tpu.memory_space<vmem_shared>>
      %dma_start3A_75 = arith.constant 0 : i32
      %dma_start3A_76 = tpu.memref_slice %arg5[%mul3A_2, %dma_start3A_75] : memref<10240x128xf32, #tpu.memory_space<hbm>> -> memref<640x128xf32, #tpu.memory_space<hbm>>
      tpu.enqueue_dma source(%dma_start3A_76 : memref<640x128xf32, #tpu.memory_space<hbm>>) target(%dma_start3A_74 : memref<640x128xf32, #tpu.memory_space<vmem_shared>>) target_semaphore(%run_scoped3A_72 : memref<!tpu.dma_semaphore, #tpu.memory_space<semaphore_mem>>)
      %dma_wait3A_77 = arith.constant 0 : i32
      %dma_wait3A_78 = tpu.memref_slice %arg11[%mul3A_2, %dma_wait3A_77] : memref<10240x128xf32, #tpu.memory_space<vmem_shared>> -> memref<640x128xf32, #tpu.memory_space<vmem_shared>>
      %dma_wait3A_79 = arith.constant 0 : i32
      %dma_wait3A_80 = tpu.memref_slice %arg5[%mul3A_2, %dma_wait3A_79] : memref<10240x128xf32, #tpu.memory_space<hbm>> -> memref<640x128xf32, #tpu.memory_space<hbm>>
      tpu.wait_dma2 semaphore(%run_scoped3A_72 : memref<!tpu.dma_semaphore, #tpu.memory_space<semaphore_mem>>) src(%dma_wait3A_80 : memref<640x128xf32, #tpu.memory_space<hbm>>) dst(%dma_wait3A_78 : memref<640x128xf32, #tpu.memory_space<vmem_shared>>)
      tpu.yield
    }) : () -> ()
    %barrier3A = arith.constant 0 : index
    tpu.barrier barrier_id(%barrier3A)
    "tpu.region"() ({
      %run_scoped3A_72 = tpu.sem_alloc : memref<!tpu.dma_semaphore, #tpu.memory_space<semaphore_mem>>
      %dma_start3A_73 = arith.constant 0 : i32
      %dma_start3A_74 = arith.constant 0 : i32
      %dma_start3A_75 = tpu.memref_slice %arg3[%add3A, %dma_start3A_73, %dma_start3A_74] : memref<32x80x128xi32, #tpu.memory_space<hbm>> -> memref<1x40x128xi32, #tpu.memory_space<hbm>>
      %dma_start3A_76 = tpu.memref_squeeze %dma_start3A_75 : memref<1x40x128xi32, #tpu.memory_space<hbm>> -> memref<40x128xi32, #tpu.memory_space<hbm>>
      %dma_start3A_77 = arith.constant 0 : i32
      %dma_start3A_78 = arith.constant 0 : i32
      %dma_start3A_79 = tpu.memref_slice %arg3[%add3A, %dma_start3A_77, %dma_start3A_78] : memref<32x80x128xi32, #tpu.memory_space<hbm>> -> memref<1x40x128xi32, #tpu.memory_space<hbm>>
      %dma_start3A_80 = tpu.memref_squeeze %dma_start3A_79 : memref<1x40x128xi32, #tpu.memory_space<hbm>> -> memref<40x128xi32, #tpu.memory_space<hbm>>
      tpu.enqueue_dma source(%dma_start3A_80 : memref<40x128xi32, #tpu.memory_space<hbm>>) target(%arg7 : memref<40x128xi32, #tpu.memory_space<vmem>>) target_semaphore(%run_scoped3A_72 : memref<!tpu.dma_semaphore, #tpu.memory_space<semaphore_mem>>)
      %dma_wait3A_81 = arith.constant 0 : i32
      %dma_wait3A_82 = arith.constant 0 : i32
      %dma_wait3A_83 = tpu.memref_slice %arg3[%add3A, %dma_wait3A_81, %dma_wait3A_82] : memref<32x80x128xi32, #tpu.memory_space<hbm>> -> memref<1x40x128xi32, #tpu.memory_space<hbm>>
      %dma_wait3A_84 = tpu.memref_squeeze %dma_wait3A_83 : memref<1x40x128xi32, #tpu.memory_space<hbm>> -> memref<40x128xi32, #tpu.memory_space<hbm>>
      %dma_wait3A_85 = arith.constant 0 : i32
      %dma_wait3A_86 = arith.constant 0 : i32
      %dma_wait3A_87 = tpu.memref_slice %arg3[%add3A, %dma_wait3A_85, %dma_wait3A_86] : memref<32x80x128xi32, #tpu.memory_space<hbm>> -> memref<1x40x128xi32, #tpu.memory_space<hbm>>
      %dma_wait3A_88 = tpu.memref_squeeze %dma_wait3A_87 : memref<1x40x128xi32, #tpu.memory_space<hbm>> -> memref<40x128xi32, #tpu.memory_space<hbm>>
      tpu.wait_dma2 semaphore(%run_scoped3A_72 : memref<!tpu.dma_semaphore, #tpu.memory_space<semaphore_mem>>) src(%dma_wait3A_88 : memref<40x128xi32, #tpu.memory_space<hbm>>) dst(%arg7 : memref<40x128xi32, #tpu.memory_space<vmem>>)
      tpu.yield
    }) : () -> ()
    "tpu.region"() ({
      %run_scoped3A_72 = tpu.sem_alloc : memref<!tpu.dma_semaphore, #tpu.memory_space<semaphore_mem>>
      %dma_start3A_73 = arith.constant 0 : i32
      %dma_start3A_74 = arith.constant 0 : i32
      %dma_start3A_75 = tpu.memref_slice %arg4[%add3A, %dma_start3A_73, %dma_start3A_74] : memref<32x80x128xi32, #tpu.memory_space<hbm>> -> memref<1x40x128xi32, #tpu.memory_space<hbm>>
      %dma_start3A_76 = tpu.memref_squeeze %dma_start3A_75 : memref<1x40x128xi32, #tpu.memory_space<hbm>> -> memref<40x128xi32, #tpu.memory_space<hbm>>
      %dma_start3A_77 = arith.constant 0 : i32
      %dma_start3A_78 = arith.constant 0 : i32
      %dma_start3A_79 = tpu.memref_slice %arg4[%add3A, %dma_start3A_77, %dma_start3A_78] : memref<32x80x128xi32, #tpu.memory_space<hbm>> -> memref<1x40x128xi32, #tpu.memory_space<hbm>>
      %dma_start3A_80 = tpu.memref_squeeze %dma_start3A_79 : memref<1x40x128xi32, #tpu.memory_space<hbm>> -> memref<40x128xi32, #tpu.memory_space<hbm>>
      tpu.enqueue_dma source(%dma_start3A_80 : memref<40x128xi32, #tpu.memory_space<hbm>>) target(%arg8 : memref<40x128xi32, #tpu.memory_space<vmem>>) target_semaphore(%run_scoped3A_72 : memref<!tpu.dma_semaphore, #tpu.memory_space<semaphore_mem>>)
      %dma_wait3A_81 = arith.constant 0 : i32
      %dma_wait3A_82 = arith.constant 0 : i32
      %dma_wait3A_83 = tpu.memref_slice %arg4[%add3A, %dma_wait3A_81, %dma_wait3A_82] : memref<32x80x128xi32, #tpu.memory_space<hbm>> -> memref<1x40x128xi32, #tpu.memory_space<hbm>>
      %dma_wait3A_84 = tpu.memref_squeeze %dma_wait3A_83 : memref<1x40x128xi32, #tpu.memory_space<hbm>> -> memref<40x128xi32, #tpu.memory_space<hbm>>
      %dma_wait3A_85 = arith.constant 0 : i32
      %dma_wait3A_86 = arith.constant 0 : i32
      %dma_wait3A_87 = tpu.memref_slice %arg4[%add3A, %dma_wait3A_85, %dma_wait3A_86] : memref<32x80x128xi32, #tpu.memory_space<hbm>> -> memref<1x40x128xi32, #tpu.memory_space<hbm>>
      %dma_wait3A_88 = tpu.memref_squeeze %dma_wait3A_87 : memref<1x40x128xi32, #tpu.memory_space<hbm>> -> memref<40x128xi32, #tpu.memory_space<hbm>>
      tpu.wait_dma2 semaphore(%run_scoped3A_72 : memref<!tpu.dma_semaphore, #tpu.memory_space<semaphore_mem>>) src(%dma_wait3A_88 : memref<40x128xi32, #tpu.memory_space<hbm>>) dst(%arg8 : memref<40x128xi32, #tpu.memory_space<vmem>>)
      tpu.yield
    }) : () -> ()
    %dma_start3A = arith.constant 0 : i32
    %dma_start3A_3 = arith.constant 0 : i32
    %dma_start3A_4 = tpu.memref_slice %arg7[%dma_start3A, %dma_start3A_3] : memref<40x128xi32, #tpu.memory_space<vmem>> -> memref<1x128xi32, #tpu.memory_space<vmem>>
    %dma_start3A_5 = tpu.memref_squeeze %dma_start3A_4 : memref<1x128xi32, #tpu.memory_space<vmem>> -> memref<128xi32, #tpu.memory_space<vmem>>
    %dma_start3A_6 = arith.constant 0 : i32
    %dma_start3A_7 = arith.constant 0 : i32
    %dma_start3A_8 = tpu.memref_slice %arg2[%dma_start3A_6, %dma_start3A_7] : memref<10240x128xf32, #tpu.memory_space<hbm>> -> memref<10240x128xf32, #tpu.memory_space<hbm>>
    tpu.enqueue_indirect_dma source(%dma_start3A_8 : memref<10240x128xf32, #tpu.memory_space<hbm>>) target(%arg9 : memref<128x128xf32, #tpu.memory_space<vmem>>) offsets(%dma_start3A_5 : memref<128xi32, #tpu.memory_space<vmem>>) semaphore(%arg12 : memref<!tpu.dma_semaphore, #tpu.memory_space<semaphore_mem>>)
    %dma_start3A_9 = arith.constant 1 : i32
    %dma_start3A_10 = arith.constant 0 : i32
    %dma_start3A_11 = tpu.memref_slice %arg7[%dma_start3A_9, %dma_start3A_10] : memref<40x128xi32, #tpu.memory_space<vmem>> -> memref<1x128xi32, #tpu.memory_space<vmem>>
    %dma_start3A_12 = tpu.memref_squeeze %dma_start3A_11 : memref<1x128xi32, #tpu.memory_space<vmem>> -> memref<128xi32, #tpu.memory_space<vmem>>
    %dma_start3A_13 = arith.constant 0 : i32
    %dma_start3A_14 = arith.constant 0 : i32
    %dma_start3A_15 = tpu.memref_slice %arg2[%dma_start3A_13, %dma_start3A_14] : memref<10240x128xf32, #tpu.memory_space<hbm>> -> memref<10240x128xf32, #tpu.memory_space<hbm>>
    tpu.enqueue_indirect_dma source(%dma_start3A_15 : memref<10240x128xf32, #tpu.memory_space<hbm>>) target(%arg10 : memref<128x128xf32, #tpu.memory_space<vmem>>) offsets(%dma_start3A_12 : memref<128xi32, #tpu.memory_space<vmem>>) semaphore(%arg13 : memref<!tpu.dma_semaphore, #tpu.memory_space<semaphore_mem>>)
    %scan3A = arith.constant 0 : i32
    %scan3A_16 = arith.constant 0 : i32
    %scan3A_17 = arith.constant 19 : i32
    %scan3A_18 = arith.addi %scan3A_16, %scan3A_17 : i32
    %scan3A_19 = arith.constant 1 : i32
    scf.for %scan3A_72 = %scan3A_16 to %scan3A_18 step %scan3A_19  : i32 {
      %mul3A_73 = arith.constant 2 : i32
      %mul3A_74 = arith.muli %mul3A_73, %scan3A_72 : i32
      %dma_wait3A_75 = arith.constant 0 : i32
      %dma_wait3A_76 = arith.constant 0 : i32
      %dma_wait3A_77 = tpu.memref_slice %arg7[%dma_wait3A_75, %dma_wait3A_76] : memref<40x128xi32, #tpu.memory_space<vmem>> -> memref<1x128xi32, #tpu.memory_space<vmem>>
      %dma_wait3A_78 = tpu.memref_squeeze %dma_wait3A_77 : memref<1x128xi32, #tpu.memory_space<vmem>> -> memref<128xi32, #tpu.memory_space<vmem>>
      %dma_wait3A_79 = arith.constant 0 : i32
      %dma_wait3A_80 = arith.constant 0 : i32
      %dma_wait3A_81 = tpu.memref_slice %arg2[%dma_wait3A_79, %dma_wait3A_80] : memref<10240x128xf32, #tpu.memory_space<hbm>> -> memref<10240x128xf32, #tpu.memory_space<hbm>>
      tpu.wait_indirect_dma semaphore(%arg12 : memref<!tpu.dma_semaphore, #tpu.memory_space<semaphore_mem>>) src(%dma_wait3A_81 : memref<10240x128xf32, #tpu.memory_space<hbm>>) dst(%arg9 : memref<128x128xf32, #tpu.memory_space<vmem>>)
      "tpu.region"() ({
        %run_scoped3A_107 = tpu.sem_alloc : memref<!tpu.dma_semaphore, #tpu.memory_space<semaphore_mem>>
        %dma_start3A_108 = arith.constant 0 : i32
        %dma_start3A_109 = tpu.memref_slice %arg8[%mul3A_74, %dma_start3A_108] : memref<40x128xi32, #tpu.memory_space<vmem>> -> memref<1x128xi32, #tpu.memory_space<vmem>>
        %dma_start3A_110 = tpu.memref_squeeze %dma_start3A_109 : memref<1x128xi32, #tpu.memory_space<vmem>> -> memref<128xi32, #tpu.memory_space<vmem>>
        %dma_start3A_111 = arith.constant 0 : i32
        %dma_start3A_112 = arith.constant 0 : i32
        %dma_start3A_113 = tpu.memref_slice %arg11[%dma_start3A_111, %dma_start3A_112] : memref<10240x128xf32, #tpu.memory_space<vmem_shared>> -> memref<10240x128xf32, #tpu.memory_space<vmem_shared>>
        tpu.enqueue_indirect_dma source(%arg9 : memref<128x128xf32, #tpu.memory_space<vmem>>) target(%dma_start3A_113 : memref<10240x128xf32, #tpu.memory_space<vmem_shared>>) offsets(%dma_start3A_110 : memref<128xi32, #tpu.memory_space<vmem>>) semaphore(%run_scoped3A_107 : memref<!tpu.dma_semaphore, #tpu.memory_space<semaphore_mem>>) {add = true}
        %dma_wait3A_114 = arith.constant 0 : i32
        %dma_wait3A_115 = tpu.memref_slice %arg8[%mul3A_74, %dma_wait3A_114] : memref<40x128xi32, #tpu.memory_space<vmem>> -> memref<1x128xi32, #tpu.memory_space<vmem>>
        %dma_wait3A_116 = tpu.memref_squeeze %dma_wait3A_115 : memref<1x128xi32, #tpu.memory_space<vmem>> -> memref<128xi32, #tpu.memory_space<vmem>>
        %dma_wait3A_117 = arith.constant 0 : i32
        %dma_wait3A_118 = arith.constant 0 : i32
        %dma_wait3A_119 = tpu.memref_slice %arg11[%dma_wait3A_117, %dma_wait3A_118] : memref<10240x128xf32, #tpu.memory_space<vmem_shared>> -> memref<10240x128xf32, #tpu.memory_space<vmem_shared>>
        tpu.wait_indirect_dma semaphore(%run_scoped3A_107 : memref<!tpu.dma_semaphore, #tpu.memory_space<semaphore_mem>>) src(%arg9 : memref<128x128xf32, #tpu.memory_space<vmem>>) dst(%dma_wait3A_119 : memref<10240x128xf32, #tpu.memory_space<vmem_shared>>)
        tpu.yield
      }) : () -> ()
      %add3A_82 = arith.constant 2 : i32
      %add3A_83 = arith.addi %mul3A_74, %add3A_82 : i32
      %dma_start3A_84 = arith.constant 0 : i32
      %dma_start3A_85 = tpu.memref_slice %arg7[%add3A_83, %dma_start3A_84] : memref<40x128xi32, #tpu.memory_space<vmem>> -> memref<1x128xi32, #tpu.memory_space<vmem>>
      %dma_start3A_86 = tpu.memref_squeeze %dma_start3A_85 : memref<1x128xi32, #tpu.memory_space<vmem>> -> memref<128xi32, #tpu.memory_space<vmem>>
      %dma_start3A_87 = arith.constant 0 : i32
      %dma_start3A_88 = arith.constant 0 : i32
      %dma_start3A_89 = tpu.memref_slice %arg2[%dma_start3A_87, %dma_start3A_88] : memref<10240x128xf32, #tpu.memory_space<hbm>> -> memref<10240x128xf32, #tpu.memory_space<hbm>>
      tpu.enqueue_indirect_dma source(%dma_start3A_89 : memref<10240x128xf32, #tpu.memory_space<hbm>>) target(%arg9 : memref<128x128xf32, #tpu.memory_space<vmem>>) offsets(%dma_start3A_86 : memref<128xi32, #tpu.memory_space<vmem>>) semaphore(%arg12 : memref<!tpu.dma_semaphore, #tpu.memory_space<semaphore_mem>>)
      %add3A_90 = arith.constant 1 : i32
      %add3A_91 = arith.addi %mul3A_74, %add3A_90 : i32
      %dma_wait3A_92 = arith.constant 0 : i32
      %dma_wait3A_93 = arith.constant 0 : i32
      %dma_wait3A_94 = tpu.memref_slice %arg7[%dma_wait3A_92, %dma_wait3A_93] : memref<40x128xi32, #tpu.memory_space<vmem>> -> memref<1x128xi32, #tpu.memory_space<vmem>>
      %dma_wait3A_95 = tpu.memref_squeeze %dma_wait3A_94 : memref<1x128xi32, #tpu.memory_space<vmem>> -> memref<128xi32, #tpu.memory_space<vmem>>
      %dma_wait3A_96 = arith.constant 0 : i32
      %dma_wait3A_97 = arith.constant 0 : i32
      %dma_wait3A_98 = tpu.memref_slice %arg2[%dma_wait3A_96, %dma_wait3A_97] : memref<10240x128xf32, #tpu.memory_space<hbm>> -> memref<10240x128xf32, #tpu.memory_space<hbm>>
      tpu.wait_indirect_dma semaphore(%arg13 : memref<!tpu.dma_semaphore, #tpu.memory_space<semaphore_mem>>) src(%dma_wait3A_98 : memref<10240x128xf32, #tpu.memory_space<hbm>>) dst(%arg10 : memref<128x128xf32, #tpu.memory_space<vmem>>)
      "tpu.region"() ({
        %run_scoped3A_107 = tpu.sem_alloc : memref<!tpu.dma_semaphore, #tpu.memory_space<semaphore_mem>>
        %dma_start3A_108 = arith.constant 0 : i32
        %dma_start3A_109 = tpu.memref_slice %arg8[%add3A_91, %dma_start3A_108] : memref<40x128xi32, #tpu.memory_space<vmem>> -> memref<1x128xi32, #tpu.memory_space<vmem>>
        %dma_start3A_110 = tpu.memref_squeeze %dma_start3A_109 : memref<1x128xi32, #tpu.memory_space<vmem>> -> memref<128xi32, #tpu.memory_space<vmem>>
        %dma_start3A_111 = arith.constant 0 : i32
        %dma_start3A_112 = arith.constant 0 : i32
        %dma_start3A_113 = tpu.memref_slice %arg11[%dma_start3A_111, %dma_start3A_112] : memref<10240x128xf32, #tpu.memory_space<vmem_shared>> -> memref<10240x128xf32, #tpu.memory_space<vmem_shared>>
        tpu.enqueue_indirect_dma source(%arg10 : memref<128x128xf32, #tpu.memory_space<vmem>>) target(%dma_start3A_113 : memref<10240x128xf32, #tpu.memory_space<vmem_shared>>) offsets(%dma_start3A_110 : memref<128xi32, #tpu.memory_space<vmem>>) semaphore(%run_scoped3A_107 : memref<!tpu.dma_semaphore, #tpu.memory_space<semaphore_mem>>) {add = true}
        %dma_wait3A_114 = arith.constant 0 : i32
        %dma_wait3A_115 = tpu.memref_slice %arg8[%add3A_91, %dma_wait3A_114] : memref<40x128xi32, #tpu.memory_space<vmem>> -> memref<1x128xi32, #tpu.memory_space<vmem>>
        %dma_wait3A_116 = tpu.memref_squeeze %dma_wait3A_115 : memref<1x128xi32, #tpu.memory_space<vmem>> -> memref<128xi32, #tpu.memory_space<vmem>>
        %dma_wait3A_117 = arith.constant 0 : i32
        %dma_wait3A_118 = arith.constant 0 : i32
        %dma_wait3A_119 = tpu.memref_slice %arg11[%dma_wait3A_117, %dma_wait3A_118] : memref<10240x128xf32, #tpu.memory_space<vmem_shared>> -> memref<10240x128xf32, #tpu.memory_space<vmem_shared>>
        tpu.wait_indirect_dma semaphore(%run_scoped3A_107 : memref<!tpu.dma_semaphore, #tpu.memory_space<semaphore_mem>>) src(%arg10 : memref<128x128xf32, #tpu.memory_space<vmem>>) dst(%dma_wait3A_119 : memref<10240x128xf32, #tpu.memory_space<vmem_shared>>)
        tpu.yield
      }) : () -> ()
      %add3A_99 = arith.constant 3 : i32
      %add3A_100 = arith.addi %mul3A_74, %add3A_99 : i32
      %dma_start3A_101 = arith.constant 0 : i32
      %dma_start3A_102 = tpu.memref_slice %arg7[%add3A_100, %dma_start3A_101] : memref<40x128xi32, #tpu.memory_space<vmem>> -> memref<1x128xi32, #tpu.memory_space<vmem>>
      %dma_start3A_103 = tpu.memref_squeeze %dma_start3A_102 : memref<1x128xi32, #tpu.memory_space<vmem>> -> memref<128xi32, #tpu.memory_space<vmem>>
      %dma_start3A_104 = arith.constant 0 : i32
      %dma_start3A_105 = arith.constant 0 : i32
      %dma_start3A_106 = tpu.memref_slice %arg2[%dma_start3A_104, %dma_start3A_105] : memref<10240x128xf32, #tpu.memory_space<hbm>> -> memref<10240x128xf32, #tpu.memory_space<hbm>>
      tpu.enqueue_indirect_dma source(%dma_start3A_106 : memref<10240x128xf32, #tpu.memory_space<hbm>>) target(%arg10 : memref<128x128xf32, #tpu.memory_space<vmem>>) offsets(%dma_start3A_103 : memref<128xi32, #tpu.memory_space<vmem>>) semaphore(%arg13 : memref<!tpu.dma_semaphore, #tpu.memory_space<semaphore_mem>>)
    }
    %scan3A_20 = arith.constant 19 : i32
    %dma_wait3A = arith.constant 0 : i32
    %dma_wait3A_21 = arith.constant 0 : i32
    %dma_wait3A_22 = tpu.memref_slice %arg7[%dma_wait3A, %dma_wait3A_21] : memref<40x128xi32, #tpu.memory_space<vmem>> -> memref<1x128xi32, #tpu.memory_space<vmem>>
    %dma_wait3A_23 = tpu.memref_squeeze %dma_wait3A_22 : memref<1x128xi32, #tpu.memory_space<vmem>> -> memref<128xi32, #tpu.memory_space<vmem>>
    %dma_wait3A_24 = arith.constant 0 : i32
    %dma_wait3A_25 = arith.constant 0 : i32
    %dma_wait3A_26 = tpu.memref_slice %arg2[%dma_wait3A_24, %dma_wait3A_25] : memref<10240x128xf32, #tpu.memory_space<hbm>> -> memref<10240x128xf32, #tpu.memory_space<hbm>>
    tpu.wait_indirect_dma semaphore(%arg12 : memref<!tpu.dma_semaphore, #tpu.memory_space<semaphore_mem>>) src(%dma_wait3A_26 : memref<10240x128xf32, #tpu.memory_space<hbm>>) dst(%arg9 : memref<128x128xf32, #tpu.memory_space<vmem>>)
    %run_scoped3A = arith.constant 38 : i32
    "tpu.region"() ({
      %run_scoped3A_72 = tpu.sem_alloc : memref<!tpu.dma_semaphore, #tpu.memory_space<semaphore_mem>>
      %dma_start3A_73 = arith.constant 0 : i32
      %dma_start3A_74 = tpu.memref_slice %arg8[%run_scoped3A, %dma_start3A_73] : memref<40x128xi32, #tpu.memory_space<vmem>> -> memref<1x128xi32, #tpu.memory_space<vmem>>
      %dma_start3A_75 = tpu.memref_squeeze %dma_start3A_74 : memref<1x128xi32, #tpu.memory_space<vmem>> -> memref<128xi32, #tpu.memory_space<vmem>>
      %dma_start3A_76 = arith.constant 0 : i32
      %dma_start3A_77 = arith.constant 0 : i32
      %dma_start3A_78 = tpu.memref_slice %arg11[%dma_start3A_76, %dma_start3A_77] : memref<10240x128xf32, #tpu.memory_space<vmem_shared>> -> memref<10240x128xf32, #tpu.memory_space<vmem_shared>>
      tpu.enqueue_indirect_dma source(%arg9 : memref<128x128xf32, #tpu.memory_space<vmem>>) target(%dma_start3A_78 : memref<10240x128xf32, #tpu.memory_space<vmem_shared>>) offsets(%dma_start3A_75 : memref<128xi32, #tpu.memory_space<vmem>>) semaphore(%run_scoped3A_72 : memref<!tpu.dma_semaphore, #tpu.memory_space<semaphore_mem>>) {add = true}
      %dma_wait3A_79 = arith.constant 0 : i32
      %dma_wait3A_80 = tpu.memref_slice %arg8[%run_scoped3A, %dma_wait3A_79] : memref<40x128xi32, #tpu.memory_space<vmem>> -> memref<1x128xi32, #tpu.memory_space<vmem>>
      %dma_wait3A_81 = tpu.memref_squeeze %dma_wait3A_80 : memref<1x128xi32, #tpu.memory_space<vmem>> -> memref<128xi32, #tpu.memory_space<vmem>>
      %dma_wait3A_82 = arith.constant 0 : i32
      %dma_wait3A_83 = arith.constant 0 : i32
      %dma_wait3A_84 = tpu.memref_slice %arg11[%dma_wait3A_82, %dma_wait3A_83] : memref<10240x128xf32, #tpu.memory_space<vmem_shared>> -> memref<10240x128xf32, #tpu.memory_space<vmem_shared>>
      tpu.wait_indirect_dma semaphore(%run_scoped3A_72 : memref<!tpu.dma_semaphore, #tpu.memory_space<semaphore_mem>>) src(%arg9 : memref<128x128xf32, #tpu.memory_space<vmem>>) dst(%dma_wait3A_84 : memref<10240x128xf32, #tpu.memory_space<vmem_shared>>)
      tpu.yield
    }) : () -> ()
    %dma_wait3A_27 = arith.constant 0 : i32
    %dma_wait3A_28 = arith.constant 0 : i32
    %dma_wait3A_29 = tpu.memref_slice %arg7[%dma_wait3A_27, %dma_wait3A_28] : memref<40x128xi32, #tpu.memory_space<vmem>> -> memref<1x128xi32, #tpu.memory_space<vmem>>
    %dma_wait3A_30 = tpu.memref_squeeze %dma_wait3A_29 : memref<1x128xi32, #tpu.memory_space<vmem>> -> memref<128xi32, #tpu.memory_space<vmem>>
    %dma_wait3A_31 = arith.constant 0 : i32
    %dma_wait3A_32 = arith.constant 0 : i32
    %dma_wait3A_33 = tpu.memref_slice %arg2[%dma_wait3A_31, %dma_wait3A_32] : memref<10240x128xf32, #tpu.memory_space<hbm>> -> memref<10240x128xf32, #tpu.memory_space<hbm>>
    tpu.wait_indirect_dma semaphore(%arg13 : memref<!tpu.dma_semaphore, #tpu.memory_space<semaphore_mem>>) src(%dma_wait3A_33 : memref<10240x128xf32, #tpu.memory_space<hbm>>) dst(%arg10 : memref<128x128xf32, #tpu.memory_space<vmem>>)
    %run_scoped3A_34 = arith.constant 39 : i32
    "tpu.region"() ({
      %run_scoped3A_72 = tpu.sem_alloc : memref<!tpu.dma_semaphore, #tpu.memory_space<semaphore_mem>>
      %dma_start3A_73 = arith.constant 0 : i32
      %dma_start3A_74 = tpu.memref_slice %arg8[%run_scoped3A_34, %dma_start3A_73] : memref<40x128xi32, #tpu.memory_space<vmem>> -> memref<1x128xi32, #tpu.memory_space<vmem>>
      %dma_start3A_75 = tpu.memref_squeeze %dma_start3A_74 : memref<1x128xi32, #tpu.memory_space<vmem>> -> memref<128xi32, #tpu.memory_space<vmem>>
      %dma_start3A_76 = arith.constant 0 : i32
      %dma_start3A_77 = arith.constant 0 : i32
      %dma_start3A_78 = tpu.memref_slice %arg11[%dma_start3A_76, %dma_start3A_77] : memref<10240x128xf32, #tpu.memory_space<vmem_shared>> -> memref<10240x128xf32, #tpu.memory_space<vmem_shared>>
      tpu.enqueue_indirect_dma source(%arg10 : memref<128x128xf32, #tpu.memory_space<vmem>>) target(%dma_start3A_78 : memref<10240x128xf32, #tpu.memory_space<vmem_shared>>) offsets(%dma_start3A_75 : memref<128xi32, #tpu.memory_space<vmem>>) semaphore(%run_scoped3A_72 : memref<!tpu.dma_semaphore, #tpu.memory_space<semaphore_mem>>) {add = true}
      %dma_wait3A_79 = arith.constant 0 : i32
      %dma_wait3A_80 = tpu.memref_slice %arg8[%run_scoped3A_34, %dma_wait3A_79] : memref<40x128xi32, #tpu.memory_space<vmem>> -> memref<1x128xi32, #tpu.memory_space<vmem>>
      %dma_wait3A_81 = tpu.memref_squeeze %dma_wait3A_80 : memref<1x128xi32, #tpu.memory_space<vmem>> -> memref<128xi32, #tpu.memory_space<vmem>>
      %dma_wait3A_82 = arith.constant 0 : i32
      %dma_wait3A_83 = arith.constant 0 : i32
      %dma_wait3A_84 = tpu.memref_slice %arg11[%dma_wait3A_82, %dma_wait3A_83] : memref<10240x128xf32, #tpu.memory_space<vmem_shared>> -> memref<10240x128xf32, #tpu.memory_space<vmem_shared>>
      tpu.wait_indirect_dma semaphore(%run_scoped3A_72 : memref<!tpu.dma_semaphore, #tpu.memory_space<semaphore_mem>>) src(%arg10 : memref<128x128xf32, #tpu.memory_space<vmem>>) dst(%dma_wait3A_84 : memref<10240x128xf32, #tpu.memory_space<vmem_shared>>)
      tpu.yield
    }) : () -> ()
    "tpu.region"() ({
      %run_scoped3A_72 = tpu.sem_alloc : memref<!tpu.dma_semaphore, #tpu.memory_space<semaphore_mem>>
      %dma_start3A_73 = arith.constant 40 : i32
      %dma_start3A_74 = arith.constant 0 : i32
      %dma_start3A_75 = tpu.memref_slice %arg3[%add3A, %dma_start3A_73, %dma_start3A_74] : memref<32x80x128xi32, #tpu.memory_space<hbm>> -> memref<1x40x128xi32, #tpu.memory_space<hbm>>
      %dma_start3A_76 = tpu.memref_squeeze %dma_start3A_75 : memref<1x40x128xi32, #tpu.memory_space<hbm>> -> memref<40x128xi32, #tpu.memory_space<hbm>>
      %dma_start3A_77 = arith.constant 40 : i32
      %dma_start3A_78 = arith.constant 0 : i32
      %dma_start3A_79 = tpu.memref_slice %arg3[%add3A, %dma_start3A_77, %dma_start3A_78] : memref<32x80x128xi32, #tpu.memory_space<hbm>> -> memref<1x40x128xi32, #tpu.memory_space<hbm>>
      %dma_start3A_80 = tpu.memref_squeeze %dma_start3A_79 : memref<1x40x128xi32, #tpu.memory_space<hbm>> -> memref<40x128xi32, #tpu.memory_space<hbm>>
      tpu.enqueue_dma source(%dma_start3A_80 : memref<40x128xi32, #tpu.memory_space<hbm>>) target(%arg7 : memref<40x128xi32, #tpu.memory_space<vmem>>) target_semaphore(%run_scoped3A_72 : memref<!tpu.dma_semaphore, #tpu.memory_space<semaphore_mem>>)
      %dma_wait3A_81 = arith.constant 40 : i32
      %dma_wait3A_82 = arith.constant 0 : i32
      %dma_wait3A_83 = tpu.memref_slice %arg3[%add3A, %dma_wait3A_81, %dma_wait3A_82] : memref<32x80x128xi32, #tpu.memory_space<hbm>> -> memref<1x40x128xi32, #tpu.memory_space<hbm>>
      %dma_wait3A_84 = tpu.memref_squeeze %dma_wait3A_83 : memref<1x40x128xi32, #tpu.memory_space<hbm>> -> memref<40x128xi32, #tpu.memory_space<hbm>>
      %dma_wait3A_85 = arith.constant 40 : i32
      %dma_wait3A_86 = arith.constant 0 : i32
      %dma_wait3A_87 = tpu.memref_slice %arg3[%add3A, %dma_wait3A_85, %dma_wait3A_86] : memref<32x80x128xi32, #tpu.memory_space<hbm>> -> memref<1x40x128xi32, #tpu.memory_space<hbm>>
      %dma_wait3A_88 = tpu.memref_squeeze %dma_wait3A_87 : memref<1x40x128xi32, #tpu.memory_space<hbm>> -> memref<40x128xi32, #tpu.memory_space<hbm>>
      tpu.wait_dma2 semaphore(%run_scoped3A_72 : memref<!tpu.dma_semaphore, #tpu.memory_space<semaphore_mem>>) src(%dma_wait3A_88 : memref<40x128xi32, #tpu.memory_space<hbm>>) dst(%arg7 : memref<40x128xi32, #tpu.memory_space<vmem>>)
      tpu.yield
    }) : () -> ()
    "tpu.region"() ({
      %run_scoped3A_72 = tpu.sem_alloc : memref<!tpu.dma_semaphore, #tpu.memory_space<semaphore_mem>>
      %dma_start3A_73 = arith.constant 40 : i32
      %dma_start3A_74 = arith.constant 0 : i32
      %dma_start3A_75 = tpu.memref_slice %arg4[%add3A, %dma_start3A_73, %dma_start3A_74] : memref<32x80x128xi32, #tpu.memory_space<hbm>> -> memref<1x40x128xi32, #tpu.memory_space<hbm>>
      %dma_start3A_76 = tpu.memref_squeeze %dma_start3A_75 : memref<1x40x128xi32, #tpu.memory_space<hbm>> -> memref<40x128xi32, #tpu.memory_space<hbm>>
      %dma_start3A_77 = arith.constant 40 : i32
      %dma_start3A_78 = arith.constant 0 : i32
      %dma_start3A_79 = tpu.memref_slice %arg4[%add3A, %dma_start3A_77, %dma_start3A_78] : memref<32x80x128xi32, #tpu.memory_space<hbm>> -> memref<1x40x128xi32, #tpu.memory_space<hbm>>
      %dma_start3A_80 = tpu.memref_squeeze %dma_start3A_79 : memref<1x40x128xi32, #tpu.memory_space<hbm>> -> memref<40x128xi32, #tpu.memory_space<hbm>>
      tpu.enqueue_dma source(%dma_start3A_80 : memref<40x128xi32, #tpu.memory_space<hbm>>) target(%arg8 : memref<40x128xi32, #tpu.memory_space<vmem>>) target_semaphore(%run_scoped3A_72 : memref<!tpu.dma_semaphore, #tpu.memory_space<semaphore_mem>>)
      %dma_wait3A_81 = arith.constant 40 : i32
      %dma_wait3A_82 = arith.constant 0 : i32
      %dma_wait3A_83 = tpu.memref_slice %arg4[%add3A, %dma_wait3A_81, %dma_wait3A_82] : memref<32x80x128xi32, #tpu.memory_space<hbm>> -> memref<1x40x128xi32, #tpu.memory_space<hbm>>
      %dma_wait3A_84 = tpu.memref_squeeze %dma_wait3A_83 : memref<1x40x128xi32, #tpu.memory_space<hbm>> -> memref<40x128xi32, #tpu.memory_space<hbm>>
      %dma_wait3A_85 = arith.constant 40 : i32
      %dma_wait3A_86 = arith.constant 0 : i32
      %dma_wait3A_87 = tpu.memref_slice %arg4[%add3A, %dma_wait3A_85, %dma_wait3A_86] : memref<32x80x128xi32, #tpu.memory_space<hbm>> -> memref<1x40x128xi32, #tpu.memory_space<hbm>>
      %dma_wait3A_88 = tpu.memref_squeeze %dma_wait3A_87 : memref<1x40x128xi32, #tpu.memory_space<hbm>> -> memref<40x128xi32, #tpu.memory_space<hbm>>
      tpu.wait_dma2 semaphore(%run_scoped3A_72 : memref<!tpu.dma_semaphore, #tpu.memory_space<semaphore_mem>>) src(%dma_wait3A_88 : memref<40x128xi32, #tpu.memory_space<hbm>>) dst(%arg8 : memref<40x128xi32, #tpu.memory_space<vmem>>)
      tpu.yield
    }) : () -> ()
    %dma_start3A_35 = arith.constant 0 : i32
    %dma_start3A_36 = arith.constant 0 : i32
    %dma_start3A_37 = tpu.memref_slice %arg7[%dma_start3A_35, %dma_start3A_36] : memref<40x128xi32, #tpu.memory_space<vmem>> -> memref<1x128xi32, #tpu.memory_space<vmem>>
    %dma_start3A_38 = tpu.memref_squeeze %dma_start3A_37 : memref<1x128xi32, #tpu.memory_space<vmem>> -> memref<128xi32, #tpu.memory_space<vmem>>
    %dma_start3A_39 = arith.constant 0 : i32
    %dma_start3A_40 = arith.constant 0 : i32
    %dma_start3A_41 = tpu.memref_slice %arg2[%dma_start3A_39, %dma_start3A_40] : memref<10240x128xf32, #tpu.memory_space<hbm>> -> memref<10240x128xf32, #tpu.memory_space<hbm>>
    tpu.enqueue_indirect_dma source(%dma_start3A_41 : memref<10240x128xf32, #tpu.memory_space<hbm>>) target(%arg9 : memref<128x128xf32, #tpu.memory_space<vmem>>) offsets(%dma_start3A_38 : memref<128xi32, #tpu.memory_space<vmem>>) semaphore(%arg12 : memref<!tpu.dma_semaphore, #tpu.memory_space<semaphore_mem>>)
    %dma_start3A_42 = arith.constant 1 : i32
    %dma_start3A_43 = arith.constant 0 : i32
    %dma_start3A_44 = tpu.memref_slice %arg7[%dma_start3A_42, %dma_start3A_43] : memref<40x128xi32, #tpu.memory_space<vmem>> -> memref<1x128xi32, #tpu.memory_space<vmem>>
    %dma_start3A_45 = tpu.memref_squeeze %dma_start3A_44 : memref<1x128xi32, #tpu.memory_space<vmem>> -> memref<128xi32, #tpu.memory_space<vmem>>
    %dma_start3A_46 = arith.constant 0 : i32
    %dma_start3A_47 = arith.constant 0 : i32
    %dma_start3A_48 = tpu.memref_slice %arg2[%dma_start3A_46, %dma_start3A_47] : memref<10240x128xf32, #tpu.memory_space<hbm>> -> memref<10240x128xf32, #tpu.memory_space<hbm>>
    tpu.enqueue_indirect_dma source(%dma_start3A_48 : memref<10240x128xf32, #tpu.memory_space<hbm>>) target(%arg10 : memref<128x128xf32, #tpu.memory_space<vmem>>) offsets(%dma_start3A_45 : memref<128xi32, #tpu.memory_space<vmem>>) semaphore(%arg13 : memref<!tpu.dma_semaphore, #tpu.memory_space<semaphore_mem>>)
    %scan3A_49 = arith.constant 0 : i32
    %scan3A_50 = arith.constant 0 : i32
    %scan3A_51 = arith.constant 19 : i32
    %scan3A_52 = arith.addi %scan3A_50, %scan3A_51 : i32
    %scan3A_53 = arith.constant 1 : i32
    scf.for %scan3A_72 = %scan3A_50 to %scan3A_52 step %scan3A_53  : i32 {
      %mul3A_73 = arith.constant 2 : i32
      %mul3A_74 = arith.muli %mul3A_73, %scan3A_72 : i32
      %dma_wait3A_75 = arith.constant 0 : i32
      %dma_wait3A_76 = arith.constant 0 : i32
      %dma_wait3A_77 = tpu.memref_slice %arg7[%dma_wait3A_75, %dma_wait3A_76] : memref<40x128xi32, #tpu.memory_space<vmem>> -> memref<1x128xi32, #tpu.memory_space<vmem>>
      %dma_wait3A_78 = tpu.memref_squeeze %dma_wait3A_77 : memref<1x128xi32, #tpu.memory_space<vmem>> -> memref<128xi32, #tpu.memory_space<vmem>>
      %dma_wait3A_79 = arith.constant 0 : i32
      %dma_wait3A_80 = arith.constant 0 : i32
      %dma_wait3A_81 = tpu.memref_slice %arg2[%dma_wait3A_79, %dma_wait3A_80] : memref<10240x128xf32, #tpu.memory_space<hbm>> -> memref<10240x128xf32, #tpu.memory_space<hbm>>
      tpu.wait_indirect_dma semaphore(%arg12 : memref<!tpu.dma_semaphore, #tpu.memory_space<semaphore_mem>>) src(%dma_wait3A_81 : memref<10240x128xf32, #tpu.memory_space<hbm>>) dst(%arg9 : memref<128x128xf32, #tpu.memory_space<vmem>>)
      "tpu.region"() ({
        %run_scoped3A_107 = tpu.sem_alloc : memref<!tpu.dma_semaphore, #tpu.memory_space<semaphore_mem>>
        %dma_start3A_108 = arith.constant 0 : i32
        %dma_start3A_109 = tpu.memref_slice %arg8[%mul3A_74, %dma_start3A_108] : memref<40x128xi32, #tpu.memory_space<vmem>> -> memref<1x128xi32, #tpu.memory_space<vmem>>
        %dma_start3A_110 = tpu.memref_squeeze %dma_start3A_109 : memref<1x128xi32, #tpu.memory_space<vmem>> -> memref<128xi32, #tpu.memory_space<vmem>>
        %dma_start3A_111 = arith.constant 0 : i32
        %dma_start3A_112 = arith.constant 0 : i32
        %dma_start3A_113 = tpu.memref_slice %arg11[%dma_start3A_111, %dma_start3A_112] : memref<10240x128xf32, #tpu.memory_space<vmem_shared>> -> memref<10240x128xf32, #tpu.memory_space<vmem_shared>>
        tpu.enqueue_indirect_dma source(%arg9 : memref<128x128xf32, #tpu.memory_space<vmem>>) target(%dma_start3A_113 : memref<10240x128xf32, #tpu.memory_space<vmem_shared>>) offsets(%dma_start3A_110 : memref<128xi32, #tpu.memory_space<vmem>>) semaphore(%run_scoped3A_107 : memref<!tpu.dma_semaphore, #tpu.memory_space<semaphore_mem>>) {add = true}
        %dma_wait3A_114 = arith.constant 0 : i32
        %dma_wait3A_115 = tpu.memref_slice %arg8[%mul3A_74, %dma_wait3A_114] : memref<40x128xi32, #tpu.memory_space<vmem>> -> memref<1x128xi32, #tpu.memory_space<vmem>>
        %dma_wait3A_116 = tpu.memref_squeeze %dma_wait3A_115 : memref<1x128xi32, #tpu.memory_space<vmem>> -> memref<128xi32, #tpu.memory_space<vmem>>
        %dma_wait3A_117 = arith.constant 0 : i32
        %dma_wait3A_118 = arith.constant 0 : i32
        %dma_wait3A_119 = tpu.memref_slice %arg11[%dma_wait3A_117, %dma_wait3A_118] : memref<10240x128xf32, #tpu.memory_space<vmem_shared>> -> memref<10240x128xf32, #tpu.memory_space<vmem_shared>>
        tpu.wait_indirect_dma semaphore(%run_scoped3A_107 : memref<!tpu.dma_semaphore, #tpu.memory_space<semaphore_mem>>) src(%arg9 : memref<128x128xf32, #tpu.memory_space<vmem>>) dst(%dma_wait3A_119 : memref<10240x128xf32, #tpu.memory_space<vmem_shared>>)
        tpu.yield
      }) : () -> ()
      %add3A_82 = arith.constant 2 : i32
      %add3A_83 = arith.addi %mul3A_74, %add3A_82 : i32
      %dma_start3A_84 = arith.constant 0 : i32
      %dma_start3A_85 = tpu.memref_slice %arg7[%add3A_83, %dma_start3A_84] : memref<40x128xi32, #tpu.memory_space<vmem>> -> memref<1x128xi32, #tpu.memory_space<vmem>>
      %dma_start3A_86 = tpu.memref_squeeze %dma_start3A_85 : memref<1x128xi32, #tpu.memory_space<vmem>> -> memref<128xi32, #tpu.memory_space<vmem>>
      %dma_start3A_87 = arith.constant 0 : i32
      %dma_start3A_88 = arith.constant 0 : i32
      %dma_start3A_89 = tpu.memref_slice %arg2[%dma_start3A_87, %dma_start3A_88] : memref<10240x128xf32, #tpu.memory_space<hbm>> -> memref<10240x128xf32, #tpu.memory_space<hbm>>
      tpu.enqueue_indirect_dma source(%dma_start3A_89 : memref<10240x128xf32, #tpu.memory_space<hbm>>) target(%arg9 : memref<128x128xf32, #tpu.memory_space<vmem>>) offsets(%dma_start3A_86 : memref<128xi32, #tpu.memory_space<vmem>>) semaphore(%arg12 : memref<!tpu.dma_semaphore, #tpu.memory_space<semaphore_mem>>)
      %add3A_90 = arith.constant 1 : i32
      %add3A_91 = arith.addi %mul3A_74, %add3A_90 : i32
      %dma_wait3A_92 = arith.constant 0 : i32
      %dma_wait3A_93 = arith.constant 0 : i32
      %dma_wait3A_94 = tpu.memref_slice %arg7[%dma_wait3A_92, %dma_wait3A_93] : memref<40x128xi32, #tpu.memory_space<vmem>> -> memref<1x128xi32, #tpu.memory_space<vmem>>
      %dma_wait3A_95 = tpu.memref_squeeze %dma_wait3A_94 : memref<1x128xi32, #tpu.memory_space<vmem>> -> memref<128xi32, #tpu.memory_space<vmem>>
      %dma_wait3A_96 = arith.constant 0 : i32
      %dma_wait3A_97 = arith.constant 0 : i32
      %dma_wait3A_98 = tpu.memref_slice %arg2[%dma_wait3A_96, %dma_wait3A_97] : memref<10240x128xf32, #tpu.memory_space<hbm>> -> memref<10240x128xf32, #tpu.memory_space<hbm>>
      tpu.wait_indirect_dma semaphore(%arg13 : memref<!tpu.dma_semaphore, #tpu.memory_space<semaphore_mem>>) src(%dma_wait3A_98 : memref<10240x128xf32, #tpu.memory_space<hbm>>) dst(%arg10 : memref<128x128xf32, #tpu.memory_space<vmem>>)
      "tpu.region"() ({
        %run_scoped3A_107 = tpu.sem_alloc : memref<!tpu.dma_semaphore, #tpu.memory_space<semaphore_mem>>
        %dma_start3A_108 = arith.constant 0 : i32
        %dma_start3A_109 = tpu.memref_slice %arg8[%add3A_91, %dma_start3A_108] : memref<40x128xi32, #tpu.memory_space<vmem>> -> memref<1x128xi32, #tpu.memory_space<vmem>>
        %dma_start3A_110 = tpu.memref_squeeze %dma_start3A_109 : memref<1x128xi32, #tpu.memory_space<vmem>> -> memref<128xi32, #tpu.memory_space<vmem>>
        %dma_start3A_111 = arith.constant 0 : i32
        %dma_start3A_112 = arith.constant 0 : i32
        %dma_start3A_113 = tpu.memref_slice %arg11[%dma_start3A_111, %dma_start3A_112] : memref<10240x128xf32, #tpu.memory_space<vmem_shared>> -> memref<10240x128xf32, #tpu.memory_space<vmem_shared>>
        tpu.enqueue_indirect_dma source(%arg10 : memref<128x128xf32, #tpu.memory_space<vmem>>) target(%dma_start3A_113 : memref<10240x128xf32, #tpu.memory_space<vmem_shared>>) offsets(%dma_start3A_110 : memref<128xi32, #tpu.memory_space<vmem>>) semaphore(%run_scoped3A_107 : memref<!tpu.dma_semaphore, #tpu.memory_space<semaphore_mem>>) {add = true}
        %dma_wait3A_114 = arith.constant 0 : i32
        %dma_wait3A_115 = tpu.memref_slice %arg8[%add3A_91, %dma_wait3A_114] : memref<40x128xi32, #tpu.memory_space<vmem>> -> memref<1x128xi32, #tpu.memory_space<vmem>>
        %dma_wait3A_116 = tpu.memref_squeeze %dma_wait3A_115 : memref<1x128xi32, #tpu.memory_space<vmem>> -> memref<128xi32, #tpu.memory_space<vmem>>
        %dma_wait3A_117 = arith.constant 0 : i32
        %dma_wait3A_118 = arith.constant 0 : i32
        %dma_wait3A_119 = tpu.memref_slice %arg11[%dma_wait3A_117, %dma_wait3A_118] : memref<10240x128xf32, #tpu.memory_space<vmem_shared>> -> memref<10240x128xf32, #tpu.memory_space<vmem_shared>>
        tpu.wait_indirect_dma semaphore(%run_scoped3A_107 : memref<!tpu.dma_semaphore, #tpu.memory_space<semaphore_mem>>) src(%arg10 : memref<128x128xf32, #tpu.memory_space<vmem>>) dst(%dma_wait3A_119 : memref<10240x128xf32, #tpu.memory_space<vmem_shared>>)
        tpu.yield
      }) : () -> ()
      %add3A_99 = arith.constant 3 : i32
      %add3A_100 = arith.addi %mul3A_74, %add3A_99 : i32
      %dma_start3A_101 = arith.constant 0 : i32
      %dma_start3A_102 = tpu.memref_slice %arg7[%add3A_100, %dma_start3A_101] : memref<40x128xi32, #tpu.memory_space<vmem>> -> memref<1x128xi32, #tpu.memory_space<vmem>>
      %dma_start3A_103 = tpu.memref_squeeze %dma_start3A_102 : memref<1x128xi32, #tpu.memory_space<vmem>> -> memref<128xi32, #tpu.memory_space<vmem>>
      %dma_start3A_104 = arith.constant 0 : i32
      %dma_start3A_105 = arith.constant 0 : i32
      %dma_start3A_106 = tpu.memref_slice %arg2[%dma_start3A_104, %dma_start3A_105] : memref<10240x128xf32, #tpu.memory_space<hbm>> -> memref<10240x128xf32, #tpu.memory_space<hbm>>
      tpu.enqueue_indirect_dma source(%dma_start3A_106 : memref<10240x128xf32, #tpu.memory_space<hbm>>) target(%arg10 : memref<128x128xf32, #tpu.memory_space<vmem>>) offsets(%dma_start3A_103 : memref<128xi32, #tpu.memory_space<vmem>>) semaphore(%arg13 : memref<!tpu.dma_semaphore, #tpu.memory_space<semaphore_mem>>)
    }
    %scan3A_54 = arith.constant 19 : i32
    %dma_wait3A_55 = arith.constant 0 : i32
    %dma_wait3A_56 = arith.constant 0 : i32
    %dma_wait3A_57 = tpu.memref_slice %arg7[%dma_wait3A_55, %dma_wait3A_56] : memref<40x128xi32, #tpu.memory_space<vmem>> -> memref<1x128xi32, #tpu.memory_space<vmem>>
    %dma_wait3A_58 = tpu.memref_squeeze %dma_wait3A_57 : memref<1x128xi32, #tpu.memory_space<vmem>> -> memref<128xi32, #tpu.memory_space<vmem>>
    %dma_wait3A_59 = arith.constant 0 : i32
    %dma_wait3A_60 = arith.constant 0 : i32
    %dma_wait3A_61 = tpu.memref_slice %arg2[%dma_wait3A_59, %dma_wait3A_60] : memref<10240x128xf32, #tpu.memory_space<hbm>> -> memref<10240x128xf32, #tpu.memory_space<hbm>>
    tpu.wait_indirect_dma semaphore(%arg12 : memref<!tpu.dma_semaphore, #tpu.memory_space<semaphore_mem>>) src(%dma_wait3A_61 : memref<10240x128xf32, #tpu.memory_space<hbm>>) dst(%arg9 : memref<128x128xf32, #tpu.memory_space<vmem>>)
    %run_scoped3A_62 = arith.constant 38 : i32
    "tpu.region"() ({
      %run_scoped3A_72 = tpu.sem_alloc : memref<!tpu.dma_semaphore, #tpu.memory_space<semaphore_mem>>
      %dma_start3A_73 = arith.constant 0 : i32
      %dma_start3A_74 = tpu.memref_slice %arg8[%run_scoped3A_62, %dma_start3A_73] : memref<40x128xi32, #tpu.memory_space<vmem>> -> memref<1x128xi32, #tpu.memory_space<vmem>>
      %dma_start3A_75 = tpu.memref_squeeze %dma_start3A_74 : memref<1x128xi32, #tpu.memory_space<vmem>> -> memref<128xi32, #tpu.memory_space<vmem>>
      %dma_start3A_76 = arith.constant 0 : i32
      %dma_start3A_77 = arith.constant 0 : i32
      %dma_start3A_78 = tpu.memref_slice %arg11[%dma_start3A_76, %dma_start3A_77] : memref<10240x128xf32, #tpu.memory_space<vmem_shared>> -> memref<10240x128xf32, #tpu.memory_space<vmem_shared>>
      tpu.enqueue_indirect_dma source(%arg9 : memref<128x128xf32, #tpu.memory_space<vmem>>) target(%dma_start3A_78 : memref<10240x128xf32, #tpu.memory_space<vmem_shared>>) offsets(%dma_start3A_75 : memref<128xi32, #tpu.memory_space<vmem>>) semaphore(%run_scoped3A_72 : memref<!tpu.dma_semaphore, #tpu.memory_space<semaphore_mem>>) {add = true}
      %dma_wait3A_79 = arith.constant 0 : i32
      %dma_wait3A_80 = tpu.memref_slice %arg8[%run_scoped3A_62, %dma_wait3A_79] : memref<40x128xi32, #tpu.memory_space<vmem>> -> memref<1x128xi32, #tpu.memory_space<vmem>>
      %dma_wait3A_81 = tpu.memref_squeeze %dma_wait3A_80 : memref<1x128xi32, #tpu.memory_space<vmem>> -> memref<128xi32, #tpu.memory_space<vmem>>
      %dma_wait3A_82 = arith.constant 0 : i32
      %dma_wait3A_83 = arith.constant 0 : i32
      %dma_wait3A_84 = tpu.memref_slice %arg11[%dma_wait3A_82, %dma_wait3A_83] : memref<10240x128xf32, #tpu.memory_space<vmem_shared>> -> memref<10240x128xf32, #tpu.memory_space<vmem_shared>>
      tpu.wait_indirect_dma semaphore(%run_scoped3A_72 : memref<!tpu.dma_semaphore, #tpu.memory_space<semaphore_mem>>) src(%arg9 : memref<128x128xf32, #tpu.memory_space<vmem>>) dst(%dma_wait3A_84 : memref<10240x128xf32, #tpu.memory_space<vmem_shared>>)
      tpu.yield
    }) : () -> ()
    %dma_wait3A_63 = arith.constant 0 : i32
    %dma_wait3A_64 = arith.constant 0 : i32
    %dma_wait3A_65 = tpu.memref_slice %arg7[%dma_wait3A_63, %dma_wait3A_64] : memref<40x128xi32, #tpu.memory_space<vmem>> -> memref<1x128xi32, #tpu.memory_space<vmem>>
    %dma_wait3A_66 = tpu.memref_squeeze %dma_wait3A_65 : memref<1x128xi32, #tpu.memory_space<vmem>> -> memref<128xi32, #tpu.memory_space<vmem>>
    %dma_wait3A_67 = arith.constant 0 : i32
    %dma_wait3A_68 = arith.constant 0 : i32
    %dma_wait3A_69 = tpu.memref_slice %arg2[%dma_wait3A_67, %dma_wait3A_68] : memref<10240x128xf32, #tpu.memory_space<hbm>> -> memref<10240x128xf32, #tpu.memory_space<hbm>>
    tpu.wait_indirect_dma semaphore(%arg13 : memref<!tpu.dma_semaphore, #tpu.memory_space<semaphore_mem>>) src(%dma_wait3A_69 : memref<10240x128xf32, #tpu.memory_space<hbm>>) dst(%arg10 : memref<128x128xf32, #tpu.memory_space<vmem>>)
    %run_scoped3A_70 = arith.constant 39 : i32
    "tpu.region"() ({
      %run_scoped3A_72 = tpu.sem_alloc : memref<!tpu.dma_semaphore, #tpu.memory_space<semaphore_mem>>
      %dma_start3A_73 = arith.constant 0 : i32
      %dma_start3A_74 = tpu.memref_slice %arg8[%run_scoped3A_70, %dma_start3A_73] : memref<40x128xi32, #tpu.memory_space<vmem>> -> memref<1x128xi32, #tpu.memory_space<vmem>>
      %dma_start3A_75 = tpu.memref_squeeze %dma_start3A_74 : memref<1x128xi32, #tpu.memory_space<vmem>> -> memref<128xi32, #tpu.memory_space<vmem>>
      %dma_start3A_76 = arith.constant 0 : i32
      %dma_start3A_77 = arith.constant 0 : i32
      %dma_start3A_78 = tpu.memref_slice %arg11[%dma_start3A_76, %dma_start3A_77] : memref<10240x128xf32, #tpu.memory_space<vmem_shared>> -> memref<10240x128xf32, #tpu.memory_space<vmem_shared>>
      tpu.enqueue_indirect_dma source(%arg10 : memref<128x128xf32, #tpu.memory_space<vmem>>) target(%dma_start3A_78 : memref<10240x128xf32, #tpu.memory_space<vmem_shared>>) offsets(%dma_start3A_75 : memref<128xi32, #tpu.memory_space<vmem>>) semaphore(%run_scoped3A_72 : memref<!tpu.dma_semaphore, #tpu.memory_space<semaphore_mem>>) {add = true}
      %dma_wait3A_79 = arith.constant 0 : i32
      %dma_wait3A_80 = tpu.memref_slice %arg8[%run_scoped3A_70, %dma_wait3A_79] : memref<40x128xi32, #tpu.memory_space<vmem>> -> memref<1x128xi32, #tpu.memory_space<vmem>>
      %dma_wait3A_81 = tpu.memref_squeeze %dma_wait3A_80 : memref<1x128xi32, #tpu.memory_space<vmem>> -> memref<128xi32, #tpu.memory_space<vmem>>
      %dma_wait3A_82 = arith.constant 0 : i32
      %dma_wait3A_83 = arith.constant 0 : i32
      %dma_wait3A_84 = tpu.memref_slice %arg11[%dma_wait3A_82, %dma_wait3A_83] : memref<10240x128xf32, #tpu.memory_space<vmem_shared>> -> memref<10240x128xf32, #tpu.memory_space<vmem_shared>>
      tpu.wait_indirect_dma semaphore(%run_scoped3A_72 : memref<!tpu.dma_semaphore, #tpu.memory_space<semaphore_mem>>) src(%arg10 : memref<128x128xf32, #tpu.memory_space<vmem>>) dst(%dma_wait3A_84 : memref<10240x128xf32, #tpu.memory_space<vmem_shared>>)
      tpu.yield
    }) : () -> ()
    %barrier3A_71 = arith.constant 0 : index
    tpu.barrier barrier_id(%barrier3A_71)
    "tpu.region"() ({
      %run_scoped3A_72 = tpu.sem_alloc : memref<!tpu.dma_semaphore, #tpu.memory_space<semaphore_mem>>
      %dma_start3A_73 = arith.constant 0 : i32
      %dma_start3A_74 = tpu.memref_slice %arg6[%arg0, %mul3A_2, %dma_start3A_73] : memref<2x10240x128xf32, #tpu.memory_space<hbm>> -> memref<1x640x128xf32, #tpu.memory_space<hbm>>
      %dma_start3A_75 = tpu.memref_squeeze %dma_start3A_74 : memref<1x640x128xf32, #tpu.memory_space<hbm>> -> memref<640x128xf32, #tpu.memory_space<hbm>>
      %dma_start3A_76 = arith.constant 0 : i32
      %dma_start3A_77 = tpu.memref_slice %arg11[%mul3A_2, %dma_start3A_76] : memref<10240x128xf32, #tpu.memory_space<vmem_shared>> -> memref<640x128xf32, #tpu.memory_space<vmem_shared>>
      tpu.enqueue_dma source(%dma_start3A_77 : memref<640x128xf32, #tpu.memory_space<vmem_shared>>) target(%dma_start3A_75 : memref<640x128xf32, #tpu.memory_space<hbm>>) target_semaphore(%run_scoped3A_72 : memref<!tpu.dma_semaphore, #tpu.memory_space<semaphore_mem>>)
      %dma_wait3A_78 = arith.constant 0 : i32
      %dma_wait3A_79 = tpu.memref_slice %arg6[%arg0, %mul3A_2, %dma_wait3A_78] : memref<2x10240x128xf32, #tpu.memory_space<hbm>> -> memref<1x640x128xf32, #tpu.memory_space<hbm>>
      %dma_wait3A_80 = tpu.memref_squeeze %dma_wait3A_79 : memref<1x640x128xf32, #tpu.memory_space<hbm>> -> memref<640x128xf32, #tpu.memory_space<hbm>>
      %dma_wait3A_81 = arith.constant 0 : i32
      %dma_wait3A_82 = tpu.memref_slice %arg11[%mul3A_2, %dma_wait3A_81] : memref<10240x128xf32, #tpu.memory_space<vmem_shared>> -> memref<640x128xf32, #tpu.memory_space<vmem_shared>>
      tpu.wait_dma2 semaphore(%run_scoped3A_72 : memref<!tpu.dma_semaphore, #tpu.memory_space<semaphore_mem>>) src(%dma_wait3A_82 : memref<640x128xf32, #tpu.memory_space<vmem_shared>>) dst(%dma_wait3A_80 : memref<640x128xf32, #tpu.memory_space<hbm>>)
      tpu.yield
    }) : () -> ()
    return
  }
}

#map = affine_map<(d0, d1) -> (0, 0)>
#map1 = affine_map<(d0, d1) -> (0, 0, 0)>
module attributes {stable_mosaic.version = 14 : i64} {
  func.func @agg(%arg0: i32, %arg1: i32, %arg2: memref<10240x128xf32, #tpu.memory_space<hbm>>, %arg3: memref<32x80x128xi32, #tpu.memory_space<hbm>>, %arg4: memref<32x80x128xi32, #tpu.memory_space<hbm>>, %arg5: memref<10240x128xf32, #tpu.memory_space<hbm>>, %arg6: memref<2x10240x128xf32, #tpu.memory_space<hbm>>, %arg7: memref<40x128xi32, #tpu.memory_space<vmem>>, %arg8: memref<40x128xi32, #tpu.memory_space<vmem>>, %arg9: memref<128x128xf32, #tpu.memory_space<vmem>>, %arg10: memref<128x128xf32, #tpu.memory_space<vmem>>, %arg11: memref<10240x128xf32, #tpu.memory_space<vmem_shared>>, %arg12: memref<!tpu.dma_semaphore, #tpu.memory_space<semaphore_mem>>, %arg13: memref<!tpu.dma_semaphore, #tpu.memory_space<semaphore_mem>>) attributes {dimension_semantics = [#tpu.dimension_semantics<core_parallel>, #tpu.dimension_semantics<subcore_parallel>], iteration_bounds = array<i64: 2, 16>, scalar_prefetch = 0 : i64, scratch_operands = 7 : i64, tpu.core_type = #tpu.core_type<sc_vector_subcore>, window_params = [{transform_indices = #map}, {transform_indices = #map1}, {transform_indices = #map1}, {transform_indices = #map}, {transform_indices = #map1}]} {
    %mul3A = arith.constant 2 : i32
    %mul3A_0 = arith.muli %arg1, %mul3A : i32
    %add3A = arith.addi %mul3A_0, %arg0 : i32
    %mul3A_1 = arith.constant 640 : i32
    %mul3A_2 = arith.muli %arg1, %mul3A_1 : i32
    "tpu.region"() ({
      %run_scoped3A_72 = tpu.sem_alloc : memref<!tpu.dma_semaphore, #tpu.memory_space<semaphore_mem>>
      %dma_start3A_73 = arith.constant 0 : i32
      %dma_start3A_74 = tpu.memref_slice %arg11[%mul3A_2, %dma_start3A_73] : memref<10240x128xf32, #tpu.memory_space<vmem_shared>> -> memref<640x128xf32, #tpu.memory_space<vmem_shared>>
      %dma_start3A_75 = arith.constant 0 : i32
      %dma_start3A_76 = tpu.memref_slice %arg5[%mul3A_2, %dma_start3A_75] : memref<10240x128xf32, #tpu.memory_space<hbm>> -> memref<640x128xf32, #tpu.memory_space<hbm>>
      tpu.enqueue_dma source(%dma_start3A_76 : memref<640x128xf32, #tpu.memory_space<hbm>>) target(%dma_start3A_74 : memref<640x128xf32, #tpu.memory_space<vmem_shared>>) target_semaphore(%run_scoped3A_72 : memref<!tpu.dma_semaphore, #tpu.memory_space<semaphore_mem>>)
      %dma_wait3A_77 = arith.constant 0 : i32
      %dma_wait3A_78 = tpu.memref_slice %arg11[%mul3A_2, %dma_wait3A_77] : memref<10240x128xf32, #tpu.memory_space<vmem_shared>> -> memref<640x128xf32, #tpu.memory_space<vmem_shared>>
      %dma_wait3A_79 = arith.constant 0 : i32
      %dma_wait3A_80 = tpu.memref_slice %arg5[%mul3A_2, %dma_wait3A_79] : memref<10240x128xf32, #tpu.memory_space<hbm>> -> memref<640x128xf32, #tpu.memory_space<hbm>>
      tpu.wait_dma2 semaphore(%run_scoped3A_72 : memref<!tpu.dma_semaphore, #tpu.memory_space<semaphore_mem>>) src(%dma_wait3A_80 : memref<640x128xf32, #tpu.memory_space<hbm>>) dst(%dma_wait3A_78 : memref<640x128xf32, #tpu.memory_space<vmem_shared>>)
      tpu.yield
    }) : () -> ()
    %barrier3A = arith.constant 0 : index
    tpu.barrier barrier_id(%barrier3A)
    "tpu.region"() ({
      %run_scoped3A_72 = tpu.sem_alloc : memref<!tpu.dma_semaphore, #tpu.memory_space<semaphore_mem>>
      %dma_start3A_73 = arith.constant 0 : i32
      %dma_start3A_74 = arith.constant 0 : i32
      %dma_start3A_75 = tpu.memref_slice %arg3[%add3A, %dma_start3A_73, %dma_start3A_74] : memref<32x80x128xi32, #tpu.memory_space<hbm>> -> memref<1x40x128xi32, #tpu.memory_space<hbm>>
      %dma_start3A_76 = tpu.memref_squeeze %dma_start3A_75 : memref<1x40x128xi32, #tpu.memory_space<hbm>> -> memref<40x128xi32, #tpu.memory_space<hbm>>
      %dma_start3A_77 = arith.constant 0 : i32
      %dma_start3A_78 = arith.constant 0 : i32
      %dma_start3A_79 = tpu.memref_slice %arg3[%add3A, %dma_start3A_77, %dma_start3A_78] : memref<32x80x128xi32, #tpu.memory_space<hbm>> -> memref<1x40x128xi32, #tpu.memory_space<hbm>>
      %dma_start3A_80 = tpu.memref_squeeze %dma_start3A_79 : memref<1x40x128xi32, #tpu.memory_space<hbm>> -> memref<40x128xi32, #tpu.memory_space<hbm>>
      tpu.enqueue_dma source(%dma_start3A_80 : memref<40x128xi32, #tpu.memory_space<hbm>>) target(%arg7 : memref<40x128xi32, #tpu.memory_space<vmem>>) target_semaphore(%run_scoped3A_72 : memref<!tpu.dma_semaphore, #tpu.memory_space<semaphore_mem>>)
      %dma_wait3A_81 = arith.constant 0 : i32
      %dma_wait3A_82 = arith.constant 0 : i32
      %dma_wait3A_83 = tpu.memref_slice %arg3[%add3A, %dma_wait3A_81, %dma_wait3A_82] : memref<32x80x128xi32, #tpu.memory_space<hbm>> -> memref<1x40x128xi32, #tpu.memory_space<hbm>>
      %dma_wait3A_84 = tpu.memref_squeeze %dma_wait3A_83 : memref<1x40x128xi32, #tpu.memory_space<hbm>> -> memref<40x128xi32, #tpu.memory_space<hbm>>
      %dma_wait3A_85 = arith.constant 0 : i32
      %dma_wait3A_86 = arith.constant 0 : i32
      %dma_wait3A_87 = tpu.memref_slice %arg3[%add3A, %dma_wait3A_85, %dma_wait3A_86] : memref<32x80x128xi32, #tpu.memory_space<hbm>> -> memref<1x40x128xi32, #tpu.memory_space<hbm>>
      %dma_wait3A_88 = tpu.memref_squeeze %dma_wait3A_87 : memref<1x40x128xi32, #tpu.memory_space<hbm>> -> memref<40x128xi32, #tpu.memory_space<hbm>>
      tpu.wait_dma2 semaphore(%run_scoped3A_72 : memref<!tpu.dma_semaphore, #tpu.memory_space<semaphore_mem>>) src(%dma_wait3A_88 : memref<40x128xi32, #tpu.memory_space<hbm>>) dst(%arg7 : memref<40x128xi32, #tpu.memory_space<vmem>>)
      tpu.yield
    }) : () -> ()
    "tpu.region"() ({
      %run_scoped3A_72 = tpu.sem_alloc : memref<!tpu.dma_semaphore, #tpu.memory_space<semaphore_mem>>
      %dma_start3A_73 = arith.constant 0 : i32
      %dma_start3A_74 = arith.constant 0 : i32
      %dma_start3A_75 = tpu.memref_slice %arg4[%add3A, %dma_start3A_73, %dma_start3A_74] : memref<32x80x128xi32, #tpu.memory_space<hbm>> -> memref<1x40x128xi32, #tpu.memory_space<hbm>>
      %dma_start3A_76 = tpu.memref_squeeze %dma_start3A_75 : memref<1x40x128xi32, #tpu.memory_space<hbm>> -> memref<40x128xi32, #tpu.memory_space<hbm>>
      %dma_start3A_77 = arith.constant 0 : i32
      %dma_start3A_78 = arith.constant 0 : i32
      %dma_start3A_79 = tpu.memref_slice %arg4[%add3A, %dma_start3A_77, %dma_start3A_78] : memref<32x80x128xi32, #tpu.memory_space<hbm>> -> memref<1x40x128xi32, #tpu.memory_space<hbm>>
      %dma_start3A_80 = tpu.memref_squeeze %dma_start3A_79 : memref<1x40x128xi32, #tpu.memory_space<hbm>> -> memref<40x128xi32, #tpu.memory_space<hbm>>
      tpu.enqueue_dma source(%dma_start3A_80 : memref<40x128xi32, #tpu.memory_space<hbm>>) target(%arg8 : memref<40x128xi32, #tpu.memory_space<vmem>>) target_semaphore(%run_scoped3A_72 : memref<!tpu.dma_semaphore, #tpu.memory_space<semaphore_mem>>)
      %dma_wait3A_81 = arith.constant 0 : i32
      %dma_wait3A_82 = arith.constant 0 : i32
      %dma_wait3A_83 = tpu.memref_slice %arg4[%add3A, %dma_wait3A_81, %dma_wait3A_82] : memref<32x80x128xi32, #tpu.memory_space<hbm>> -> memref<1x40x128xi32, #tpu.memory_space<hbm>>
      %dma_wait3A_84 = tpu.memref_squeeze %dma_wait3A_83 : memref<1x40x128xi32, #tpu.memory_space<hbm>> -> memref<40x128xi32, #tpu.memory_space<hbm>>
      %dma_wait3A_85 = arith.constant 0 : i32
      %dma_wait3A_86 = arith.constant 0 : i32
      %dma_wait3A_87 = tpu.memref_slice %arg4[%add3A, %dma_wait3A_85, %dma_wait3A_86] : memref<32x80x128xi32, #tpu.memory_space<hbm>> -> memref<1x40x128xi32, #tpu.memory_space<hbm>>
      %dma_wait3A_88 = tpu.memref_squeeze %dma_wait3A_87 : memref<1x40x128xi32, #tpu.memory_space<hbm>> -> memref<40x128xi32, #tpu.memory_space<hbm>>
      tpu.wait_dma2 semaphore(%run_scoped3A_72 : memref<!tpu.dma_semaphore, #tpu.memory_space<semaphore_mem>>) src(%dma_wait3A_88 : memref<40x128xi32, #tpu.memory_space<hbm>>) dst(%arg8 : memref<40x128xi32, #tpu.memory_space<vmem>>)
      tpu.yield
    }) : () -> ()
    %dma_start3A = arith.constant 0 : i32
    %dma_start3A_3 = arith.constant 0 : i32
    %dma_start3A_4 = tpu.memref_slice %arg7[%dma_start3A, %dma_start3A_3] : memref<40x128xi32, #tpu.memory_space<vmem>> -> memref<1x128xi32, #tpu.memory_space<vmem>>
    %dma_start3A_5 = tpu.memref_squeeze %dma_start3A_4 : memref<1x128xi32, #tpu.memory_space<vmem>> -> memref<128xi32, #tpu.memory_space<vmem>>
    %dma_start3A_6 = arith.constant 0 : i32
    %dma_start3A_7 = arith.constant 0 : i32
    %dma_start3A_8 = tpu.memref_slice %arg2[%dma_start3A_6, %dma_start3A_7] : memref<10240x128xf32, #tpu.memory_space<hbm>> -> memref<10240x128xf32, #tpu.memory_space<hbm>>
    tpu.enqueue_indirect_dma source(%dma_start3A_8 : memref<10240x128xf32, #tpu.memory_space<hbm>>) target(%arg9 : memref<128x128xf32, #tpu.memory_space<vmem>>) offsets(%dma_start3A_5 : memref<128xi32, #tpu.memory_space<vmem>>) semaphore(%arg12 : memref<!tpu.dma_semaphore, #tpu.memory_space<semaphore_mem>>)
    %dma_start3A_9 = arith.constant 1 : i32
    %dma_start3A_10 = arith.constant 0 : i32
    %dma_start3A_11 = tpu.memref_slice %arg7[%dma_start3A_9, %dma_start3A_10] : memref<40x128xi32, #tpu.memory_space<vmem>> -> memref<1x128xi32, #tpu.memory_space<vmem>>
    %dma_start3A_12 = tpu.memref_squeeze %dma_start3A_11 : memref<1x128xi32, #tpu.memory_space<vmem>> -> memref<128xi32, #tpu.memory_space<vmem>>
    %dma_start3A_13 = arith.constant 0 : i32
    %dma_start3A_14 = arith.constant 0 : i32
    %dma_start3A_15 = tpu.memref_slice %arg2[%dma_start3A_13, %dma_start3A_14] : memref<10240x128xf32, #tpu.memory_space<hbm>> -> memref<10240x128xf32, #tpu.memory_space<hbm>>
    tpu.enqueue_indirect_dma source(%dma_start3A_15 : memref<10240x128xf32, #tpu.memory_space<hbm>>) target(%arg10 : memref<128x128xf32, #tpu.memory_space<vmem>>) offsets(%dma_start3A_12 : memref<128xi32, #tpu.memory_space<vmem>>) semaphore(%arg13 : memref<!tpu.dma_semaphore, #tpu.memory_space<semaphore_mem>>)
    %scan3A = arith.constant 0 : i32
    %scan3A_16 = arith.constant 0 : i32
    %scan3A_17 = arith.constant 19 : i32
    %scan3A_18 = arith.addi %scan3A_16, %scan3A_17 : i32
    %scan3A_19 = arith.constant 1 : i32
    scf.for %scan3A_72 = %scan3A_16 to %scan3A_18 step %scan3A_19  : i32 {
      %mul3A_73 = arith.constant 2 : i32
      %mul3A_74 = arith.muli %mul3A_73, %scan3A_72 : i32
      %dma_wait3A_75 = arith.constant 0 : i32
      %dma_wait3A_76 = arith.constant 0 : i32
      %dma_wait3A_77 = tpu.memref_slice %arg7[%dma_wait3A_75, %dma_wait3A_76] : memref<40x128xi32, #tpu.memory_space<vmem>> -> memref<1x128xi32, #tpu.memory_space<vmem>>
      %dma_wait3A_78 = tpu.memref_squeeze %dma_wait3A_77 : memref<1x128xi32, #tpu.memory_space<vmem>> -> memref<128xi32, #tpu.memory_space<vmem>>
      %dma_wait3A_79 = arith.constant 0 : i32
      %dma_wait3A_80 = arith.constant 0 : i32
      %dma_wait3A_81 = tpu.memref_slice %arg2[%dma_wait3A_79, %dma_wait3A_80] : memref<10240x128xf32, #tpu.memory_space<hbm>> -> memref<10240x128xf32, #tpu.memory_space<hbm>>
      tpu.wait_indirect_dma semaphore(%arg12 : memref<!tpu.dma_semaphore, #tpu.memory_space<semaphore_mem>>) src(%dma_wait3A_81 : memref<10240x128xf32, #tpu.memory_space<hbm>>) dst(%arg9 : memref<128x128xf32, #tpu.memory_space<vmem>>)
      "tpu.region"() ({
        %run_scoped3A_107 = tpu.sem_alloc : memref<!tpu.dma_semaphore, #tpu.memory_space<semaphore_mem>>
        %dma_start3A_108 = arith.constant 0 : i32
        %dma_start3A_109 = tpu.memref_slice %arg8[%mul3A_74, %dma_start3A_108] : memref<40x128xi32, #tpu.memory_space<vmem>> -> memref<1x128xi32, #tpu.memory_space<vmem>>
        %dma_start3A_110 = tpu.memref_squeeze %dma_start3A_109 : memref<1x128xi32, #tpu.memory_space<vmem>> -> memref<128xi32, #tpu.memory_space<vmem>>
        %dma_start3A_111 = arith.constant 0 : i32
        %dma_start3A_112 = arith.constant 0 : i32
        %dma_start3A_113 = tpu.memref_slice %arg11[%dma_start3A_111, %dma_start3A_112] : memref<10240x128xf32, #tpu.memory_space<vmem_shared>> -> memref<10240x128xf32, #tpu.memory_space<vmem_shared>>
        tpu.enqueue_indirect_dma source(%arg9 : memref<128x128xf32, #tpu.memory_space<vmem>>) target(%dma_start3A_113 : memref<10240x128xf32, #tpu.memory_space<vmem_shared>>) offsets(%dma_start3A_110 : memref<128xi32, #tpu.memory_space<vmem>>) semaphore(%run_scoped3A_107 : memref<!tpu.dma_semaphore, #tpu.memory_space<semaphore_mem>>) {add = true}
        %dma_wait3A_114 = arith.constant 0 : i32
        %dma_wait3A_115 = tpu.memref_slice %arg8[%mul3A_74, %dma_wait3A_114] : memref<40x128xi32, #tpu.memory_space<vmem>> -> memref<1x128xi32, #tpu.memory_space<vmem>>
        %dma_wait3A_116 = tpu.memref_squeeze %dma_wait3A_115 : memref<1x128xi32, #tpu.memory_space<vmem>> -> memref<128xi32, #tpu.memory_space<vmem>>
        %dma_wait3A_117 = arith.constant 0 : i32
        %dma_wait3A_118 = arith.constant 0 : i32
        %dma_wait3A_119 = tpu.memref_slice %arg11[%dma_wait3A_117, %dma_wait3A_118] : memref<10240x128xf32, #tpu.memory_space<vmem_shared>> -> memref<10240x128xf32, #tpu.memory_space<vmem_shared>>
        tpu.wait_indirect_dma semaphore(%run_scoped3A_107 : memref<!tpu.dma_semaphore, #tpu.memory_space<semaphore_mem>>) src(%arg9 : memref<128x128xf32, #tpu.memory_space<vmem>>) dst(%dma_wait3A_119 : memref<10240x128xf32, #tpu.memory_space<vmem_shared>>)
        tpu.yield
      }) : () -> ()
      %add3A_82 = arith.constant 2 : i32
      %add3A_83 = arith.addi %mul3A_74, %add3A_82 : i32
      %dma_start3A_84 = arith.constant 0 : i32
      %dma_start3A_85 = tpu.memref_slice %arg7[%add3A_83, %dma_start3A_84] : memref<40x128xi32, #tpu.memory_space<vmem>> -> memref<1x128xi32, #tpu.memory_space<vmem>>
      %dma_start3A_86 = tpu.memref_squeeze %dma_start3A_85 : memref<1x128xi32, #tpu.memory_space<vmem>> -> memref<128xi32, #tpu.memory_space<vmem>>
      %dma_start3A_87 = arith.constant 0 : i32
      %dma_start3A_88 = arith.constant 0 : i32
      %dma_start3A_89 = tpu.memref_slice %arg2[%dma_start3A_87, %dma_start3A_88] : memref<10240x128xf32, #tpu.memory_space<hbm>> -> memref<10240x128xf32, #tpu.memory_space<hbm>>
      tpu.enqueue_indirect_dma source(%dma_start3A_89 : memref<10240x128xf32, #tpu.memory_space<hbm>>) target(%arg9 : memref<128x128xf32, #tpu.memory_space<vmem>>) offsets(%dma_start3A_86 : memref<128xi32, #tpu.memory_space<vmem>>) semaphore(%arg12 : memref<!tpu.dma_semaphore, #tpu.memory_space<semaphore_mem>>)
      %add3A_90 = arith.constant 1 : i32
      %add3A_91 = arith.addi %mul3A_74, %add3A_90 : i32
      %dma_wait3A_92 = arith.constant 0 : i32
      %dma_wait3A_93 = arith.constant 0 : i32
      %dma_wait3A_94 = tpu.memref_slice %arg7[%dma_wait3A_92, %dma_wait3A_93] : memref<40x128xi32, #tpu.memory_space<vmem>> -> memref<1x128xi32, #tpu.memory_space<vmem>>
      %dma_wait3A_95 = tpu.memref_squeeze %dma_wait3A_94 : memref<1x128xi32, #tpu.memory_space<vmem>> -> memref<128xi32, #tpu.memory_space<vmem>>
      %dma_wait3A_96 = arith.constant 0 : i32
      %dma_wait3A_97 = arith.constant 0 : i32
      %dma_wait3A_98 = tpu.memref_slice %arg2[%dma_wait3A_96, %dma_wait3A_97] : memref<10240x128xf32, #tpu.memory_space<hbm>> -> memref<10240x128xf32, #tpu.memory_space<hbm>>
      tpu.wait_indirect_dma semaphore(%arg13 : memref<!tpu.dma_semaphore, #tpu.memory_space<semaphore_mem>>) src(%dma_wait3A_98 : memref<10240x128xf32, #tpu.memory_space<hbm>>) dst(%arg10 : memref<128x128xf32, #tpu.memory_space<vmem>>)
      "tpu.region"() ({
        %run_scoped3A_107 = tpu.sem_alloc : memref<!tpu.dma_semaphore, #tpu.memory_space<semaphore_mem>>
        %dma_start3A_108 = arith.constant 0 : i32
        %dma_start3A_109 = tpu.memref_slice %arg8[%add3A_91, %dma_start3A_108] : memref<40x128xi32, #tpu.memory_space<vmem>> -> memref<1x128xi32, #tpu.memory_space<vmem>>
        %dma_start3A_110 = tpu.memref_squeeze %dma_start3A_109 : memref<1x128xi32, #tpu.memory_space<vmem>> -> memref<128xi32, #tpu.memory_space<vmem>>
        %dma_start3A_111 = arith.constant 0 : i32
        %dma_start3A_112 = arith.constant 0 : i32
        %dma_start3A_113 = tpu.memref_slice %arg11[%dma_start3A_111, %dma_start3A_112] : memref<10240x128xf32, #tpu.memory_space<vmem_shared>> -> memref<10240x128xf32, #tpu.memory_space<vmem_shared>>
        tpu.enqueue_indirect_dma source(%arg10 : memref<128x128xf32, #tpu.memory_space<vmem>>) target(%dma_start3A_113 : memref<10240x128xf32, #tpu.memory_space<vmem_shared>>) offsets(%dma_start3A_110 : memref<128xi32, #tpu.memory_space<vmem>>) semaphore(%run_scoped3A_107 : memref<!tpu.dma_semaphore, #tpu.memory_space<semaphore_mem>>) {add = true}
        %dma_wait3A_114 = arith.constant 0 : i32
        %dma_wait3A_115 = tpu.memref_slice %arg8[%add3A_91, %dma_wait3A_114] : memref<40x128xi32, #tpu.memory_space<vmem>> -> memref<1x128xi32, #tpu.memory_space<vmem>>
        %dma_wait3A_116 = tpu.memref_squeeze %dma_wait3A_115 : memref<1x128xi32, #tpu.memory_space<vmem>> -> memref<128xi32, #tpu.memory_space<vmem>>
        %dma_wait3A_117 = arith.constant 0 : i32
        %dma_wait3A_118 = arith.constant 0 : i32
        %dma_wait3A_119 = tpu.memref_slice %arg11[%dma_wait3A_117, %dma_wait3A_118] : memref<10240x128xf32, #tpu.memory_space<vmem_shared>> -> memref<10240x128xf32, #tpu.memory_space<vmem_shared>>
        tpu.wait_indirect_dma semaphore(%run_scoped3A_107 : memref<!tpu.dma_semaphore, #tpu.memory_space<semaphore_mem>>) src(%arg10 : memref<128x128xf32, #tpu.memory_space<vmem>>) dst(%dma_wait3A_119 : memref<10240x128xf32, #tpu.memory_space<vmem_shared>>)
        tpu.yield
      }) : () -> ()
      %add3A_99 = arith.constant 3 : i32
      %add3A_100 = arith.addi %mul3A_74, %add3A_99 : i32
      %dma_start3A_101 = arith.constant 0 : i32
      %dma_start3A_102 = tpu.memref_slice %arg7[%add3A_100, %dma_start3A_101] : memref<40x128xi32, #tpu.memory_space<vmem>> -> memref<1x128xi32, #tpu.memory_space<vmem>>
      %dma_start3A_103 = tpu.memref_squeeze %dma_start3A_102 : memref<1x128xi32, #tpu.memory_space<vmem>> -> memref<128xi32, #tpu.memory_space<vmem>>
      %dma_start3A_104 = arith.constant 0 : i32
      %dma_start3A_105 = arith.constant 0 : i32
      %dma_start3A_106 = tpu.memref_slice %arg2[%dma_start3A_104, %dma_start3A_105] : memref<10240x128xf32, #tpu.memory_space<hbm>> -> memref<10240x128xf32, #tpu.memory_space<hbm>>
      tpu.enqueue_indirect_dma source(%dma_start3A_106 : memref<10240x128xf32, #tpu.memory_space<hbm>>) target(%arg10 : memref<128x128xf32, #tpu.memory_space<vmem>>) offsets(%dma_start3A_103 : memref<128xi32, #tpu.memory_space<vmem>>) semaphore(%arg13 : memref<!tpu.dma_semaphore, #tpu.memory_space<semaphore_mem>>)
    }
    %scan3A_20 = arith.constant 19 : i32
    %dma_wait3A = arith.constant 0 : i32
    %dma_wait3A_21 = arith.constant 0 : i32
    %dma_wait3A_22 = tpu.memref_slice %arg7[%dma_wait3A, %dma_wait3A_21] : memref<40x128xi32, #tpu.memory_space<vmem>> -> memref<1x128xi32, #tpu.memory_space<vmem>>
    %dma_wait3A_23 = tpu.memref_squeeze %dma_wait3A_22 : memref<1x128xi32, #tpu.memory_space<vmem>> -> memref<128xi32, #tpu.memory_space<vmem>>
    %dma_wait3A_24 = arith.constant 0 : i32
    %dma_wait3A_25 = arith.constant 0 : i32
    %dma_wait3A_26 = tpu.memref_slice %arg2[%dma_wait3A_24, %dma_wait3A_25] : memref<10240x128xf32, #tpu.memory_space<hbm>> -> memref<10240x128xf32, #tpu.memory_space<hbm>>
    tpu.wait_indirect_dma semaphore(%arg12 : memref<!tpu.dma_semaphore, #tpu.memory_space<semaphore_mem>>) src(%dma_wait3A_26 : memref<10240x128xf32, #tpu.memory_space<hbm>>) dst(%arg9 : memref<128x128xf32, #tpu.memory_space<vmem>>)
    %run_scoped3A = arith.constant 38 : i32
    "tpu.region"() ({
      %run_scoped3A_72 = tpu.sem_alloc : memref<!tpu.dma_semaphore, #tpu.memory_space<semaphore_mem>>
      %dma_start3A_73 = arith.constant 0 : i32
      %dma_start3A_74 = tpu.memref_slice %arg8[%run_scoped3A, %dma_start3A_73] : memref<40x128xi32, #tpu.memory_space<vmem>> -> memref<1x128xi32, #tpu.memory_space<vmem>>
      %dma_start3A_75 = tpu.memref_squeeze %dma_start3A_74 : memref<1x128xi32, #tpu.memory_space<vmem>> -> memref<128xi32, #tpu.memory_space<vmem>>
      %dma_start3A_76 = arith.constant 0 : i32
      %dma_start3A_77 = arith.constant 0 : i32
      %dma_start3A_78 = tpu.memref_slice %arg11[%dma_start3A_76, %dma_start3A_77] : memref<10240x128xf32, #tpu.memory_space<vmem_shared>> -> memref<10240x128xf32, #tpu.memory_space<vmem_shared>>
      tpu.enqueue_indirect_dma source(%arg9 : memref<128x128xf32, #tpu.memory_space<vmem>>) target(%dma_start3A_78 : memref<10240x128xf32, #tpu.memory_space<vmem_shared>>) offsets(%dma_start3A_75 : memref<128xi32, #tpu.memory_space<vmem>>) semaphore(%run_scoped3A_72 : memref<!tpu.dma_semaphore, #tpu.memory_space<semaphore_mem>>) {add = true}
      %dma_wait3A_79 = arith.constant 0 : i32
      %dma_wait3A_80 = tpu.memref_slice %arg8[%run_scoped3A, %dma_wait3A_79] : memref<40x128xi32, #tpu.memory_space<vmem>> -> memref<1x128xi32, #tpu.memory_space<vmem>>
      %dma_wait3A_81 = tpu.memref_squeeze %dma_wait3A_80 : memref<1x128xi32, #tpu.memory_space<vmem>> -> memref<128xi32, #tpu.memory_space<vmem>>
      %dma_wait3A_82 = arith.constant 0 : i32
      %dma_wait3A_83 = arith.constant 0 : i32
      %dma_wait3A_84 = tpu.memref_slice %arg11[%dma_wait3A_82, %dma_wait3A_83] : memref<10240x128xf32, #tpu.memory_space<vmem_shared>> -> memref<10240x128xf32, #tpu.memory_space<vmem_shared>>
      tpu.wait_indirect_dma semaphore(%run_scoped3A_72 : memref<!tpu.dma_semaphore, #tpu.memory_space<semaphore_mem>>) src(%arg9 : memref<128x128xf32, #tpu.memory_space<vmem>>) dst(%dma_wait3A_84 : memref<10240x128xf32, #tpu.memory_space<vmem_shared>>)
      tpu.yield
    }) : () -> ()
    %dma_wait3A_27 = arith.constant 0 : i32
    %dma_wait3A_28 = arith.constant 0 : i32
    %dma_wait3A_29 = tpu.memref_slice %arg7[%dma_wait3A_27, %dma_wait3A_28] : memref<40x128xi32, #tpu.memory_space<vmem>> -> memref<1x128xi32, #tpu.memory_space<vmem>>
    %dma_wait3A_30 = tpu.memref_squeeze %dma_wait3A_29 : memref<1x128xi32, #tpu.memory_space<vmem>> -> memref<128xi32, #tpu.memory_space<vmem>>
    %dma_wait3A_31 = arith.constant 0 : i32
    %dma_wait3A_32 = arith.constant 0 : i32
    %dma_wait3A_33 = tpu.memref_slice %arg2[%dma_wait3A_31, %dma_wait3A_32] : memref<10240x128xf32, #tpu.memory_space<hbm>> -> memref<10240x128xf32, #tpu.memory_space<hbm>>
    tpu.wait_indirect_dma semaphore(%arg13 : memref<!tpu.dma_semaphore, #tpu.memory_space<semaphore_mem>>) src(%dma_wait3A_33 : memref<10240x128xf32, #tpu.memory_space<hbm>>) dst(%arg10 : memref<128x128xf32, #tpu.memory_space<vmem>>)
    %run_scoped3A_34 = arith.constant 39 : i32
    "tpu.region"() ({
      %run_scoped3A_72 = tpu.sem_alloc : memref<!tpu.dma_semaphore, #tpu.memory_space<semaphore_mem>>
      %dma_start3A_73 = arith.constant 0 : i32
      %dma_start3A_74 = tpu.memref_slice %arg8[%run_scoped3A_34, %dma_start3A_73] : memref<40x128xi32, #tpu.memory_space<vmem>> -> memref<1x128xi32, #tpu.memory_space<vmem>>
      %dma_start3A_75 = tpu.memref_squeeze %dma_start3A_74 : memref<1x128xi32, #tpu.memory_space<vmem>> -> memref<128xi32, #tpu.memory_space<vmem>>
      %dma_start3A_76 = arith.constant 0 : i32
      %dma_start3A_77 = arith.constant 0 : i32
      %dma_start3A_78 = tpu.memref_slice %arg11[%dma_start3A_76, %dma_start3A_77] : memref<10240x128xf32, #tpu.memory_space<vmem_shared>> -> memref<10240x128xf32, #tpu.memory_space<vmem_shared>>
      tpu.enqueue_indirect_dma source(%arg10 : memref<128x128xf32, #tpu.memory_space<vmem>>) target(%dma_start3A_78 : memref<10240x128xf32, #tpu.memory_space<vmem_shared>>) offsets(%dma_start3A_75 : memref<128xi32, #tpu.memory_space<vmem>>) semaphore(%run_scoped3A_72 : memref<!tpu.dma_semaphore, #tpu.memory_space<semaphore_mem>>) {add = true}
      %dma_wait3A_79 = arith.constant 0 : i32
      %dma_wait3A_80 = tpu.memref_slice %arg8[%run_scoped3A_34, %dma_wait3A_79] : memref<40x128xi32, #tpu.memory_space<vmem>> -> memref<1x128xi32, #tpu.memory_space<vmem>>
      %dma_wait3A_81 = tpu.memref_squeeze %dma_wait3A_80 : memref<1x128xi32, #tpu.memory_space<vmem>> -> memref<128xi32, #tpu.memory_space<vmem>>
      %dma_wait3A_82 = arith.constant 0 : i32
      %dma_wait3A_83 = arith.constant 0 : i32
      %dma_wait3A_84 = tpu.memref_slice %arg11[%dma_wait3A_82, %dma_wait3A_83] : memref<10240x128xf32, #tpu.memory_space<vmem_shared>> -> memref<10240x128xf32, #tpu.memory_space<vmem_shared>>
      tpu.wait_indirect_dma semaphore(%run_scoped3A_72 : memref<!tpu.dma_semaphore, #tpu.memory_space<semaphore_mem>>) src(%arg10 : memref<128x128xf32, #tpu.memory_space<vmem>>) dst(%dma_wait3A_84 : memref<10240x128xf32, #tpu.memory_space<vmem_shared>>)
      tpu.yield
    }) : () -> ()
    "tpu.region"() ({
      %run_scoped3A_72 = tpu.sem_alloc : memref<!tpu.dma_semaphore, #tpu.memory_space<semaphore_mem>>
      %dma_start3A_73 = arith.constant 40 : i32
      %dma_start3A_74 = arith.constant 0 : i32
      %dma_start3A_75 = tpu.memref_slice %arg3[%add3A, %dma_start3A_73, %dma_start3A_74] : memref<32x80x128xi32, #tpu.memory_space<hbm>> -> memref<1x40x128xi32, #tpu.memory_space<hbm>>
      %dma_start3A_76 = tpu.memref_squeeze %dma_start3A_75 : memref<1x40x128xi32, #tpu.memory_space<hbm>> -> memref<40x128xi32, #tpu.memory_space<hbm>>
      %dma_start3A_77 = arith.constant 40 : i32
      %dma_start3A_78 = arith.constant 0 : i32
      %dma_start3A_79 = tpu.memref_slice %arg3[%add3A, %dma_start3A_77, %dma_start3A_78] : memref<32x80x128xi32, #tpu.memory_space<hbm>> -> memref<1x40x128xi32, #tpu.memory_space<hbm>>
      %dma_start3A_80 = tpu.memref_squeeze %dma_start3A_79 : memref<1x40x128xi32, #tpu.memory_space<hbm>> -> memref<40x128xi32, #tpu.memory_space<hbm>>
      tpu.enqueue_dma source(%dma_start3A_80 : memref<40x128xi32, #tpu.memory_space<hbm>>) target(%arg7 : memref<40x128xi32, #tpu.memory_space<vmem>>) target_semaphore(%run_scoped3A_72 : memref<!tpu.dma_semaphore, #tpu.memory_space<semaphore_mem>>)
      %dma_wait3A_81 = arith.constant 40 : i32
      %dma_wait3A_82 = arith.constant 0 : i32
      %dma_wait3A_83 = tpu.memref_slice %arg3[%add3A, %dma_wait3A_81, %dma_wait3A_82] : memref<32x80x128xi32, #tpu.memory_space<hbm>> -> memref<1x40x128xi32, #tpu.memory_space<hbm>>
      %dma_wait3A_84 = tpu.memref_squeeze %dma_wait3A_83 : memref<1x40x128xi32, #tpu.memory_space<hbm>> -> memref<40x128xi32, #tpu.memory_space<hbm>>
      %dma_wait3A_85 = arith.constant 40 : i32
      %dma_wait3A_86 = arith.constant 0 : i32
      %dma_wait3A_87 = tpu.memref_slice %arg3[%add3A, %dma_wait3A_85, %dma_wait3A_86] : memref<32x80x128xi32, #tpu.memory_space<hbm>> -> memref<1x40x128xi32, #tpu.memory_space<hbm>>
      %dma_wait3A_88 = tpu.memref_squeeze %dma_wait3A_87 : memref<1x40x128xi32, #tpu.memory_space<hbm>> -> memref<40x128xi32, #tpu.memory_space<hbm>>
      tpu.wait_dma2 semaphore(%run_scoped3A_72 : memref<!tpu.dma_semaphore, #tpu.memory_space<semaphore_mem>>) src(%dma_wait3A_88 : memref<40x128xi32, #tpu.memory_space<hbm>>) dst(%arg7 : memref<40x128xi32, #tpu.memory_space<vmem>>)
      tpu.yield
    }) : () -> ()
    "tpu.region"() ({
      %run_scoped3A_72 = tpu.sem_alloc : memref<!tpu.dma_semaphore, #tpu.memory_space<semaphore_mem>>
      %dma_start3A_73 = arith.constant 40 : i32
      %dma_start3A_74 = arith.constant 0 : i32
      %dma_start3A_75 = tpu.memref_slice %arg4[%add3A, %dma_start3A_73, %dma_start3A_74] : memref<32x80x128xi32, #tpu.memory_space<hbm>> -> memref<1x40x128xi32, #tpu.memory_space<hbm>>
      %dma_start3A_76 = tpu.memref_squeeze %dma_start3A_75 : memref<1x40x128xi32, #tpu.memory_space<hbm>> -> memref<40x128xi32, #tpu.memory_space<hbm>>
      %dma_start3A_77 = arith.constant 40 : i32
      %dma_start3A_78 = arith.constant 0 : i32
      %dma_start3A_79 = tpu.memref_slice %arg4[%add3A, %dma_start3A_77, %dma_start3A_78] : memref<32x80x128xi32, #tpu.memory_space<hbm>> -> memref<1x40x128xi32, #tpu.memory_space<hbm>>
      %dma_start3A_80 = tpu.memref_squeeze %dma_start3A_79 : memref<1x40x128xi32, #tpu.memory_space<hbm>> -> memref<40x128xi32, #tpu.memory_space<hbm>>
      tpu.enqueue_dma source(%dma_start3A_80 : memref<40x128xi32, #tpu.memory_space<hbm>>) target(%arg8 : memref<40x128xi32, #tpu.memory_space<vmem>>) target_semaphore(%run_scoped3A_72 : memref<!tpu.dma_semaphore, #tpu.memory_space<semaphore_mem>>)
      %dma_wait3A_81 = arith.constant 40 : i32
      %dma_wait3A_82 = arith.constant 0 : i32
      %dma_wait3A_83 = tpu.memref_slice %arg4[%add3A, %dma_wait3A_81, %dma_wait3A_82] : memref<32x80x128xi32, #tpu.memory_space<hbm>> -> memref<1x40x128xi32, #tpu.memory_space<hbm>>
      %dma_wait3A_84 = tpu.memref_squeeze %dma_wait3A_83 : memref<1x40x128xi32, #tpu.memory_space<hbm>> -> memref<40x128xi32, #tpu.memory_space<hbm>>
      %dma_wait3A_85 = arith.constant 40 : i32
      %dma_wait3A_86 = arith.constant 0 : i32
      %dma_wait3A_87 = tpu.memref_slice %arg4[%add3A, %dma_wait3A_85, %dma_wait3A_86] : memref<32x80x128xi32, #tpu.memory_space<hbm>> -> memref<1x40x128xi32, #tpu.memory_space<hbm>>
      %dma_wait3A_88 = tpu.memref_squeeze %dma_wait3A_87 : memref<1x40x128xi32, #tpu.memory_space<hbm>> -> memref<40x128xi32, #tpu.memory_space<hbm>>
      tpu.wait_dma2 semaphore(%run_scoped3A_72 : memref<!tpu.dma_semaphore, #tpu.memory_space<semaphore_mem>>) src(%dma_wait3A_88 : memref<40x128xi32, #tpu.memory_space<hbm>>) dst(%arg8 : memref<40x128xi32, #tpu.memory_space<vmem>>)
      tpu.yield
    }) : () -> ()
    %dma_start3A_35 = arith.constant 0 : i32
    %dma_start3A_36 = arith.constant 0 : i32
    %dma_start3A_37 = tpu.memref_slice %arg7[%dma_start3A_35, %dma_start3A_36] : memref<40x128xi32, #tpu.memory_space<vmem>> -> memref<1x128xi32, #tpu.memory_space<vmem>>
    %dma_start3A_38 = tpu.memref_squeeze %dma_start3A_37 : memref<1x128xi32, #tpu.memory_space<vmem>> -> memref<128xi32, #tpu.memory_space<vmem>>
    %dma_start3A_39 = arith.constant 0 : i32
    %dma_start3A_40 = arith.constant 0 : i32
    %dma_start3A_41 = tpu.memref_slice %arg2[%dma_start3A_39, %dma_start3A_40] : memref<10240x128xf32, #tpu.memory_space<hbm>> -> memref<10240x128xf32, #tpu.memory_space<hbm>>
    tpu.enqueue_indirect_dma source(%dma_start3A_41 : memref<10240x128xf32, #tpu.memory_space<hbm>>) target(%arg9 : memref<128x128xf32, #tpu.memory_space<vmem>>) offsets(%dma_start3A_38 : memref<128xi32, #tpu.memory_space<vmem>>) semaphore(%arg12 : memref<!tpu.dma_semaphore, #tpu.memory_space<semaphore_mem>>)
    %dma_start3A_42 = arith.constant 1 : i32
    %dma_start3A_43 = arith.constant 0 : i32
    %dma_start3A_44 = tpu.memref_slice %arg7[%dma_start3A_42, %dma_start3A_43] : memref<40x128xi32, #tpu.memory_space<vmem>> -> memref<1x128xi32, #tpu.memory_space<vmem>>
    %dma_start3A_45 = tpu.memref_squeeze %dma_start3A_44 : memref<1x128xi32, #tpu.memory_space<vmem>> -> memref<128xi32, #tpu.memory_space<vmem>>
    %dma_start3A_46 = arith.constant 0 : i32
    %dma_start3A_47 = arith.constant 0 : i32
    %dma_start3A_48 = tpu.memref_slice %arg2[%dma_start3A_46, %dma_start3A_47] : memref<10240x128xf32, #tpu.memory_space<hbm>> -> memref<10240x128xf32, #tpu.memory_space<hbm>>
    tpu.enqueue_indirect_dma source(%dma_start3A_48 : memref<10240x128xf32, #tpu.memory_space<hbm>>) target(%arg10 : memref<128x128xf32, #tpu.memory_space<vmem>>) offsets(%dma_start3A_45 : memref<128xi32, #tpu.memory_space<vmem>>) semaphore(%arg13 : memref<!tpu.dma_semaphore, #tpu.memory_space<semaphore_mem>>)
    %scan3A_49 = arith.constant 0 : i32
    %scan3A_50 = arith.constant 0 : i32
    %scan3A_51 = arith.constant 19 : i32
    %scan3A_52 = arith.addi %scan3A_50, %scan3A_51 : i32
    %scan3A_53 = arith.constant 1 : i32
    scf.for %scan3A_72 = %scan3A_50 to %scan3A_52 step %scan3A_53  : i32 {
      %mul3A_73 = arith.constant 2 : i32
      %mul3A_74 = arith.muli %mul3A_73, %scan3A_72 : i32
      %dma_wait3A_75 = arith.constant 0 : i32
      %dma_wait3A_76 = arith.constant 0 : i32
      %dma_wait3A_77 = tpu.memref_slice %arg7[%dma_wait3A_75, %dma_wait3A_76] : memref<40x128xi32, #tpu.memory_space<vmem>> -> memref<1x128xi32, #tpu.memory_space<vmem>>
      %dma_wait3A_78 = tpu.memref_squeeze %dma_wait3A_77 : memref<1x128xi32, #tpu.memory_space<vmem>> -> memref<128xi32, #tpu.memory_space<vmem>>
      %dma_wait3A_79 = arith.constant 0 : i32
      %dma_wait3A_80 = arith.constant 0 : i32
      %dma_wait3A_81 = tpu.memref_slice %arg2[%dma_wait3A_79, %dma_wait3A_80] : memref<10240x128xf32, #tpu.memory_space<hbm>> -> memref<10240x128xf32, #tpu.memory_space<hbm>>
      tpu.wait_indirect_dma semaphore(%arg12 : memref<!tpu.dma_semaphore, #tpu.memory_space<semaphore_mem>>) src(%dma_wait3A_81 : memref<10240x128xf32, #tpu.memory_space<hbm>>) dst(%arg9 : memref<128x128xf32, #tpu.memory_space<vmem>>)
      "tpu.region"() ({
        %run_scoped3A_107 = tpu.sem_alloc : memref<!tpu.dma_semaphore, #tpu.memory_space<semaphore_mem>>
        %dma_start3A_108 = arith.constant 0 : i32
        %dma_start3A_109 = tpu.memref_slice %arg8[%mul3A_74, %dma_start3A_108] : memref<40x128xi32, #tpu.memory_space<vmem>> -> memref<1x128xi32, #tpu.memory_space<vmem>>
        %dma_start3A_110 = tpu.memref_squeeze %dma_start3A_109 : memref<1x128xi32, #tpu.memory_space<vmem>> -> memref<128xi32, #tpu.memory_space<vmem>>
        %dma_start3A_111 = arith.constant 0 : i32
        %dma_start3A_112 = arith.constant 0 : i32
        %dma_start3A_113 = tpu.memref_slice %arg11[%dma_start3A_111, %dma_start3A_112] : memref<10240x128xf32, #tpu.memory_space<vmem_shared>> -> memref<10240x128xf32, #tpu.memory_space<vmem_shared>>
        tpu.enqueue_indirect_dma source(%arg9 : memref<128x128xf32, #tpu.memory_space<vmem>>) target(%dma_start3A_113 : memref<10240x128xf32, #tpu.memory_space<vmem_shared>>) offsets(%dma_start3A_110 : memref<128xi32, #tpu.memory_space<vmem>>) semaphore(%run_scoped3A_107 : memref<!tpu.dma_semaphore, #tpu.memory_space<semaphore_mem>>) {add = true}
        %dma_wait3A_114 = arith.constant 0 : i32
        %dma_wait3A_115 = tpu.memref_slice %arg8[%mul3A_74, %dma_wait3A_114] : memref<40x128xi32, #tpu.memory_space<vmem>> -> memref<1x128xi32, #tpu.memory_space<vmem>>
        %dma_wait3A_116 = tpu.memref_squeeze %dma_wait3A_115 : memref<1x128xi32, #tpu.memory_space<vmem>> -> memref<128xi32, #tpu.memory_space<vmem>>
        %dma_wait3A_117 = arith.constant 0 : i32
        %dma_wait3A_118 = arith.constant 0 : i32
        %dma_wait3A_119 = tpu.memref_slice %arg11[%dma_wait3A_117, %dma_wait3A_118] : memref<10240x128xf32, #tpu.memory_space<vmem_shared>> -> memref<10240x128xf32, #tpu.memory_space<vmem_shared>>
        tpu.wait_indirect_dma semaphore(%run_scoped3A_107 : memref<!tpu.dma_semaphore, #tpu.memory_space<semaphore_mem>>) src(%arg9 : memref<128x128xf32, #tpu.memory_space<vmem>>) dst(%dma_wait3A_119 : memref<10240x128xf32, #tpu.memory_space<vmem_shared>>)
        tpu.yield
      }) : () -> ()
      %add3A_82 = arith.constant 2 : i32
      %add3A_83 = arith.addi %mul3A_74, %add3A_82 : i32
      %dma_start3A_84 = arith.constant 0 : i32
      %dma_start3A_85 = tpu.memref_slice %arg7[%add3A_83, %dma_start3A_84] : memref<40x128xi32, #tpu.memory_space<vmem>> -> memref<1x128xi32, #tpu.memory_space<vmem>>
      %dma_start3A_86 = tpu.memref_squeeze %dma_start3A_85 : memref<1x128xi32, #tpu.memory_space<vmem>> -> memref<128xi32, #tpu.memory_space<vmem>>
      %dma_start3A_87 = arith.constant 0 : i32
      %dma_start3A_88 = arith.constant 0 : i32
      %dma_start3A_89 = tpu.memref_slice %arg2[%dma_start3A_87, %dma_start3A_88] : memref<10240x128xf32, #tpu.memory_space<hbm>> -> memref<10240x128xf32, #tpu.memory_space<hbm>>
      tpu.enqueue_indirect_dma source(%dma_start3A_89 : memref<10240x128xf32, #tpu.memory_space<hbm>>) target(%arg9 : memref<128x128xf32, #tpu.memory_space<vmem>>) offsets(%dma_start3A_86 : memref<128xi32, #tpu.memory_space<vmem>>) semaphore(%arg12 : memref<!tpu.dma_semaphore, #tpu.memory_space<semaphore_mem>>)
      %add3A_90 = arith.constant 1 : i32
      %add3A_91 = arith.addi %mul3A_74, %add3A_90 : i32
      %dma_wait3A_92 = arith.constant 0 : i32
      %dma_wait3A_93 = arith.constant 0 : i32
      %dma_wait3A_94 = tpu.memref_slice %arg7[%dma_wait3A_92, %dma_wait3A_93] : memref<40x128xi32, #tpu.memory_space<vmem>> -> memref<1x128xi32, #tpu.memory_space<vmem>>
      %dma_wait3A_95 = tpu.memref_squeeze %dma_wait3A_94 : memref<1x128xi32, #tpu.memory_space<vmem>> -> memref<128xi32, #tpu.memory_space<vmem>>
      %dma_wait3A_96 = arith.constant 0 : i32
      %dma_wait3A_97 = arith.constant 0 : i32
      %dma_wait3A_98 = tpu.memref_slice %arg2[%dma_wait3A_96, %dma_wait3A_97] : memref<10240x128xf32, #tpu.memory_space<hbm>> -> memref<10240x128xf32, #tpu.memory_space<hbm>>
      tpu.wait_indirect_dma semaphore(%arg13 : memref<!tpu.dma_semaphore, #tpu.memory_space<semaphore_mem>>) src(%dma_wait3A_98 : memref<10240x128xf32, #tpu.memory_space<hbm>>) dst(%arg10 : memref<128x128xf32, #tpu.memory_space<vmem>>)
      "tpu.region"() ({
        %run_scoped3A_107 = tpu.sem_alloc : memref<!tpu.dma_semaphore, #tpu.memory_space<semaphore_mem>>
        %dma_start3A_108 = arith.constant 0 : i32
        %dma_start3A_109 = tpu.memref_slice %arg8[%add3A_91, %dma_start3A_108] : memref<40x128xi32, #tpu.memory_space<vmem>> -> memref<1x128xi32, #tpu.memory_space<vmem>>
        %dma_start3A_110 = tpu.memref_squeeze %dma_start3A_109 : memref<1x128xi32, #tpu.memory_space<vmem>> -> memref<128xi32, #tpu.memory_space<vmem>>
        %dma_start3A_111 = arith.constant 0 : i32
        %dma_start3A_112 = arith.constant 0 : i32
        %dma_start3A_113 = tpu.memref_slice %arg11[%dma_start3A_111, %dma_start3A_112] : memref<10240x128xf32, #tpu.memory_space<vmem_shared>> -> memref<10240x128xf32, #tpu.memory_space<vmem_shared>>
        tpu.enqueue_indirect_dma source(%arg10 : memref<128x128xf32, #tpu.memory_space<vmem>>) target(%dma_start3A_113 : memref<10240x128xf32, #tpu.memory_space<vmem_shared>>) offsets(%dma_start3A_110 : memref<128xi32, #tpu.memory_space<vmem>>) semaphore(%run_scoped3A_107 : memref<!tpu.dma_semaphore, #tpu.memory_space<semaphore_mem>>) {add = true}
        %dma_wait3A_114 = arith.constant 0 : i32
        %dma_wait3A_115 = tpu.memref_slice %arg8[%add3A_91, %dma_wait3A_114] : memref<40x128xi32, #tpu.memory_space<vmem>> -> memref<1x128xi32, #tpu.memory_space<vmem>>
        %dma_wait3A_116 = tpu.memref_squeeze %dma_wait3A_115 : memref<1x128xi32, #tpu.memory_space<vmem>> -> memref<128xi32, #tpu.memory_space<vmem>>
        %dma_wait3A_117 = arith.constant 0 : i32
        %dma_wait3A_118 = arith.constant 0 : i32
        %dma_wait3A_119 = tpu.memref_slice %arg11[%dma_wait3A_117, %dma_wait3A_118] : memref<10240x128xf32, #tpu.memory_space<vmem_shared>> -> memref<10240x128xf32, #tpu.memory_space<vmem_shared>>
        tpu.wait_indirect_dma semaphore(%run_scoped3A_107 : memref<!tpu.dma_semaphore, #tpu.memory_space<semaphore_mem>>) src(%arg10 : memref<128x128xf32, #tpu.memory_space<vmem>>) dst(%dma_wait3A_119 : memref<10240x128xf32, #tpu.memory_space<vmem_shared>>)
        tpu.yield
      }) : () -> ()
      %add3A_99 = arith.constant 3 : i32
      %add3A_100 = arith.addi %mul3A_74, %add3A_99 : i32
      %dma_start3A_101 = arith.constant 0 : i32
      %dma_start3A_102 = tpu.memref_slice %arg7[%add3A_100, %dma_start3A_101] : memref<40x128xi32, #tpu.memory_space<vmem>> -> memref<1x128xi32, #tpu.memory_space<vmem>>
      %dma_start3A_103 = tpu.memref_squeeze %dma_start3A_102 : memref<1x128xi32, #tpu.memory_space<vmem>> -> memref<128xi32, #tpu.memory_space<vmem>>
      %dma_start3A_104 = arith.constant 0 : i32
      %dma_start3A_105 = arith.constant 0 : i32
      %dma_start3A_106 = tpu.memref_slice %arg2[%dma_start3A_104, %dma_start3A_105] : memref<10240x128xf32, #tpu.memory_space<hbm>> -> memref<10240x128xf32, #tpu.memory_space<hbm>>
      tpu.enqueue_indirect_dma source(%dma_start3A_106 : memref<10240x128xf32, #tpu.memory_space<hbm>>) target(%arg10 : memref<128x128xf32, #tpu.memory_space<vmem>>) offsets(%dma_start3A_103 : memref<128xi32, #tpu.memory_space<vmem>>) semaphore(%arg13 : memref<!tpu.dma_semaphore, #tpu.memory_space<semaphore_mem>>)
    }
    %scan3A_54 = arith.constant 19 : i32
    %dma_wait3A_55 = arith.constant 0 : i32
    %dma_wait3A_56 = arith.constant 0 : i32
    %dma_wait3A_57 = tpu.memref_slice %arg7[%dma_wait3A_55, %dma_wait3A_56] : memref<40x128xi32, #tpu.memory_space<vmem>> -> memref<1x128xi32, #tpu.memory_space<vmem>>
    %dma_wait3A_58 = tpu.memref_squeeze %dma_wait3A_57 : memref<1x128xi32, #tpu.memory_space<vmem>> -> memref<128xi32, #tpu.memory_space<vmem>>
    %dma_wait3A_59 = arith.constant 0 : i32
    %dma_wait3A_60 = arith.constant 0 : i32
    %dma_wait3A_61 = tpu.memref_slice %arg2[%dma_wait3A_59, %dma_wait3A_60] : memref<10240x128xf32, #tpu.memory_space<hbm>> -> memref<10240x128xf32, #tpu.memory_space<hbm>>
    tpu.wait_indirect_dma semaphore(%arg12 : memref<!tpu.dma_semaphore, #tpu.memory_space<semaphore_mem>>) src(%dma_wait3A_61 : memref<10240x128xf32, #tpu.memory_space<hbm>>) dst(%arg9 : memref<128x128xf32, #tpu.memory_space<vmem>>)
    %run_scoped3A_62 = arith.constant 38 : i32
    "tpu.region"() ({
      %run_scoped3A_72 = tpu.sem_alloc : memref<!tpu.dma_semaphore, #tpu.memory_space<semaphore_mem>>
      %dma_start3A_73 = arith.constant 0 : i32
      %dma_start3A_74 = tpu.memref_slice %arg8[%run_scoped3A_62, %dma_start3A_73] : memref<40x128xi32, #tpu.memory_space<vmem>> -> memref<1x128xi32, #tpu.memory_space<vmem>>
      %dma_start3A_75 = tpu.memref_squeeze %dma_start3A_74 : memref<1x128xi32, #tpu.memory_space<vmem>> -> memref<128xi32, #tpu.memory_space<vmem>>
      %dma_start3A_76 = arith.constant 0 : i32
      %dma_start3A_77 = arith.constant 0 : i32
      %dma_start3A_78 = tpu.memref_slice %arg11[%dma_start3A_76, %dma_start3A_77] : memref<10240x128xf32, #tpu.memory_space<vmem_shared>> -> memref<10240x128xf32, #tpu.memory_space<vmem_shared>>
      tpu.enqueue_indirect_dma source(%arg9 : memref<128x128xf32, #tpu.memory_space<vmem>>) target(%dma_start3A_78 : memref<10240x128xf32, #tpu.memory_space<vmem_shared>>) offsets(%dma_start3A_75 : memref<128xi32, #tpu.memory_space<vmem>>) semaphore(%run_scoped3A_72 : memref<!tpu.dma_semaphore, #tpu.memory_space<semaphore_mem>>) {add = true}
      %dma_wait3A_79 = arith.constant 0 : i32
      %dma_wait3A_80 = tpu.memref_slice %arg8[%run_scoped3A_62, %dma_wait3A_79] : memref<40x128xi32, #tpu.memory_space<vmem>> -> memref<1x128xi32, #tpu.memory_space<vmem>>
      %dma_wait3A_81 = tpu.memref_squeeze %dma_wait3A_80 : memref<1x128xi32, #tpu.memory_space<vmem>> -> memref<128xi32, #tpu.memory_space<vmem>>
      %dma_wait3A_82 = arith.constant 0 : i32
      %dma_wait3A_83 = arith.constant 0 : i32
      %dma_wait3A_84 = tpu.memref_slice %arg11[%dma_wait3A_82, %dma_wait3A_83] : memref<10240x128xf32, #tpu.memory_space<vmem_shared>> -> memref<10240x128xf32, #tpu.memory_space<vmem_shared>>
      tpu.wait_indirect_dma semaphore(%run_scoped3A_72 : memref<!tpu.dma_semaphore, #tpu.memory_space<semaphore_mem>>) src(%arg9 : memref<128x128xf32, #tpu.memory_space<vmem>>) dst(%dma_wait3A_84 : memref<10240x128xf32, #tpu.memory_space<vmem_shared>>)
      tpu.yield
    }) : () -> ()
    %dma_wait3A_63 = arith.constant 0 : i32
    %dma_wait3A_64 = arith.constant 0 : i32
    %dma_wait3A_65 = tpu.memref_slice %arg7[%dma_wait3A_63, %dma_wait3A_64] : memref<40x128xi32, #tpu.memory_space<vmem>> -> memref<1x128xi32, #tpu.memory_space<vmem>>
    %dma_wait3A_66 = tpu.memref_squeeze %dma_wait3A_65 : memref<1x128xi32, #tpu.memory_space<vmem>> -> memref<128xi32, #tpu.memory_space<vmem>>
    %dma_wait3A_67 = arith.constant 0 : i32
    %dma_wait3A_68 = arith.constant 0 : i32
    %dma_wait3A_69 = tpu.memref_slice %arg2[%dma_wait3A_67, %dma_wait3A_68] : memref<10240x128xf32, #tpu.memory_space<hbm>> -> memref<10240x128xf32, #tpu.memory_space<hbm>>
    tpu.wait_indirect_dma semaphore(%arg13 : memref<!tpu.dma_semaphore, #tpu.memory_space<semaphore_mem>>) src(%dma_wait3A_69 : memref<10240x128xf32, #tpu.memory_space<hbm>>) dst(%arg10 : memref<128x128xf32, #tpu.memory_space<vmem>>)
    %run_scoped3A_70 = arith.constant 39 : i32
    "tpu.region"() ({
      %run_scoped3A_72 = tpu.sem_alloc : memref<!tpu.dma_semaphore, #tpu.memory_space<semaphore_mem>>
      %dma_start3A_73 = arith.constant 0 : i32
      %dma_start3A_74 = tpu.memref_slice %arg8[%run_scoped3A_70, %dma_start3A_73] : memref<40x128xi32, #tpu.memory_space<vmem>> -> memref<1x128xi32, #tpu.memory_space<vmem>>
      %dma_start3A_75 = tpu.memref_squeeze %dma_start3A_74 : memref<1x128xi32, #tpu.memory_space<vmem>> -> memref<128xi32, #tpu.memory_space<vmem>>
      %dma_start3A_76 = arith.constant 0 : i32
      %dma_start3A_77 = arith.constant 0 : i32
      %dma_start3A_78 = tpu.memref_slice %arg11[%dma_start3A_76, %dma_start3A_77] : memref<10240x128xf32, #tpu.memory_space<vmem_shared>> -> memref<10240x128xf32, #tpu.memory_space<vmem_shared>>
      tpu.enqueue_indirect_dma source(%arg10 : memref<128x128xf32, #tpu.memory_space<vmem>>) target(%dma_start3A_78 : memref<10240x128xf32, #tpu.memory_space<vmem_shared>>) offsets(%dma_start3A_75 : memref<128xi32, #tpu.memory_space<vmem>>) semaphore(%run_scoped3A_72 : memref<!tpu.dma_semaphore, #tpu.memory_space<semaphore_mem>>) {add = true}
      %dma_wait3A_79 = arith.constant 0 : i32
      %dma_wait3A_80 = tpu.memref_slice %arg8[%run_scoped3A_70, %dma_wait3A_79] : memref<40x128xi32, #tpu.memory_space<vmem>> -> memref<1x128xi32, #tpu.memory_space<vmem>>
      %dma_wait3A_81 = tpu.memref_squeeze %dma_wait3A_80 : memref<1x128xi32, #tpu.memory_space<vmem>> -> memref<128xi32, #tpu.memory_space<vmem>>
      %dma_wait3A_82 = arith.constant 0 : i32
      %dma_wait3A_83 = arith.constant 0 : i32
      %dma_wait3A_84 = tpu.memref_slice %arg11[%dma_wait3A_82, %dma_wait3A_83] : memref<10240x128xf32, #tpu.memory_space<vmem_shared>> -> memref<10240x128xf32, #tpu.memory_space<vmem_shared>>
      tpu.wait_indirect_dma semaphore(%run_scoped3A_72 : memref<!tpu.dma_semaphore, #tpu.memory_space<semaphore_mem>>) src(%arg10 : memref<128x128xf32, #tpu.memory_space<vmem>>) dst(%dma_wait3A_84 : memref<10240x128xf32, #tpu.memory_space<vmem_shared>>)
      tpu.yield
    }) : () -> ()
    %barrier3A_71 = arith.constant 0 : index
    tpu.barrier barrier_id(%barrier3A_71)
    "tpu.region"() ({
      %run_scoped3A_72 = tpu.sem_alloc : memref<!tpu.dma_semaphore, #tpu.memory_space<semaphore_mem>>
      %dma_start3A_73 = arith.constant 0 : i32
      %dma_start3A_74 = tpu.memref_slice %arg6[%arg0, %mul3A_2, %dma_start3A_73] : memref<2x10240x128xf32, #tpu.memory_space<hbm>> -> memref<1x640x128xf32, #tpu.memory_space<hbm>>
      %dma_start3A_75 = tpu.memref_squeeze %dma_start3A_74 : memref<1x640x128xf32, #tpu.memory_space<hbm>> -> memref<640x128xf32, #tpu.memory_space<hbm>>
      %dma_start3A_76 = arith.constant 0 : i32
      %dma_start3A_77 = tpu.memref_slice %arg11[%mul3A_2, %dma_start3A_76] : memref<10240x128xf32, #tpu.memory_space<vmem_shared>> -> memref<640x128xf32, #tpu.memory_space<vmem_shared>>
      tpu.enqueue_dma source(%dma_start3A_77 : memref<640x128xf32, #tpu.memory_space<vmem_shared>>) target(%dma_start3A_75 : memref<640x128xf32, #tpu.memory_space<hbm>>) target_semaphore(%run_scoped3A_72 : memref<!tpu.dma_semaphore, #tpu.memory_space<semaphore_mem>>)
      %dma_wait3A_78 = arith.constant 0 : i32
      %dma_wait3A_79 = tpu.memref_slice %arg6[%arg0, %mul3A_2, %dma_wait3A_78] : memref<2x10240x128xf32, #tpu.memory_space<hbm>> -> memref<1x640x128xf32, #tpu.memory_space<hbm>>
      %dma_wait3A_80 = tpu.memref_squeeze %dma_wait3A_79 : memref<1x640x128xf32, #tpu.memory_space<hbm>> -> memref<640x128xf32, #tpu.memory_space<hbm>>
      %dma_wait3A_81 = arith.constant 0 : i32
      %dma_wait3A_82 = tpu.memref_slice %arg11[%mul3A_2, %dma_wait3A_81] : memref<10240x128xf32, #tpu.memory_space<vmem_shared>> -> memref<640x128xf32, #tpu.memory_space<vmem_shared>>
      tpu.wait_dma2 semaphore(%run_scoped3A_72 : memref<!tpu.dma_semaphore, #tpu.memory_space<semaphore_mem>>) src(%dma_wait3A_82 : memref<640x128xf32, #tpu.memory_space<vmem_shared>>) dst(%dma_wait3A_80 : memref<640x128xf32, #tpu.memory_space<hbm>>)
      tpu.yield
    }) : () -> ()
    return
  }
}

module attributes {stable_mosaic.version = 14 : i64} {
  func.func @_pre0_body(%arg0: i32, %arg1: memref<1024x128xf32, #tpu.memory_space<vmem>>, %arg2: memref<128x128xf32, #tpu.memory_space<vmem>>, %arg3: memref<1x128xf32, #tpu.memory_space<vmem>>, %arg4: memref<1024x128xf32, #tpu.memory_space<vmem>>) attributes {dimension_semantics = [#tpu.dimension_semantics<arbitrary>], iteration_bounds = array<i64: 10>, scalar_prefetch = 0 : i64, scratch_operands = 0 : i64, tpu.core_type = #tpu.core_type<tc>, window_params = [{transform_indices = @transform_0, window_bounds = array<i64: 1024, 128>}, {pipeline_mode = #tpu.pipeline_mode<synchronous>, transform_indices = @transform_1, window_bounds = array<i64: 128, 128>}, {pipeline_mode = #tpu.pipeline_mode<synchronous>, transform_indices = @transform_2, window_bounds = array<i64: 1, 128>}, {transform_indices = @transform_3, window_bounds = array<i64: 1024, 128>}]} {
    %get3A = arith.constant 0 : index
    %get3A_0 = arith.constant 0 : index
    %get3A_1 = vector.load %arg1[%get3A, %get3A_0] : memref<1024x128xf32, #tpu.memory_space<vmem>>, vector<1024x128xf32>
    %mul3A = arith.mulf %get3A_1, %get3A_1 : vector<1024x128xf32>
    %reduce_sum3A = arith.constant dense<0.000000e+00> : vector<1024xf32>
    %reduce_sum3A_2 = vector.multi_reduction <add>, %mul3A, %reduce_sum3A [1] : vector<1024x128xf32> to vector<1024xf32>
    %broadcast_in_dim3A = vector.shape_cast %reduce_sum3A_2 : vector<1024xf32> to vector<1024x1xf32>
    %sqrt3A = math.sqrt %broadcast_in_dim3A : vector<1024x1xf32>
    %max3A = arith.constant 1.000000e-07 : f32
    %max3A_3 = vector.broadcast %max3A : f32 to vector<1024x1xf32>
    %max3A_4 = arith.maximumf %sqrt3A, %max3A_3 : vector<1024x1xf32>
    %min3A = arith.constant 3.000000e+01 : f32
    %min3A_5 = vector.broadcast %min3A : f32 to vector<1024x1xf32>
    %min3A_6 = arith.minimumf %max3A_4, %min3A_5 : vector<1024x1xf32>
    %exp3A = math.exp %min3A_6 : vector<1024x1xf32>
    %div3A = arith.constant 1.000000e+00 : f32
    %div3A_7 = vector.broadcast %div3A : f32 to vector<1024x1xf32>
    %div3A_8 = arith.divf %div3A_7, %exp3A : vector<1024x1xf32>
    %add3A = arith.addf %exp3A, %div3A_8 : vector<1024x1xf32>
    %mul3A_9 = arith.constant 5.000000e-01 : f32
    %mul3A_10 = vector.broadcast %mul3A_9 : f32 to vector<1024x1xf32>
    %mul3A_11 = arith.mulf %mul3A_10, %add3A : vector<1024x1xf32>
    %sub3A = arith.subf %exp3A, %div3A_8 : vector<1024x1xf32>
    %mul3A_12 = arith.constant 5.000000e-01 : f32
    %mul3A_13 = vector.broadcast %mul3A_12 : f32 to vector<1024x1xf32>
    %mul3A_14 = arith.mulf %mul3A_13, %sub3A : vector<1024x1xf32>
    %div3A_15 = arith.divf %mul3A_14, %max3A_4 : vector<1024x1xf32>
    %mul3A_16 = vector.broadcast %div3A_15 : vector<1024x1xf32> to vector<1024x128xf32>
    %mul3A_17 = arith.mulf %mul3A_16, %get3A_1 : vector<1024x128xf32>
    %mul3A_18 = arith.mulf %mul3A_17, %mul3A_17 : vector<1024x128xf32>
    %reduce_sum3A_19 = arith.constant dense<0.000000e+00> : vector<1024xf32>
    %reduce_sum3A_20 = vector.multi_reduction <add>, %mul3A_18, %reduce_sum3A_19 [1] : vector<1024x128xf32> to vector<1024xf32>
    %broadcast_in_dim3A_21 = vector.shape_cast %reduce_sum3A_20 : vector<1024xf32> to vector<1024x1xf32>
    %sqrt3A_22 = math.sqrt %broadcast_in_dim3A_21 : vector<1024x1xf32>
    %max3A_23 = arith.constant 1.000000e-07 : f32
    %max3A_24 = vector.broadcast %max3A_23 : f32 to vector<1024x1xf32>
    %max3A_25 = arith.maximumf %sqrt3A_22, %max3A_24 : vector<1024x1xf32>
    %max3A_26 = arith.constant 1.00000012 : f32
    %max3A_27 = vector.broadcast %max3A_26 : f32 to vector<1024x1xf32>
    %max3A_28 = arith.maximumf %mul3A_11, %max3A_27 : vector<1024x1xf32>
    %sub3A_29 = arith.constant 1.000000e+00 : f32
    %sub3A_30 = vector.broadcast %sub3A_29 : f32 to vector<1024x1xf32>
    %sub3A_31 = arith.subf %max3A_28, %sub3A_30 : vector<1024x1xf32>
    %add3A_32 = arith.constant 1.000000e+00 : f32
    %add3A_33 = vector.broadcast %add3A_32 : f32 to vector<1024x1xf32>
    %add3A_34 = arith.addf %max3A_28, %add3A_33 : vector<1024x1xf32>
    %mul3A_35 = arith.mulf %sub3A_31, %add3A_34 : vector<1024x1xf32>
    %sqrt3A_36 = math.sqrt %mul3A_35 : vector<1024x1xf32>
    %add3A_37 = arith.addf %max3A_28, %sqrt3A_36 : vector<1024x1xf32>
    %log3A = math.log %add3A_37 : vector<1024x1xf32>
    %div3A_38 = arith.divf %log3A, %max3A_25 : vector<1024x1xf32>
    %mul3A_39 = vector.broadcast %div3A_38 : vector<1024x1xf32> to vector<1024x128xf32>
    %mul3A_40 = arith.mulf %mul3A_39, %mul3A_17 : vector<1024x128xf32>
    %get3A_41 = arith.constant 0 : index
    %get3A_42 = arith.constant 0 : index
    %get3A_43 = vector.load %arg2[%get3A_41, %get3A_42] : memref<128x128xf32, #tpu.memory_space<vmem>>, vector<128x128xf32>
    %get3A_44 = arith.constant 0 : index
    %get3A_45 = arith.constant 0 : index
    %get3A_46 = vector.load %arg3[%get3A_44, %get3A_45] : memref<1x128xf32, #tpu.memory_space<vmem>>, vector<1x128xf32>
    %dot_general3A = arith.constant dense<0.000000e+00> : vector<1024x128xf32>
    %dot_general3A_47 = tpu.matmul %mul3A_40, %get3A_43, %dot_general3A {dimension_numbers = #tpu.dot_dimension_numbers<[1], [0], [0], [1], [0, 0, 1, 1], [], []>, precision = #tpu.contract_precision<fp32>, transpose_lhs_hint = false} : vector<1024x128xf32>, vector<128x128xf32>, vector<1024x128xf32> -> vector<1024x128xf32>
    %add3A_48 = vector.broadcast %get3A_46 : vector<1x128xf32> to vector<1024x128xf32>
    %add3A_49 = arith.addf %dot_general3A_47, %add3A_48 : vector<1024x128xf32>
    %mul3A_50 = arith.mulf %add3A_49, %add3A_49 : vector<1024x128xf32>
    %reduce_sum3A_51 = arith.constant dense<0.000000e+00> : vector<1024xf32>
    %reduce_sum3A_52 = vector.multi_reduction <add>, %mul3A_50, %reduce_sum3A_51 [1] : vector<1024x128xf32> to vector<1024xf32>
    %broadcast_in_dim3A_53 = vector.shape_cast %reduce_sum3A_52 : vector<1024xf32> to vector<1024x1xf32>
    %sqrt3A_54 = math.sqrt %broadcast_in_dim3A_53 : vector<1024x1xf32>
    %max3A_55 = arith.constant 1.000000e-07 : f32
    %max3A_56 = vector.broadcast %max3A_55 : f32 to vector<1024x1xf32>
    %max3A_57 = arith.maximumf %sqrt3A_54, %max3A_56 : vector<1024x1xf32>
    %min3A_58 = arith.constant 3.000000e+01 : f32
    %min3A_59 = vector.broadcast %min3A_58 : f32 to vector<1024x1xf32>
    %min3A_60 = arith.minimumf %max3A_57, %min3A_59 : vector<1024x1xf32>
    %exp3A_61 = math.exp %min3A_60 : vector<1024x1xf32>
    %div3A_62 = arith.constant 1.000000e+00 : f32
    %div3A_63 = vector.broadcast %div3A_62 : f32 to vector<1024x1xf32>
    %div3A_64 = arith.divf %div3A_63, %exp3A_61 : vector<1024x1xf32>
    %add3A_65 = arith.addf %exp3A_61, %div3A_64 : vector<1024x1xf32>
    %mul3A_66 = arith.constant 5.000000e-01 : f32
    %mul3A_67 = vector.broadcast %mul3A_66 : f32 to vector<1024x1xf32>
    %mul3A_68 = arith.mulf %mul3A_67, %add3A_65 : vector<1024x1xf32>
    %sub3A_69 = arith.subf %exp3A_61, %div3A_64 : vector<1024x1xf32>
    %mul3A_70 = arith.constant 5.000000e-01 : f32
    %mul3A_71 = vector.broadcast %mul3A_70 : f32 to vector<1024x1xf32>
    %mul3A_72 = arith.mulf %mul3A_71, %sub3A_69 : vector<1024x1xf32>
    %div3A_73 = arith.divf %mul3A_72, %max3A_57 : vector<1024x1xf32>
    %mul3A_74 = vector.broadcast %div3A_73 : vector<1024x1xf32> to vector<1024x128xf32>
    %mul3A_75 = arith.mulf %mul3A_74, %add3A_49 : vector<1024x128xf32>
    %iota3A = tpu.iota {dimensions = array<i32: 1>} : vector<1x128xi32>
    %eq3A = arith.constant 0 : i32
    %eq3A_76 = vector.broadcast %eq3A : i32 to vector<1x128xi32>
    %eq3A_77 = arith.cmpi eq, %iota3A, %eq3A_76 : vector<1x128xi32>
    %broadcast_in_dim3A_78 = vector.shape_cast %eq3A_77 : vector<1x128xi1> to vector<1x128xi1>
    %broadcast_in_dim3A_79 = vector.broadcast %broadcast_in_dim3A_78 : vector<1x128xi1> to vector<1024x128xi1>
    %broadcast_in_dim3A_80 = vector.shape_cast %mul3A_68 : vector<1024x1xf32> to vector<1024x1xf32>
    %broadcast_in_dim3A_81 = vector.broadcast %broadcast_in_dim3A_80 : vector<1024x1xf32> to vector<1024x128xf32>
    %select_n3A = arith.select %broadcast_in_dim3A_79, %broadcast_in_dim3A_81, %mul3A_75 : vector<1024x128xi1>, vector<1024x128xf32>
    %swap3A = arith.constant 0 : index
    %swap3A_82 = arith.constant 0 : index
    %swap3A_83 = vector.load %arg4[%swap3A, %swap3A_82] : memref<1024x128xf32, #tpu.memory_space<vmem>>, vector<1024x128xf32>
    tpu.vector_store %arg4[%swap3A, %swap3A_82], %select_n3A {strides = array<i32>} : memref<1024x128xf32, #tpu.memory_space<vmem>>, vector<1024x128xf32>,
    return
  }
  func.func @transform_0(%arg0: i32) -> (i32, i32) {
    %c0_i32 = arith.constant 0 : i32
    %c0_i32_0 = arith.constant 0 : i32
    return %arg0, %c0_i32 : i32, i32
  }
  func.func @transform_1(%arg0: i32) -> (i32, i32) {
    %c0_i32 = arith.constant 0 : i32
    %c0_i32_0 = arith.constant 0 : i32
    %c0_i32_1 = arith.constant 0 : i32
    return %c0_i32, %c0_i32_0 : i32, i32
  }
  func.func @transform_2(%arg0: i32) -> (i32, i32) {
    %c0_i32 = arith.constant 0 : i32
    %c0_i32_0 = arith.constant 0 : i32
    %c0_i32_1 = arith.constant 0 : i32
    return %c0_i32, %c0_i32_0 : i32, i32
  }
  func.func @transform_3(%arg0: i32) -> (i32, i32) {
    %c0_i32 = arith.constant 0 : i32
    %c0_i32_0 = arith.constant 0 : i32
    return %arg0, %c0_i32 : i32, i32
  }
}

module attributes {stable_mosaic.version = 14 : i64} {
  func.func @_mid_body(%arg0: i32, %arg1: memref<1024x128xf32, #tpu.memory_space<vmem>>, %arg2: memref<1024x128xf32, #tpu.memory_space<vmem>>, %arg3: memref<1024x16xf32, #tpu.memory_space<vmem>>, %arg4: memref<1024x16xf32, #tpu.memory_space<vmem>>, %arg5: memref<1024x128xf32, #tpu.memory_space<vmem>>, %arg6: memref<128x128xf32, #tpu.memory_space<vmem>>, %arg7: memref<1x128xf32, #tpu.memory_space<vmem>>, %arg8: memref<1024x128xf32, #tpu.memory_space<vmem>>) attributes {dimension_semantics = [#tpu.dimension_semantics<arbitrary>], iteration_bounds = array<i64: 10>, scalar_prefetch = 0 : i64, scratch_operands = 0 : i64, tpu.core_type = #tpu.core_type<tc>, window_params = [{transform_indices = @transform_0, window_bounds = array<i64: 1024, 128>}, {transform_indices = @transform_1, window_bounds = array<i64: 1024, 128>}, {transform_indices = @transform_2, window_bounds = array<i64: 1024, 16>}, {transform_indices = @transform_3, window_bounds = array<i64: 1024, 16>}, {transform_indices = @transform_4, window_bounds = array<i64: 1024, 128>}, {pipeline_mode = #tpu.pipeline_mode<synchronous>, transform_indices = @transform_5, window_bounds = array<i64: 128, 128>}, {pipeline_mode = #tpu.pipeline_mode<synchronous>, transform_indices = @transform_6, window_bounds = array<i64: 1, 128>}, {transform_indices = @transform_7, window_bounds = array<i64: 1024, 128>}]} {
    %get3A = arith.constant 0 : index
    %get3A_0 = arith.constant 0 : index
    %get3A_1 = vector.load %arg3[%get3A, %get3A_0] : memref<1024x16xf32, #tpu.memory_space<vmem>>, vector<1024x16xf32>
    %get3A_2 = arith.constant 0 : index
    %get3A_3 = arith.constant 0 : index
    %get3A_4 = vector.load %arg4[%get3A_2, %get3A_3] : memref<1024x16xf32, #tpu.memory_space<vmem>>, vector<1024x16xf32>
    %iota3A = tpu.iota {dimensions = array<i32: 1>} : vector<1x16xi32>
    %eq3A = arith.constant 0 : i32
    %eq3A_5 = vector.broadcast %eq3A : i32 to vector<1x16xi32>
    %eq3A_6 = arith.cmpi eq, %iota3A, %eq3A_5 : vector<1x16xi32>
    %add3A = arith.addf %get3A_1, %get3A_4 : vector<1024x16xf32>
    %jit3A = arith.constant 0.000000e+00 : f32
    %broadcast_in_dim3A = vector.shape_cast %eq3A_6 : vector<1x16xi1> to vector<1x16xi1>
    %broadcast_in_dim3A_7 = vector.broadcast %broadcast_in_dim3A : vector<1x16xi1> to vector<1024x16xi1>
    %broadcast_in_dim3A_8 = vector.broadcast %jit3A : f32 to vector<1024x16xf32>
    %select_n3A = arith.select %broadcast_in_dim3A_7, %add3A, %broadcast_in_dim3A_8 : vector<1024x16xi1>, vector<1024x16xf32>
    %reduce_sum3A = arith.constant dense<0.000000e+00> : vector<1024xf32>
    %reduce_sum3A_9 = vector.multi_reduction <add>, %select_n3A, %reduce_sum3A [1] : vector<1024x16xf32> to vector<1024xf32>
    %broadcast_in_dim3A_10 = vector.shape_cast %reduce_sum3A_9 : vector<1024xf32> to vector<1024x1xf32>
    %get3A_11 = arith.constant 0 : index
    %get3A_12 = arith.constant 0 : index
    %get3A_13 = vector.load %arg1[%get3A_11, %get3A_12] : memref<1024x128xf32, #tpu.memory_space<vmem>>, vector<1024x128xf32>
    %get3A_14 = arith.constant 0 : index
    %get3A_15 = arith.constant 0 : index
    %get3A_16 = vector.load %arg2[%get3A_14, %get3A_15] : memref<1024x128xf32, #tpu.memory_space<vmem>>, vector<1024x128xf32>
    %add3A_17 = arith.addf %get3A_13, %get3A_16 : vector<1024x128xf32>
    %get3A_18 = arith.constant 0 : index
    %get3A_19 = arith.constant 0 : index
    %get3A_20 = vector.load %arg5[%get3A_18, %get3A_19] : memref<1024x128xf32, #tpu.memory_space<vmem>>, vector<1024x128xf32>
    %add3A_21 = arith.addf %add3A_17, %get3A_20 : vector<1024x128xf32>
    %add3A_22 = arith.constant 1.000000e+00 : f32
    %add3A_23 = vector.broadcast %add3A_22 : f32 to vector<1024x1xf32>
    %add3A_24 = arith.addf %broadcast_in_dim3A_10, %add3A_23 : vector<1024x1xf32>
    %div3A = vector.broadcast %add3A_24 : vector<1024x1xf32> to vector<1024x128xf32>
    %div3A_25 = arith.divf %add3A_21, %div3A : vector<1024x128xf32>
    %iota3A_26 = tpu.iota {dimensions = array<i32: 1>} : vector<1x128xi32>
    %eq3A_27 = arith.constant 0 : i32
    %eq3A_28 = vector.broadcast %eq3A_27 : i32 to vector<1x128xi32>
    %eq3A_29 = arith.cmpi eq, %iota3A_26, %eq3A_28 : vector<1x128xi32>
    %jit3A_30 = arith.constant 0.000000e+00 : f32
    %broadcast_in_dim3A_31 = vector.shape_cast %eq3A_29 : vector<1x128xi1> to vector<1x128xi1>
    %broadcast_in_dim3A_32 = vector.broadcast %broadcast_in_dim3A_31 : vector<1x128xi1> to vector<1024x128xi1>
    %broadcast_in_dim3A_33 = vector.broadcast %jit3A_30 : f32 to vector<1024x128xf32>
    %select_n3A_34 = arith.select %broadcast_in_dim3A_32, %div3A_25, %broadcast_in_dim3A_33 : vector<1024x128xi1>, vector<1024x128xf32>
    %reduce_sum3A_35 = arith.constant dense<0.000000e+00> : vector<1024xf32>
    %reduce_sum3A_36 = vector.multi_reduction <add>, %select_n3A_34, %reduce_sum3A_35 [1] : vector<1024x128xf32> to vector<1024xf32>
    %broadcast_in_dim3A_37 = vector.shape_cast %reduce_sum3A_36 : vector<1024xf32> to vector<1024x1xf32>
    %mul3A = arith.mulf %div3A_25, %div3A_25 : vector<1024x128xf32>
    %reduce_sum3A_38 = arith.constant dense<0.000000e+00> : vector<1024xf32>
    %reduce_sum3A_39 = vector.multi_reduction <add>, %mul3A, %reduce_sum3A_38 [1] : vector<1024x128xf32> to vector<1024xf32>
    %broadcast_in_dim3A_40 = vector.shape_cast %reduce_sum3A_39 : vector<1024xf32> to vector<1024x1xf32>
    %mul3A_41 = arith.constant 2.000000e+00 : f32
    %mul3A_42 = vector.broadcast %mul3A_41 : f32 to vector<1024x1xf32>
    %mul3A_43 = arith.mulf %mul3A_42, %broadcast_in_dim3A_37 : vector<1024x1xf32>
    %mul3A_44 = arith.mulf %mul3A_43, %broadcast_in_dim3A_37 : vector<1024x1xf32>
    %sub3A = arith.subf %broadcast_in_dim3A_40, %mul3A_44 : vector<1024x1xf32>
    %abs3A = math.absf %sub3A : vector<1024x1xf32>
    %max3A = arith.constant 1.000000e-07 : f32
    %max3A_45 = vector.broadcast %max3A : f32 to vector<1024x1xf32>
    %max3A_46 = arith.maximumf %abs3A, %max3A_45 : vector<1024x1xf32>
    %sqrt3A = math.sqrt %max3A_46 : vector<1024x1xf32>
    %div3A_47 = vector.broadcast %sqrt3A : vector<1024x1xf32> to vector<1024x128xf32>
    %div3A_48 = arith.divf %div3A_25, %div3A_47 : vector<1024x128xf32>
    %iota3A_49 = tpu.iota {dimensions = array<i32: 1>} : vector<1x128xi32>
    %eq3A_50 = arith.constant 0 : i32
    %eq3A_51 = vector.broadcast %eq3A_50 : i32 to vector<1x128xi32>
    %eq3A_52 = arith.cmpi eq, %iota3A_49, %eq3A_51 : vector<1x128xi32>
    %jit3A_53 = arith.constant 0.000000e+00 : f32
    %broadcast_in_dim3A_54 = vector.shape_cast %eq3A_52 : vector<1x128xi1> to vector<1x128xi1>
    %broadcast_in_dim3A_55 = vector.broadcast %broadcast_in_dim3A_54 : vector<1x128xi1> to vector<1024x128xi1>
    %broadcast_in_dim3A_56 = vector.broadcast %jit3A_53 : f32 to vector<1024x128xf32>
    %select_n3A_57 = arith.select %broadcast_in_dim3A_55, %div3A_48, %broadcast_in_dim3A_56 : vector<1024x128xi1>, vector<1024x128xf32>
    %reduce_sum3A_58 = arith.constant dense<0.000000e+00> : vector<1024xf32>
    %reduce_sum3A_59 = vector.multi_reduction <add>, %select_n3A_57, %reduce_sum3A_58 [1] : vector<1024x128xf32> to vector<1024xf32>
    %broadcast_in_dim3A_60 = vector.shape_cast %reduce_sum3A_59 : vector<1024xf32> to vector<1024x1xf32>
    %jit3A_61 = arith.constant 0.000000e+00 : f32
    %broadcast_in_dim3A_62 = vector.shape_cast %eq3A_52 : vector<1x128xi1> to vector<1x128xi1>
    %broadcast_in_dim3A_63 = vector.broadcast %broadcast_in_dim3A_62 : vector<1x128xi1> to vector<1024x128xi1>
    %broadcast_in_dim3A_64 = vector.broadcast %jit3A_61 : f32 to vector<1024x128xf32>
    %select_n3A_65 = arith.select %broadcast_in_dim3A_63, %broadcast_in_dim3A_64, %div3A_48 : vector<1024x128xi1>, vector<1024x128xf32>
    %mul3A_66 = arith.mulf %select_n3A_65, %select_n3A_65 : vector<1024x128xf32>
    %reduce_sum3A_67 = arith.constant dense<0.000000e+00> : vector<1024xf32>
    %reduce_sum3A_68 = vector.multi_reduction <add>, %mul3A_66, %reduce_sum3A_67 [1] : vector<1024x128xf32> to vector<1024xf32>
    %broadcast_in_dim3A_69 = vector.shape_cast %reduce_sum3A_68 : vector<1024xf32> to vector<1024x1xf32>
    %sqrt3A_70 = math.sqrt %broadcast_in_dim3A_69 : vector<1024x1xf32>
    %max3A_71 = arith.constant 1.000000e-07 : f32
    %max3A_72 = vector.broadcast %max3A_71 : f32 to vector<1024x1xf32>
    %max3A_73 = arith.maximumf %sqrt3A_70, %max3A_72 : vector<1024x1xf32>
    %max3A_74 = arith.constant 1.00000012 : f32
    %max3A_75 = vector.broadcast %max3A_74 : f32 to vector<1024x1xf32>
    %max3A_76 = arith.maximumf %broadcast_in_dim3A_60, %max3A_75 : vector<1024x1xf32>
    %sub3A_77 = arith.constant 1.000000e+00 : f32
    %sub3A_78 = vector.broadcast %sub3A_77 : f32 to vector<1024x1xf32>
    %sub3A_79 = arith.subf %max3A_76, %sub3A_78 : vector<1024x1xf32>
    %add3A_80 = arith.constant 1.000000e+00 : f32
    %add3A_81 = vector.broadcast %add3A_80 : f32 to vector<1024x1xf32>
    %add3A_82 = arith.addf %max3A_76, %add3A_81 : vector<1024x1xf32>
    %mul3A_83 = arith.mulf %sub3A_79, %add3A_82 : vector<1024x1xf32>
    %sqrt3A_84 = math.sqrt %mul3A_83 : vector<1024x1xf32>
    %add3A_85 = arith.addf %max3A_76, %sqrt3A_84 : vector<1024x1xf32>
    %log3A = math.log %add3A_85 : vector<1024x1xf32>
    %div3A_86 = arith.divf %log3A, %max3A_73 : vector<1024x1xf32>
    %mul3A_87 = vector.broadcast %div3A_86 : vector<1024x1xf32> to vector<1024x128xf32>
    %mul3A_88 = arith.mulf %mul3A_87, %select_n3A_65 : vector<1024x128xf32>
    %max3A_89 = arith.constant 0.000000e+00 : f32
    %max3A_90 = vector.broadcast %max3A_89 : f32 to vector<1024x128xf32>
    %max3A_91 = arith.maximumf %mul3A_88, %max3A_90 : vector<1024x128xf32>
    %mul3A_92 = arith.mulf %max3A_91, %max3A_91 : vector<1024x128xf32>
    %reduce_sum3A_93 = arith.constant dense<0.000000e+00> : vector<1024xf32>
    %reduce_sum3A_94 = vector.multi_reduction <add>, %mul3A_92, %reduce_sum3A_93 [1] : vector<1024x128xf32> to vector<1024xf32>
    %broadcast_in_dim3A_95 = vector.shape_cast %reduce_sum3A_94 : vector<1024xf32> to vector<1024x1xf32>
    %sqrt3A_96 = math.sqrt %broadcast_in_dim3A_95 : vector<1024x1xf32>
    %max3A_97 = arith.constant 1.000000e-07 : f32
    %max3A_98 = vector.broadcast %max3A_97 : f32 to vector<1024x1xf32>
    %max3A_99 = arith.maximumf %sqrt3A_96, %max3A_98 : vector<1024x1xf32>
    %min3A = arith.constant 3.000000e+01 : f32
    %min3A_100 = vector.broadcast %min3A : f32 to vector<1024x1xf32>
    %min3A_101 = arith.minimumf %max3A_99, %min3A_100 : vector<1024x1xf32>
    %exp3A = math.exp %min3A_101 : vector<1024x1xf32>
    %div3A_102 = arith.constant 1.000000e+00 : f32
    %div3A_103 = vector.broadcast %div3A_102 : f32 to vector<1024x1xf32>
    %div3A_104 = arith.divf %div3A_103, %exp3A : vector<1024x1xf32>
    %add3A_105 = arith.addf %exp3A, %div3A_104 : vector<1024x1xf32>
    %mul3A_106 = arith.constant 5.000000e-01 : f32
    %mul3A_107 = vector.broadcast %mul3A_106 : f32 to vector<1024x1xf32>
    %mul3A_108 = arith.mulf %mul3A_107, %add3A_105 : vector<1024x1xf32>
    %sub3A_109 = arith.subf %exp3A, %div3A_104 : vector<1024x1xf32>
    %mul3A_110 = arith.constant 5.000000e-01 : f32
    %mul3A_111 = vector.broadcast %mul3A_110 : f32 to vector<1024x1xf32>
    %mul3A_112 = arith.mulf %mul3A_111, %sub3A_109 : vector<1024x1xf32>
    %div3A_113 = arith.divf %mul3A_112, %max3A_99 : vector<1024x1xf32>
    %mul3A_114 = vector.broadcast %div3A_113 : vector<1024x1xf32> to vector<1024x128xf32>
    %mul3A_115 = arith.mulf %mul3A_114, %max3A_91 : vector<1024x128xf32>
    %iota3A_116 = tpu.iota {dimensions = array<i32: 1>} : vector<1x128xi32>
    %eq3A_117 = arith.constant 0 : i32
    %eq3A_118 = vector.broadcast %eq3A_117 : i32 to vector<1x128xi32>
    %eq3A_119 = arith.cmpi eq, %iota3A_116, %eq3A_118 : vector<1x128xi32>
    %broadcast_in_dim3A_120 = vector.shape_cast %eq3A_119 : vector<1x128xi1> to vector<1x128xi1>
    %broadcast_in_dim3A_121 = vector.broadcast %broadcast_in_dim3A_120 : vector<1x128xi1> to vector<1024x128xi1>
    %broadcast_in_dim3A_122 = vector.shape_cast %mul3A_108 : vector<1024x1xf32> to vector<1024x1xf32>
    %broadcast_in_dim3A_123 = vector.broadcast %broadcast_in_dim3A_122 : vector<1024x1xf32> to vector<1024x128xf32>
    %select_n3A_124 = arith.select %broadcast_in_dim3A_121, %broadcast_in_dim3A_123, %mul3A_115 : vector<1024x128xi1>, vector<1024x128xf32>
    %iota3A_125 = tpu.iota {dimensions = array<i32: 1>} : vector<1x128xi32>
    %eq3A_126 = arith.constant 0 : i32
    %eq3A_127 = vector.broadcast %eq3A_126 : i32 to vector<1x128xi32>
    %eq3A_128 = arith.cmpi eq, %iota3A_125, %eq3A_127 : vector<1x128xi32>
    %jit3A_129 = arith.constant 0.000000e+00 : f32
    %broadcast_in_dim3A_130 = vector.shape_cast %eq3A_128 : vector<1x128xi1> to vector<1x128xi1>
    %broadcast_in_dim3A_131 = vector.broadcast %broadcast_in_dim3A_130 : vector<1x128xi1> to vector<1024x128xi1>
    %broadcast_in_dim3A_132 = vector.broadcast %jit3A_129 : f32 to vector<1024x128xf32>
    %select_n3A_133 = arith.select %broadcast_in_dim3A_131, %select_n3A_124, %broadcast_in_dim3A_132 : vector<1024x128xi1>, vector<1024x128xf32>
    %reduce_sum3A_134 = arith.constant dense<0.000000e+00> : vector<1024xf32>
    %reduce_sum3A_135 = vector.multi_reduction <add>, %select_n3A_133, %reduce_sum3A_134 [1] : vector<1024x128xf32> to vector<1024xf32>
    %broadcast_in_dim3A_136 = vector.shape_cast %reduce_sum3A_135 : vector<1024xf32> to vector<1024x1xf32>
    %jit3A_137 = arith.constant 0.000000e+00 : f32
    %broadcast_in_dim3A_138 = vector.shape_cast %eq3A_128 : vector<1x128xi1> to vector<1x128xi1>
    %broadcast_in_dim3A_139 = vector.broadcast %broadcast_in_dim3A_138 : vector<1x128xi1> to vector<1024x128xi1>
    %broadcast_in_dim3A_140 = vector.broadcast %jit3A_137 : f32 to vector<1024x128xf32>
    %select_n3A_141 = arith.select %broadcast_in_dim3A_139, %broadcast_in_dim3A_140, %select_n3A_124 : vector<1024x128xi1>, vector<1024x128xf32>
    %mul3A_142 = arith.mulf %select_n3A_141, %select_n3A_141 : vector<1024x128xf32>
    %reduce_sum3A_143 = arith.constant dense<0.000000e+00> : vector<1024xf32>
    %reduce_sum3A_144 = vector.multi_reduction <add>, %mul3A_142, %reduce_sum3A_143 [1] : vector<1024x128xf32> to vector<1024xf32>
    %broadcast_in_dim3A_145 = vector.shape_cast %reduce_sum3A_144 : vector<1024xf32> to vector<1024x1xf32>
    %sqrt3A_146 = math.sqrt %broadcast_in_dim3A_145 : vector<1024x1xf32>
    %max3A_147 = arith.constant 1.000000e-07 : f32
    %max3A_148 = vector.broadcast %max3A_147 : f32 to vector<1024x1xf32>
    %max3A_149 = arith.maximumf %sqrt3A_146, %max3A_148 : vector<1024x1xf32>
    %max3A_150 = arith.constant 1.00000012 : f32
    %max3A_151 = vector.broadcast %max3A_150 : f32 to vector<1024x1xf32>
    %max3A_152 = arith.maximumf %broadcast_in_dim3A_136, %max3A_151 : vector<1024x1xf32>
    %sub3A_153 = arith.constant 1.000000e+00 : f32
    %sub3A_154 = vector.broadcast %sub3A_153 : f32 to vector<1024x1xf32>
    %sub3A_155 = arith.subf %max3A_152, %sub3A_154 : vector<1024x1xf32>
    %add3A_156 = arith.constant 1.000000e+00 : f32
    %add3A_157 = vector.broadcast %add3A_156 : f32 to vector<1024x1xf32>
    %add3A_158 = arith.addf %max3A_152, %add3A_157 : vector<1024x1xf32>
    %mul3A_159 = arith.mulf %sub3A_155, %add3A_158 : vector<1024x1xf32>
    %sqrt3A_160 = math.sqrt %mul3A_159 : vector<1024x1xf32>
    %add3A_161 = arith.addf %max3A_152, %sqrt3A_160 : vector<1024x1xf32>
    %log3A_162 = math.log %add3A_161 : vector<1024x1xf32>
    %div3A_163 = arith.divf %log3A_162, %max3A_149 : vector<1024x1xf32>
    %mul3A_164 = vector.broadcast %div3A_163 : vector<1024x1xf32> to vector<1024x128xf32>
    %mul3A_165 = arith.mulf %mul3A_164, %select_n3A_141 : vector<1024x128xf32>
    %get3A_166 = arith.constant 0 : index
    %get3A_167 = arith.constant 0 : index
    %get3A_168 = vector.load %arg6[%get3A_166, %get3A_167] : memref<128x128xf32, #tpu.memory_space<vmem>>, vector<128x128xf32>
    %get3A_169 = arith.constant 0 : index
    %get3A_170 = arith.constant 0 : index
    %get3A_171 = vector.load %arg7[%get3A_169, %get3A_170] : memref<1x128xf32, #tpu.memory_space<vmem>>, vector<1x128xf32>
    %dot_general3A = arith.constant dense<0.000000e+00> : vector<1024x128xf32>
    %dot_general3A_172 = tpu.matmul %mul3A_165, %get3A_168, %dot_general3A {dimension_numbers = #tpu.dot_dimension_numbers<[1], [0], [0], [1], [0, 0, 1, 1], [], []>, precision = #tpu.contract_precision<fp32>, transpose_lhs_hint = false} : vector<1024x128xf32>, vector<128x128xf32>, vector<1024x128xf32> -> vector<1024x128xf32>
    %add3A_173 = vector.broadcast %get3A_171 : vector<1x128xf32> to vector<1024x128xf32>
    %add3A_174 = arith.addf %dot_general3A_172, %add3A_173 : vector<1024x128xf32>
    %mul3A_175 = arith.mulf %add3A_174, %add3A_174 : vector<1024x128xf32>
    %reduce_sum3A_176 = arith.constant dense<0.000000e+00> : vector<1024xf32>
    %reduce_sum3A_177 = vector.multi_reduction <add>, %mul3A_175, %reduce_sum3A_176 [1] : vector<1024x128xf32> to vector<1024xf32>
    %broadcast_in_dim3A_178 = vector.shape_cast %reduce_sum3A_177 : vector<1024xf32> to vector<1024x1xf32>
    %sqrt3A_179 = math.sqrt %broadcast_in_dim3A_178 : vector<1024x1xf32>
    %max3A_180 = arith.constant 1.000000e-07 : f32
    %max3A_181 = vector.broadcast %max3A_180 : f32 to vector<1024x1xf32>
    %max3A_182 = arith.maximumf %sqrt3A_179, %max3A_181 : vector<1024x1xf32>
    %min3A_183 = arith.constant 3.000000e+01 : f32
    %min3A_184 = vector.broadcast %min3A_183 : f32 to vector<1024x1xf32>
    %min3A_185 = arith.minimumf %max3A_182, %min3A_184 : vector<1024x1xf32>
    %exp3A_186 = math.exp %min3A_185 : vector<1024x1xf32>
    %div3A_187 = arith.constant 1.000000e+00 : f32
    %div3A_188 = vector.broadcast %div3A_187 : f32 to vector<1024x1xf32>
    %div3A_189 = arith.divf %div3A_188, %exp3A_186 : vector<1024x1xf32>
    %add3A_190 = arith.addf %exp3A_186, %div3A_189 : vector<1024x1xf32>
    %mul3A_191 = arith.constant 5.000000e-01 : f32
    %mul3A_192 = vector.broadcast %mul3A_191 : f32 to vector<1024x1xf32>
    %mul3A_193 = arith.mulf %mul3A_192, %add3A_190 : vector<1024x1xf32>
    %sub3A_194 = arith.subf %exp3A_186, %div3A_189 : vector<1024x1xf32>
    %mul3A_195 = arith.constant 5.000000e-01 : f32
    %mul3A_196 = vector.broadcast %mul3A_195 : f32 to vector<1024x1xf32>
    %mul3A_197 = arith.mulf %mul3A_196, %sub3A_194 : vector<1024x1xf32>
    %div3A_198 = arith.divf %mul3A_197, %max3A_182 : vector<1024x1xf32>
    %mul3A_199 = vector.broadcast %div3A_198 : vector<1024x1xf32> to vector<1024x128xf32>
    %mul3A_200 = arith.mulf %mul3A_199, %add3A_174 : vector<1024x128xf32>
    %iota3A_201 = tpu.iota {dimensions = array<i32: 1>} : vector<1x128xi32>
    %eq3A_202 = arith.constant 0 : i32
    %eq3A_203 = vector.broadcast %eq3A_202 : i32 to vector<1x128xi32>
    %eq3A_204 = arith.cmpi eq, %iota3A_201, %eq3A_203 : vector<1x128xi32>
    %broadcast_in_dim3A_205 = vector.shape_cast %eq3A_204 : vector<1x128xi1> to vector<1x128xi1>
    %broadcast_in_dim3A_206 = vector.broadcast %broadcast_in_dim3A_205 : vector<1x128xi1> to vector<1024x128xi1>
    %broadcast_in_dim3A_207 = vector.shape_cast %mul3A_193 : vector<1024x1xf32> to vector<1024x1xf32>
    %broadcast_in_dim3A_208 = vector.broadcast %broadcast_in_dim3A_207 : vector<1024x1xf32> to vector<1024x128xf32>
    %select_n3A_209 = arith.select %broadcast_in_dim3A_206, %broadcast_in_dim3A_208, %mul3A_200 : vector<1024x128xi1>, vector<1024x128xf32>
    %swap3A = arith.constant 0 : index
    %swap3A_210 = arith.constant 0 : index
    %swap3A_211 = vector.load %arg8[%swap3A, %swap3A_210] : memref<1024x128xf32, #tpu.memory_space<vmem>>, vector<1024x128xf32>
    tpu.vector_store %arg8[%swap3A, %swap3A_210], %select_n3A_209 {strides = array<i32>} : memref<1024x128xf32, #tpu.memory_space<vmem>>, vector<1024x128xf32>,
    return
  }
  func.func @transform_0(%arg0: i32) -> (i32, i32) {
    %c0_i32 = arith.constant 0 : i32
    %c0_i32_0 = arith.constant 0 : i32
    return %arg0, %c0_i32 : i32, i32
  }
  func.func @transform_1(%arg0: i32) -> (i32, i32) {
    %c0_i32 = arith.constant 0 : i32
    %c0_i32_0 = arith.constant 0 : i32
    return %arg0, %c0_i32 : i32, i32
  }
  func.func @transform_2(%arg0: i32) -> (i32, i32) {
    %c0_i32 = arith.constant 0 : i32
    %c0_i32_0 = arith.constant 0 : i32
    return %arg0, %c0_i32 : i32, i32
  }
  func.func @transform_3(%arg0: i32) -> (i32, i32) {
    %c0_i32 = arith.constant 0 : i32
    %c0_i32_0 = arith.constant 0 : i32
    return %arg0, %c0_i32 : i32, i32
  }
  func.func @transform_4(%arg0: i32) -> (i32, i32) {
    %c0_i32 = arith.constant 0 : i32
    %c0_i32_0 = arith.constant 0 : i32
    return %arg0, %c0_i32 : i32, i32
  }
  func.func @transform_5(%arg0: i32) -> (i32, i32) {
    %c0_i32 = arith.constant 0 : i32
    %c0_i32_0 = arith.constant 0 : i32
    %c0_i32_1 = arith.constant 0 : i32
    return %c0_i32, %c0_i32_0 : i32, i32
  }
  func.func @transform_6(%arg0: i32) -> (i32, i32) {
    %c0_i32 = arith.constant 0 : i32
    %c0_i32_0 = arith.constant 0 : i32
    %c0_i32_1 = arith.constant 0 : i32
    return %c0_i32, %c0_i32_0 : i32, i32
  }
  func.func @transform_7(%arg0: i32) -> (i32, i32) {
    %c0_i32 = arith.constant 0 : i32
    %c0_i32_0 = arith.constant 0 : i32
    return %arg0, %c0_i32 : i32, i32
  }
}

module attributes {stable_mosaic.version = 14 : i64} {
  func.func @_post_body(%arg0: i32, %arg1: memref<1024x128xf32, #tpu.memory_space<vmem>>, %arg2: memref<1024x128xf32, #tpu.memory_space<vmem>>, %arg3: memref<1024x16xf32, #tpu.memory_space<vmem>>, %arg4: memref<1024x16xf32, #tpu.memory_space<vmem>>, %arg5: memref<1024x128xf32, #tpu.memory_space<vmem>>, %arg6: memref<1024x128xf32, #tpu.memory_space<vmem>>) attributes {dimension_semantics = [#tpu.dimension_semantics<arbitrary>], iteration_bounds = array<i64: 10>, scalar_prefetch = 0 : i64, scratch_operands = 0 : i64, tpu.core_type = #tpu.core_type<tc>, window_params = [{transform_indices = @transform_0, window_bounds = array<i64: 1024, 128>}, {transform_indices = @transform_1, window_bounds = array<i64: 1024, 128>}, {transform_indices = @transform_2, window_bounds = array<i64: 1024, 16>}, {transform_indices = @transform_3, window_bounds = array<i64: 1024, 16>}, {transform_indices = @transform_4, window_bounds = array<i64: 1024, 128>}, {transform_indices = @transform_5, window_bounds = array<i64: 1024, 128>}]} {
    %get3A = arith.constant 0 : index
    %get3A_0 = arith.constant 0 : index
    %get3A_1 = vector.load %arg3[%get3A, %get3A_0] : memref<1024x16xf32, #tpu.memory_space<vmem>>, vector<1024x16xf32>
    %get3A_2 = arith.constant 0 : index
    %get3A_3 = arith.constant 0 : index
    %get3A_4 = vector.load %arg4[%get3A_2, %get3A_3] : memref<1024x16xf32, #tpu.memory_space<vmem>>, vector<1024x16xf32>
    %iota3A = tpu.iota {dimensions = array<i32: 1>} : vector<1x16xi32>
    %eq3A = arith.constant 0 : i32
    %eq3A_5 = vector.broadcast %eq3A : i32 to vector<1x16xi32>
    %eq3A_6 = arith.cmpi eq, %iota3A, %eq3A_5 : vector<1x16xi32>
    %add3A = arith.addf %get3A_1, %get3A_4 : vector<1024x16xf32>
    %jit3A = arith.constant 0.000000e+00 : f32
    %broadcast_in_dim3A = vector.shape_cast %eq3A_6 : vector<1x16xi1> to vector<1x16xi1>
    %broadcast_in_dim3A_7 = vector.broadcast %broadcast_in_dim3A : vector<1x16xi1> to vector<1024x16xi1>
    %broadcast_in_dim3A_8 = vector.broadcast %jit3A : f32 to vector<1024x16xf32>
    %select_n3A = arith.select %broadcast_in_dim3A_7, %add3A, %broadcast_in_dim3A_8 : vector<1024x16xi1>, vector<1024x16xf32>
    %reduce_sum3A = arith.constant dense<0.000000e+00> : vector<1024xf32>
    %reduce_sum3A_9 = vector.multi_reduction <add>, %select_n3A, %reduce_sum3A [1] : vector<1024x16xf32> to vector<1024xf32>
    %broadcast_in_dim3A_10 = vector.shape_cast %reduce_sum3A_9 : vector<1024xf32> to vector<1024x1xf32>
    %get3A_11 = arith.constant 0 : index
    %get3A_12 = arith.constant 0 : index
    %get3A_13 = vector.load %arg1[%get3A_11, %get3A_12] : memref<1024x128xf32, #tpu.memory_space<vmem>>, vector<1024x128xf32>
    %get3A_14 = arith.constant 0 : index
    %get3A_15 = arith.constant 0 : index
    %get3A_16 = vector.load %arg2[%get3A_14, %get3A_15] : memref<1024x128xf32, #tpu.memory_space<vmem>>, vector<1024x128xf32>
    %add3A_17 = arith.addf %get3A_13, %get3A_16 : vector<1024x128xf32>
    %get3A_18 = arith.constant 0 : index
    %get3A_19 = arith.constant 0 : index
    %get3A_20 = vector.load %arg5[%get3A_18, %get3A_19] : memref<1024x128xf32, #tpu.memory_space<vmem>>, vector<1024x128xf32>
    %add3A_21 = arith.addf %add3A_17, %get3A_20 : vector<1024x128xf32>
    %add3A_22 = arith.constant 1.000000e+00 : f32
    %add3A_23 = vector.broadcast %add3A_22 : f32 to vector<1024x1xf32>
    %add3A_24 = arith.addf %broadcast_in_dim3A_10, %add3A_23 : vector<1024x1xf32>
    %div3A = vector.broadcast %add3A_24 : vector<1024x1xf32> to vector<1024x128xf32>
    %div3A_25 = arith.divf %add3A_21, %div3A : vector<1024x128xf32>
    %iota3A_26 = tpu.iota {dimensions = array<i32: 1>} : vector<1x128xi32>
    %eq3A_27 = arith.constant 0 : i32
    %eq3A_28 = vector.broadcast %eq3A_27 : i32 to vector<1x128xi32>
    %eq3A_29 = arith.cmpi eq, %iota3A_26, %eq3A_28 : vector<1x128xi32>
    %jit3A_30 = arith.constant 0.000000e+00 : f32
    %broadcast_in_dim3A_31 = vector.shape_cast %eq3A_29 : vector<1x128xi1> to vector<1x128xi1>
    %broadcast_in_dim3A_32 = vector.broadcast %broadcast_in_dim3A_31 : vector<1x128xi1> to vector<1024x128xi1>
    %broadcast_in_dim3A_33 = vector.broadcast %jit3A_30 : f32 to vector<1024x128xf32>
    %select_n3A_34 = arith.select %broadcast_in_dim3A_32, %div3A_25, %broadcast_in_dim3A_33 : vector<1024x128xi1>, vector<1024x128xf32>
    %reduce_sum3A_35 = arith.constant dense<0.000000e+00> : vector<1024xf32>
    %reduce_sum3A_36 = vector.multi_reduction <add>, %select_n3A_34, %reduce_sum3A_35 [1] : vector<1024x128xf32> to vector<1024xf32>
    %broadcast_in_dim3A_37 = vector.shape_cast %reduce_sum3A_36 : vector<1024xf32> to vector<1024x1xf32>
    %mul3A = arith.mulf %div3A_25, %div3A_25 : vector<1024x128xf32>
    %reduce_sum3A_38 = arith.constant dense<0.000000e+00> : vector<1024xf32>
    %reduce_sum3A_39 = vector.multi_reduction <add>, %mul3A, %reduce_sum3A_38 [1] : vector<1024x128xf32> to vector<1024xf32>
    %broadcast_in_dim3A_40 = vector.shape_cast %reduce_sum3A_39 : vector<1024xf32> to vector<1024x1xf32>
    %mul3A_41 = arith.constant 2.000000e+00 : f32
    %mul3A_42 = vector.broadcast %mul3A_41 : f32 to vector<1024x1xf32>
    %mul3A_43 = arith.mulf %mul3A_42, %broadcast_in_dim3A_37 : vector<1024x1xf32>
    %mul3A_44 = arith.mulf %mul3A_43, %broadcast_in_dim3A_37 : vector<1024x1xf32>
    %sub3A = arith.subf %broadcast_in_dim3A_40, %mul3A_44 : vector<1024x1xf32>
    %abs3A = math.absf %sub3A : vector<1024x1xf32>
    %max3A = arith.constant 1.000000e-07 : f32
    %max3A_45 = vector.broadcast %max3A : f32 to vector<1024x1xf32>
    %max3A_46 = arith.maximumf %abs3A, %max3A_45 : vector<1024x1xf32>
    %sqrt3A = math.sqrt %max3A_46 : vector<1024x1xf32>
    %div3A_47 = vector.broadcast %sqrt3A : vector<1024x1xf32> to vector<1024x128xf32>
    %div3A_48 = arith.divf %div3A_25, %div3A_47 : vector<1024x128xf32>
    %iota3A_49 = tpu.iota {dimensions = array<i32: 1>} : vector<1x128xi32>
    %eq3A_50 = arith.constant 0 : i32
    %eq3A_51 = vector.broadcast %eq3A_50 : i32 to vector<1x128xi32>
    %eq3A_52 = arith.cmpi eq, %iota3A_49, %eq3A_51 : vector<1x128xi32>
    %jit3A_53 = arith.constant 0.000000e+00 : f32
    %broadcast_in_dim3A_54 = vector.shape_cast %eq3A_52 : vector<1x128xi1> to vector<1x128xi1>
    %broadcast_in_dim3A_55 = vector.broadcast %broadcast_in_dim3A_54 : vector<1x128xi1> to vector<1024x128xi1>
    %broadcast_in_dim3A_56 = vector.broadcast %jit3A_53 : f32 to vector<1024x128xf32>
    %select_n3A_57 = arith.select %broadcast_in_dim3A_55, %div3A_48, %broadcast_in_dim3A_56 : vector<1024x128xi1>, vector<1024x128xf32>
    %reduce_sum3A_58 = arith.constant dense<0.000000e+00> : vector<1024xf32>
    %reduce_sum3A_59 = vector.multi_reduction <add>, %select_n3A_57, %reduce_sum3A_58 [1] : vector<1024x128xf32> to vector<1024xf32>
    %broadcast_in_dim3A_60 = vector.shape_cast %reduce_sum3A_59 : vector<1024xf32> to vector<1024x1xf32>
    %jit3A_61 = arith.constant 0.000000e+00 : f32
    %broadcast_in_dim3A_62 = vector.shape_cast %eq3A_52 : vector<1x128xi1> to vector<1x128xi1>
    %broadcast_in_dim3A_63 = vector.broadcast %broadcast_in_dim3A_62 : vector<1x128xi1> to vector<1024x128xi1>
    %broadcast_in_dim3A_64 = vector.broadcast %jit3A_61 : f32 to vector<1024x128xf32>
    %select_n3A_65 = arith.select %broadcast_in_dim3A_63, %broadcast_in_dim3A_64, %div3A_48 : vector<1024x128xi1>, vector<1024x128xf32>
    %mul3A_66 = arith.mulf %select_n3A_65, %select_n3A_65 : vector<1024x128xf32>
    %reduce_sum3A_67 = arith.constant dense<0.000000e+00> : vector<1024xf32>
    %reduce_sum3A_68 = vector.multi_reduction <add>, %mul3A_66, %reduce_sum3A_67 [1] : vector<1024x128xf32> to vector<1024xf32>
    %broadcast_in_dim3A_69 = vector.shape_cast %reduce_sum3A_68 : vector<1024xf32> to vector<1024x1xf32>
    %sqrt3A_70 = math.sqrt %broadcast_in_dim3A_69 : vector<1024x1xf32>
    %max3A_71 = arith.constant 1.000000e-07 : f32
    %max3A_72 = vector.broadcast %max3A_71 : f32 to vector<1024x1xf32>
    %max3A_73 = arith.maximumf %sqrt3A_70, %max3A_72 : vector<1024x1xf32>
    %max3A_74 = arith.constant 1.00000012 : f32
    %max3A_75 = vector.broadcast %max3A_74 : f32 to vector<1024x1xf32>
    %max3A_76 = arith.maximumf %broadcast_in_dim3A_60, %max3A_75 : vector<1024x1xf32>
    %sub3A_77 = arith.constant 1.000000e+00 : f32
    %sub3A_78 = vector.broadcast %sub3A_77 : f32 to vector<1024x1xf32>
    %sub3A_79 = arith.subf %max3A_76, %sub3A_78 : vector<1024x1xf32>
    %add3A_80 = arith.constant 1.000000e+00 : f32
    %add3A_81 = vector.broadcast %add3A_80 : f32 to vector<1024x1xf32>
    %add3A_82 = arith.addf %max3A_76, %add3A_81 : vector<1024x1xf32>
    %mul3A_83 = arith.mulf %sub3A_79, %add3A_82 : vector<1024x1xf32>
    %sqrt3A_84 = math.sqrt %mul3A_83 : vector<1024x1xf32>
    %add3A_85 = arith.addf %max3A_76, %sqrt3A_84 : vector<1024x1xf32>
    %log3A = math.log %add3A_85 : vector<1024x1xf32>
    %div3A_86 = arith.divf %log3A, %max3A_73 : vector<1024x1xf32>
    %mul3A_87 = vector.broadcast %div3A_86 : vector<1024x1xf32> to vector<1024x128xf32>
    %mul3A_88 = arith.mulf %mul3A_87, %select_n3A_65 : vector<1024x128xf32>
    %max3A_89 = arith.constant 0.000000e+00 : f32
    %max3A_90 = vector.broadcast %max3A_89 : f32 to vector<1024x128xf32>
    %max3A_91 = arith.maximumf %mul3A_88, %max3A_90 : vector<1024x128xf32>
    %mul3A_92 = arith.mulf %max3A_91, %max3A_91 : vector<1024x128xf32>
    %reduce_sum3A_93 = arith.constant dense<0.000000e+00> : vector<1024xf32>
    %reduce_sum3A_94 = vector.multi_reduction <add>, %mul3A_92, %reduce_sum3A_93 [1] : vector<1024x128xf32> to vector<1024xf32>
    %broadcast_in_dim3A_95 = vector.shape_cast %reduce_sum3A_94 : vector<1024xf32> to vector<1024x1xf32>
    %sqrt3A_96 = math.sqrt %broadcast_in_dim3A_95 : vector<1024x1xf32>
    %max3A_97 = arith.constant 1.000000e-07 : f32
    %max3A_98 = vector.broadcast %max3A_97 : f32 to vector<1024x1xf32>
    %max3A_99 = arith.maximumf %sqrt3A_96, %max3A_98 : vector<1024x1xf32>
    %min3A = arith.constant 3.000000e+01 : f32
    %min3A_100 = vector.broadcast %min3A : f32 to vector<1024x1xf32>
    %min3A_101 = arith.minimumf %max3A_99, %min3A_100 : vector<1024x1xf32>
    %exp3A = math.exp %min3A_101 : vector<1024x1xf32>
    %div3A_102 = arith.constant 1.000000e+00 : f32
    %div3A_103 = vector.broadcast %div3A_102 : f32 to vector<1024x1xf32>
    %div3A_104 = arith.divf %div3A_103, %exp3A : vector<1024x1xf32>
    %add3A_105 = arith.addf %exp3A, %div3A_104 : vector<1024x1xf32>
    %mul3A_106 = arith.constant 5.000000e-01 : f32
    %mul3A_107 = vector.broadcast %mul3A_106 : f32 to vector<1024x1xf32>
    %mul3A_108 = arith.mulf %mul3A_107, %add3A_105 : vector<1024x1xf32>
    %sub3A_109 = arith.subf %exp3A, %div3A_104 : vector<1024x1xf32>
    %mul3A_110 = arith.constant 5.000000e-01 : f32
    %mul3A_111 = vector.broadcast %mul3A_110 : f32 to vector<1024x1xf32>
    %mul3A_112 = arith.mulf %mul3A_111, %sub3A_109 : vector<1024x1xf32>
    %div3A_113 = arith.divf %mul3A_112, %max3A_99 : vector<1024x1xf32>
    %mul3A_114 = vector.broadcast %div3A_113 : vector<1024x1xf32> to vector<1024x128xf32>
    %mul3A_115 = arith.mulf %mul3A_114, %max3A_91 : vector<1024x128xf32>
    %iota3A_116 = tpu.iota {dimensions = array<i32: 1>} : vector<1x128xi32>
    %eq3A_117 = arith.constant 0 : i32
    %eq3A_118 = vector.broadcast %eq3A_117 : i32 to vector<1x128xi32>
    %eq3A_119 = arith.cmpi eq, %iota3A_116, %eq3A_118 : vector<1x128xi32>
    %broadcast_in_dim3A_120 = vector.shape_cast %eq3A_119 : vector<1x128xi1> to vector<1x128xi1>
    %broadcast_in_dim3A_121 = vector.broadcast %broadcast_in_dim3A_120 : vector<1x128xi1> to vector<1024x128xi1>
    %broadcast_in_dim3A_122 = vector.shape_cast %mul3A_108 : vector<1024x1xf32> to vector<1024x1xf32>
    %broadcast_in_dim3A_123 = vector.broadcast %broadcast_in_dim3A_122 : vector<1024x1xf32> to vector<1024x128xf32>
    %select_n3A_124 = arith.select %broadcast_in_dim3A_121, %broadcast_in_dim3A_123, %mul3A_115 : vector<1024x128xi1>, vector<1024x128xf32>
    %swap3A = arith.constant 0 : index
    %swap3A_125 = arith.constant 0 : index
    %swap3A_126 = vector.load %arg6[%swap3A, %swap3A_125] : memref<1024x128xf32, #tpu.memory_space<vmem>>, vector<1024x128xf32>
    tpu.vector_store %arg6[%swap3A, %swap3A_125], %select_n3A_124 {strides = array<i32>} : memref<1024x128xf32, #tpu.memory_space<vmem>>, vector<1024x128xf32>,
    return
  }
  func.func @transform_0(%arg0: i32) -> (i32, i32) {
    %c0_i32 = arith.constant 0 : i32
    %c0_i32_0 = arith.constant 0 : i32
    return %arg0, %c0_i32 : i32, i32
  }
  func.func @transform_1(%arg0: i32) -> (i32, i32) {
    %c0_i32 = arith.constant 0 : i32
    %c0_i32_0 = arith.constant 0 : i32
    return %arg0, %c0_i32 : i32, i32
  }
  func.func @transform_2(%arg0: i32) -> (i32, i32) {
    %c0_i32 = arith.constant 0 : i32
    %c0_i32_0 = arith.constant 0 : i32
    return %arg0, %c0_i32 : i32, i32
  }
  func.func @transform_3(%arg0: i32) -> (i32, i32) {
    %c0_i32 = arith.constant 0 : i32
    %c0_i32_0 = arith.constant 0 : i32
    return %arg0, %c0_i32 : i32, i32
  }
  func.func @transform_4(%arg0: i32) -> (i32, i32) {
    %c0_i32 = arith.constant 0 : i32
    %c0_i32_0 = arith.constant 0 : i32
    return %arg0, %c0_i32 : i32, i32
  }
  func.func @transform_5(%arg0: i32) -> (i32, i32) {
    %c0_i32 = arith.constant 0 : i32
    %c0_i32_0 = arith.constant 0 : i32
    return %arg0, %c0_i32 : i32, i32
  }
}

</mosaic_0001>

<sc_bundles>
// kernel: kernel.11.cloned.1.call-start
scs
__scs_entry_jumppad:
0x0: {  	(pc) =	sbr.rel $0x88, $3  }
0x1: {  	(tag) =	ssettag $0x0;
	lr =	simm.s32 $0x1  }
0x2: {  	[smem:$0x3F9B] =	sst lr;
	_ =	strace $0xD0000000  }
0x3: {  	_ = 	snop  }
0x4: {  	_ = 	snop  }
0x5: {  	_ = 	snop  }
0x6: {  	_ = 	snop  }
0x7: {  	_ = 	snop  }
__scs_overlays_trampoline_lowered:
0x8: {  	[smem:$0x3FAA] =	sst s0  }
0x9: {  	[smem:$0x3FAB] =	sst s1  }
0xa: {  	[smem:$0x3FAC] =	sst s2  }
0xb: {  	[smem:$0x3FAD] =	sst s3  }
0xc: {  	[smem:$0x3FAE] =	sst s4  }
0xd: {  	[smem:$0x3FAF] =	sst s5  }
0xe: {  	[smem:$0x3FB0] =	sst s6  }
0xf: {  	[smem:$0x3FB1] =	sst s7  }
0x10: {  	[smem:$0x3FB2] =	sst s8  }
0x11: {  	[smem:$0x3FB3] =	sst s9;
	s0 =	simm.s32 @!p0 $0x0  }
0x12: {  	s1 =	sld [smem:$0x3F99];
	s0 =	simm.s32 @p0 $0x1  }
0x13: {  	[smem:$0x3FB4] =	sst s0;
	s0 =	simm.s32 @!p1 $0x0  }
0x14: {  	s2 =	sld [smem:$0x3F98];
	s0 =	simm.s32 @p1 $0x1  }
0x15: {  	[smem:$0x3FB5] =	sst s0;
	s0 =	simm.s32 @!p2 $0x0  }
0x16: {  	s3 =	sld [smem:$0x3FDB];
	s0 =	simm.s32 @p2 $0x1  }
0x17: {  	s4 =	simm.s32 $0x1BF5;
	[smem:$0x3FB7] =	sst s0  }
0x18: {  	s0 =	sld [smem:$0x3F9A];
	_ =	swait.ge [sflag:s4], $0x0  }
0x19: {  	s7 =	sld [smem:$0x3F9B]  }
0x1a: {  	s8 =	sadd.s32 $0xFFFFE003, lr  }
0x1b: {  	s9 =	sadd.s32 $0xFFFFFEF7, lr;
	s5 =	simm.s32 $0xFFFFFFFF;
	p2 =	slt.u32 s8, $0xFFFFF086  }
0x1c: {  	p1 =	slt.u32 s9, $0xF7A;
	s5 =	simm.s32 @!p2 $0x0  }
0x1d: {  	s5 =	simm.s32 @p1 $0x1;
	p0 =	seq.s32 s7, s2  }
0x1e: {  	s7 =	smul.u32 @!p0 $0xF7A, s2;
	p2 =	seq.s32 @!p0 s5, $0x0  }
0x1f: {  	s9 =	smul.u32 $0xF7A, s1;
	s8 =	simm.s32 @!p0 $0x1BF5;
	p2 =	por !p2, p0  }
0x20: {  	[sflag:s8] =	ssyncset.s32 @!p0 $0xFFFFF086;
	s6 =	sadd.s32 @!p0 s3, s7;
	s7 =	simm.s32 @!p0 $0x108  }
0x21: {  	s3 =	sadd.s32 s3, s9;
	s6 =	sadd.s32 @!p0 $0x88, s6;
	s7 =	simm.s32 @p2 $0x1082  }
0x22: {  	[simem:s7], [sflag:s8] =	dma.local @!p0 [hbm:s6], $0xF7A  }
0x23: {  	s9 =	sor.u32 $0xD0000000, s2;
	s6 =	simm.s32 $0x108;
	_ =	swait.ge @!p0 [sflag:s8], $0x0  }
0x24: {  	s3 =	sadd.s32 $0x88, s3;
	s6 =	simm.s32 @!p1 $0x1082;
	[sflag:s4] =	ssyncset.s32 $0xFFFFF086  }
0x25: {  	[simem:s6], [sflag:s4] =	dma.local [hbm:s3], $0xF7A  }
0x26: {  	[smem:$0x3F9B] =	sst s1;
	(tag) =	ssettag s2;
	_ =	strace s9  }
0x27: {  	s1 =	sld [smem:$0x3FAB]  }
0x28: {  	s2 =	sld [smem:$0x3FAC]  }
0x29: {  	s4 =	sld [smem:$0x3FAE]  }
0x2a: {  	p0 =	seq.s32 s5, $0x0;
	s5 =	sld [smem:$0x3FAF]  }
0x2b: {  	s6 =	sld [smem:$0x3FB0]  }
0x2c: {  	s7 =	sld [smem:$0x3FB1]  }
0x2d: {  	s3 =	simm.s32 $0x108;
	s8 =	sld [smem:$0x3FB2]  }
0x2e: {  	s3 =	simm.s32 @!p0 $0x1082;
	s9 =	sld [smem:$0x3FB3]  }
0x2f: {  	lr =	sadd.s32 s0, s3;
	s0 =	sld [smem:$0x3FAA]  }
0x30: {  	s3 =	sld [smem:$0x3FAD]  }
0x31: {  	[smem:$0x3FB6] =	sst s10  }
0x32: {  	s10 =	sld [smem:$0x3FB4];
	_ =	sdelay $0x3  }
0x33: {  	p0 =	seq.s32 s10, $0x1;
	s10 =	sld [smem:$0x3FB6];
	_ =	sdelay $0x3  }
0x34: {  	[smem:$0x3FB6] =	sst s10  }
0x35: {  	s10 =	sld [smem:$0x3FB5];
	_ =	sdelay $0x3  }
0x36: {  	p1 =	seq.s32 s10, $0x1;
	s10 =	sld [smem:$0x3FB6];
	_ =	sdelay $0x3  }
0x37: {  	[smem:$0x3FB6] =	sst s10  }
0x38: {  	s10 =	sld [smem:$0x3FB7]  }
0x39: {  	_ = 	snop;
	(pc) =	sbr.ind lr, $3  }
0x3a: {  	_ = 	snop  }
0x3b: {  	_ = 	snop  }
0x3c: {  	p2 =	seq.s32 s10, $0x1;
	s10 =	sld [smem:$0x3FB6]  }
0x3d: {  	_ =	shalt  }
0x3e: {  	_ =	shalt  }
0x3f: {  	_ =	shalt  }
0x40: {  	_ =	shalt  }
0x41: {  	_ =	shalt  }
0x42: {  	_ =	shalt  }
0x43: {  	_ =	shalt  }
0x44: {  	_ =	shalt  }
0x45: {  	_ =	shalt  }
0x46: {  	_ =	shalt  }
0x47: {  	_ =	shalt  }
0x48: {  	_ =	shalt  }
0x49: {  	_ =	shalt  }
0x4a: {  	_ =	shalt  }
0x4b: {  	_ =	shalt  }
0x4c: {  	_ =	shalt  }
0x4d: {  	_ =	shalt  }
0x4e: {  	_ =	shalt  }
0x4f: {  	_ =	shalt  }
0x50: {  	_ =	shalt  }
0x51: {  	_ =	shalt  }
0x52: {  	_ =	shalt  }
0x53: {  	_ =	shalt  }
0x54: {  	_ =	shalt  }
0x55: {  	_ =	shalt  }
0x56: {  	_ =	shalt  }
0x57: {  	_ =	shalt  }
0x58: {  	_ =	shalt  }
0x59: {  	_ =	shalt  }
0x5a: {  	_ =	shalt  }
0x5b: {  	_ =	shalt  }
0x5c: {  	_ =	shalt  }
0x5d: {  	_ =	shalt  }
0x5e: {  	_ =	shalt  }
0x5f: {  	_ =	shalt  }
0x60: {  	_ =	shalt  }
0x61: {  	_ =	shalt  }
0x62: {  	_ =	shalt  }
0x63: {  	_ =	shalt  }
0x64: {  	_ =	shalt  }
0x65: {  	_ =	shalt  }
0x66: {  	_ =	shalt  }
0x67: {  	_ =	shalt  }
0x68: {  	_ =	shalt  }
0x69: {  	_ =	shalt  }
0x6a: {  	_ =	shalt  }
0x6b: {  	_ =	shalt  }
0x6c: {  	_ =	shalt  }
0x6d: {  	_ =	shalt  }
0x6e: {  	_ =	shalt  }
0x6f: {  	_ =	shalt  }
0x70: {  	_ =	shalt  }
0x71: {  	_ =	shalt  }
0x72: {  	_ =	shalt  }
0x73: {  	_ =	shalt  }
0x74: {  	_ =	shalt  }
0x75: {  	_ =	shalt  }
0x76: {  	_ =	shalt  }
0x77: {  	_ =	shalt  }
0x78: {  	_ =	shalt  }
0x79: {  	_ =	shalt  }
0x7a: {  	_ =	shalt  }
0x7b: {  	_ =	shalt  }
0x7c: {  	_ =	shalt  }
0x7d: {  	_ =	shalt  }
0x7e: {  	_ =	shalt  }
0x7f: {  	_ =	shalt  }
0x80: {  	_ =	shalt  }
0x81: {  	_ =	shalt  }
0x82: {  	_ =	shalt  }
0x83: {  	_ =	shalt  }
0x84: {  	_ =	shalt  }
0x85: {  	_ =	shalt  }
0x86: {  	_ =	shalt  }
0x87: {  	_ =	shalt  }
.Lfunc_end0:
.L_simem_size_0:
called_computation.1_lowered:
.L_overlay_start_0:
0x88: {  	s2 =	sld [smem:$0x3FD9]  }
0x89: {  	s3 =	sld [smem:$0x3FFE];
	_ =	sdelay $0x1  }
0x8a: {  	s1 =	srdreg.scid  }
0x8b: {  	s0 =	sand.u32 $0x1, s1  }
0x8c: {  	s17 =	sshll.u32 s0, $0xA;
	s2 =	sadd.s32 s3, s2  }
0x8d: {  	s2 =	sadd.s32 s2, s17  }
0x8e: {  	[smem:$0x3FC2] =	sst s2  }
0x8f: {  	_ = 	snop  }
0x90: {  	(tm) =	ssettm $0x1  }
0x91: {  	s18 =	sld [smem:$0x3FFB];
	_ =	sdelay $0x3  }
0x92: {  	_ =	strace s18  }
0x93: {  	s2 =	sld [smem:$0x3FFC];
	_ =	sdelay $0x3  }
0x94: {  	_ =	strace s2  }
0x95: {  	s2 =	sld [smem:$0x3FFD];
	_ =	sdelay $0x3  }
0x96: {  	_ =	strace s2  }
0x97: {  	_ =	strace $0x8FFFFFFF  }
0x98: {  	s19 =	sld [smem:$0x3FDB];
	_ =	sdelay $0x1  }
0x99: {  	s20 =	simm.s32 $_scs_section_size  }
0x9a: {  	s4 =	simm.s32 $_size__tile_overlayer_lowered;
	s5 =	simm.s32 $_tile_overlayer_lowered  }
0x9b: {  	s6 =	simm.s32 $0x1BFF;
	s21 =	sshll.u32 s5, $0x1;
	s3 =	sadd.s32 s20, s19  }
0x9c: {  	s22 =	simm.s32 $0x0;
	s4 =	sshll.u32 s4, $0x1;
	s5 =	sadd.s32 s21, s3  }
0x9d: {  	[timem:s22], [sflag:s6] =	dma.local [hbm:s5], s4  }
0x9e: {  	_ =	swait.ge [sflag:s6], s4  }
0x9f: {  	s4 =	ssub.s32 $0x0, s4;
	[sflag:s6] =	ssyncset.done $0x0  }
0xa0: {  	[sflag:s6] =	ssyncadd.s32 s4;
	_ =	sdelay $0x1  }
0xa1: {  	s23 =	simm.s32 $0x1B8B  }
0xa2: {  	_ =	swait.ge [sflag:s23], $0x1  }
0xa3: {  	[sflag:s23] =	ssyncset.done $0x0  }
0xa4: {  	[sflag:s23] =	ssyncadd.s32 $0xFFFFFFFF  }
0xa5: {  	s4 =	sld [smem:$0x0]  }
0xa6: {  	s5 =	sand.u32 $0xFFFFFFFE, s1  }
0xa7: {  	p0 =	sne.s32 s1, s5  }
0xa8: {  	s5 =	sshll.u32 @p0 s5, $0xE  }
0xa9: {  	s5 =	sadd.s32 @p0 $0x11B8D, s5;
	s6 =	sshll.u32 @p0 s4, $0x11  }
0xaa: {  	s5 =	sor.u32 @p0 s6, s5  }
0xab: {  	[sflag:s5] =	ssyncadd.remote.s32 @p0 $0x1;
	_ =	sdelay $0x1  }
0xac: {  	s5 =	simm.s32 @p0 $0x1B8D  }
0xad: {  	_ =	swait.eq @p0 [sflag:s5], $0x1  }
0xae: {  	[sflag:s5] =	ssyncadd.s32 @p0 $0xFFFFFFFF  }
0xaf: {  	s6 =	sshll.u32 @!p0 s1, $0xE  }
0xb0: {  	s6 =	sor.u32 @!p0 $0x4000, s6;
	s5 =	simm.s32 @!p0 $0x1B8D  }
0xb1: {  	s4 =	sshll.u32 @!p0 s4, $0x11;
	s6 =	sadd.s32 @!p0 $0x11B8D, s6;
	_ =	swait.eq @!p0 [sflag:s5], $0x1  }
0xb2: {  	s4 =	sor.u32 @!p0 s4, s6;
	[sflag:s5] =	ssyncadd.s32 @!p0 $0xFFFFFFFF  }
0xb3: {  	s25 =	simm.s32 $0x1B8E;
	s24 =	sld [smem:$0x3FFE];
	[sflag:s4] =	ssyncadd.remote.s32 @!p0 $0x1  }
0xb4: {  	s26 =	simm.s32 $execute0_lowered;
	[smem:$0x3FD2] =	sst s25  }
0xb5: {  	s5 =	sshll.u32 s26, $0x1;
	_ =	strace $0x80000049;
	[dreg:$0x1] =	wrdreg $0xFFFFFFFF  }
0xb6: {  	s28 =	simm.s32 $_size_execute0_lowered;
	s3 =	sadd.s32 s3, s5;
	[dreg:$0x0] =	wrdreg $0x0  }
0xb7: {  	s5 =	sshll.u32 s28, $0x1;
	[dreg:$0x2] =	wrdreg s3  }
0xb8: {  	[dreg:$0x3] =	wrdreg s5  }
0xb9: {  	[dreg:$0x4] =	wrdreg $0xC0  }
0xba: {  	_ =	task [dreg:s22], $0x5FFFF  }
0xbb: {  	[dreg:$0x1] =	wrdreg $0xFFFFFFFF  }
0xbc: {  	[dreg:$0x0] =	wrdreg $0x60  }
0xbd: {  	[dreg:$0x2] =	wrdreg s24  }
0xbe: {  	[dreg:$0x3] =	wrdreg $0x68000  }
0xbf: {  	[dreg:$0x4] =	wrdreg $0xA  }
0xc0: {  	_ =	task.clear_ibuf [dreg:s22], $0x5FFFF;
	_ =	strace $0x90000049  }
0xc1: {  	s29 =	simm.s32 $0xA;
	_ =	strace $0x8000004B  }
0xc2: {  	_ =	swait.ge [sflag:s29], $0x1  }
0xc3: {  	[sflag:s29] =	ssyncadd.s32 $0xFFFFFFFF  }
0xc4: {  	_ =	strace $0x9000004B  }
0xc5: {  	_ =	sfence  }
0xc6: {  	s30 =	sld [smem:$0x0];
	_ =	sdelay $0x2  }
0xc7: {  	s31 =	sshll.u32 s1, $0xD;
	s1 =	sshrl.u32 s1, $0x2  }
0xc8: {  	s4 =	sand.u32 $0x4000, s31;
	s1 =	sadd.s32 s1, s30  }
0xc9: {  	s0 =	sor.u32 s4, s0;
	s1 =	sshll.u32 s1, $0x11  }
0xca: {  	s0 =	sor.u32 s1, s0  }
0xcb: {  	s0 =	sadd.s32 $0x8F2B, s0  }
0xcc: {  	[sflag:s0] =	ssyncadd.remote.s32 $0x1  }
0xcd: {  	_ =	sfence.sel $0xFFFF  }
0xce: {  	[dreg:$0x0] =	wrdreg $0xFFFFFFFF;
	(pc) =	sbr.abs _section_cstart, $3  }
0xcf: {  	[dreg:$0x1] =	wrdreg $0xFFFFFFFF  }
0xd0: {  	_ =	task.clear_ibuf [dreg:s22], $0x2FFFF;
	_ =	strace $0x9FFFFFFF  }
0xd1: {  	(tm) =	ssettm $0x7FFFFFFF  }
tec
execute0_lowered:
.L_overlay_start_1:
0x0: {  	(tag) =	ssettag $0x1  }
0x1: {  	s1 =	srdreg.scid;
	s5 =	rddreg [dreg:$0x0]  }
0x2: {  	s0 =	stileid.u32;
	s2 =	rddreg [dreg:$0x1];
	s3 =	simm.s32 $0x0  }
0x3: {  	s14 =	simm.s32 $0x0;
	s4 =	sand.u32 $0x1, s1;
	s1 =	rddreg [dreg:$0x2]  }
0x4: {  	s25 =	sshll.u32 s0, $0x1;
	s7 =	smul.u32 $0x14000, s0;
	[smem:$0x7FF] =	sst s3  }
0x5: {  	s29 =	smul.u32 $0x50000, s0;
	s31 =	sshll.u32 s0, $0x6;
	s6 =	sor.u32 s4, s25  }
0x6: {  	s9 =	smul.u32 $0x140000, s4;
	_ =	strace $0x8000004A;
	s28 =	ssub.s32 $0x2, s4  }
0x7: {  	s4 =	sadd.s32 $0xB5400, s5;
	s6 =	smul.u32 $0x500, s6;
	s8 =	sshrl.u32 s7, $0x3  }
0x8: {  	s11 =	sshrl.u32 s28, $0x1;
	s30 =	sshrl.u32 s29, $0x2;
	s26 =	sadd.s32 s8, s5  }
0x9: {  	s7 =	sadd.s32 s7, s9;
	s11 =	ssub.s32 s28, s11;
	s13 =	sadd.s32 s30, s2  }
0xa: {  	s10 =	sadd.s32 s6, s5;
	s7 =	sshrl.u32 s7, $0x3;
	s6 =	sor.u32 $0x1C01, s31  }
0xb: {  	s9 =	smax.u32 s11, $0x1;
	s11 =	simm.s32 $0x1;
	s12 =	sadd.s32 s7, s5  }
0xc: {  	s5 =	sadd.s32 $0xB5C00, s26;
	s7 =	sadd.s32 $0xAB400, s10;
	s10 =	sshrl.u32 s13, $0x3  }
0xd: {  	s13 =	simm.s32 $0x80;
	s8 =	sadd.s32 $0xDDC00, s12;
	s12 =	simm.s32 $0x2800  }
.LBB2_1:
0xe: {  	[spmem:s10], [sflag:s6] =	dma.local [hbm:s5], $0x2800  }
0xf: {  	_ =	swait.ge [sflag:s11], $0x2800  }
0x10: {  	[sflag:s11] =	ssyncset.done $0x0  }
0x11: {  	[sflag:s11] =	ssyncadd.s32 $0xFFFFD800  }
0x12: {  	[tilespmem:s12], [sflag:$0x1] =	stream.linear.gather [hbm4b:s4+s3], $0x4000, $0x38;
	[tilespmem:$0x9000] =	vst v63  }
0x13: {  	_ =	swait.ge [sflag:s11], $0x4000  }
0x14: {  	[sflag:s11] =	ssyncset.done $0x0  }
0x15: {  	[sflag:s11] =	ssyncadd.s32 $0xFFFFC000  }
0x16: {  	[tilespmem:s3], [sflag:$0x1] =	stream.linear.gather [hbm4b:s7+s3], $0x2780, $0x38;
	[tilespmem:$0x9000] =	vst v63  }
0x17: {  	_ =	swait.ge [sflag:s11], $0x2780  }
0x18: {  	[sflag:s11] =	ssyncset.done $0x0  }
0x19: {  	[sflag:s11] =	ssyncadd.s32 $0xFFFFD880  }
0x1a: {  	s15 =	simm.s32 $0x0;
	[bflag:$0x0] =	sbarrier.arrive $0xFFFF  }
0x1b: {  	[spmem:s2] =	stream.indirect.scatter.add.f32 [tilespmem:s12], [sflag:$0x1], $0x10, s15, s13, $0xb8;
	[tilespmem:$0x9000] =	vst v63  }
0x1c: {  	_ =	swait.ge [sflag:s11], $0x800  }
0x1d: {  	s15 =	simm.s32 $0x200;
	[sflag:s11] =	ssyncset.done $0x0  }
.LBB2_2:
0x1e: {  	s16 =	sshra.s32 s15, $0x2;
	[sflag:s11] =	ssyncadd.s32 $0xFFFFF800;
	p0 =	sne.s32 s15, $0x9C00  }
0x1f: {  	[spmem:s2] =	stream.indirect.scatter.add.f32 [tilespmem:s12], [sflag:$0x1], $0x10, s16, s13, $0xb8;
	[tilespmem:$0x9000] =	vst v63  }
.Ltmp0:
0x20: {  	_ = 	snop;
	(pc) =	sbr.rel @p0 .LBB2_2-.Ltmp0, $4  }
0x21: {  	_ = 	snop  }
0x22: {  	s15 =	sadd.s32 $0x200, s15  }
0x23: {  	_ =	swait.ge [sflag:s11], $0x800  }
0x24: {  	[sflag:s11] =	ssyncset.done $0x0  }
0x25: {  	s14 =	sadd.s32 $0x1, s14  }
0x26: {  	[sflag:s11] =	ssyncadd.s32 $0xFFFFF800;
	p0 =	sne.s32 s14, s9  }
.Ltmp1:
0x27: {  	[bflag:$0x0] =	sbarrier.arrive $0xFFFF;
	(pc) =	sbr.rel @p0 .LBB2_1-.Ltmp1, $4  }
0x28: {  	[hbm:s8], [sflag:s6] =	dma.local [spmem:s10], $0x2800  }
0x29: {  	_ =	swait.ge [sflag:s11], $0x2800  }
0x2a: {  	[sflag:s11] =	ssyncset.done $0x0  }
0x2b: {  	[sflag:s11] =	ssyncadd.s32 $0xFFFFD800  }
0x2c: {  	_ =	sfence.sel $0x180000  }
0x2d: {  	[bflag:$0x0] =	sbarrier.arrive $0xFFFF  }
0x2e: {  	p0 =	sne.s32 s0, $0x0;
	_ =	strace $0x9000004A  }
0x2f: {  	s0 =	sadd.s32 @!p0 $0x100000, s1;
	[bflag:$0x2] =	sbarrier.arrive $0xFFFF  }
0x30: {  	[sflag:s0] =	ssyncadd.tile.s32 @!p0 $0x1;
	_ =	shalt  }
.Lfunc_end2:
_tile_overlayer_lowered:
.L_overlay_start_2:
0x31: {  	(tag) =	ssettag $0x2  }
0x32: {  	s0 =	rddreg [dreg:$0x0];
	s2 =	stileid.u32  }
0x33: {  	s1 =	rddreg [dreg:$0x1];
	p0 =	sne.s32 s2, $0x0  }
0x34: {  	s3 =	rddreg [dreg:$0x2];
	[bflag:$0x3] =	sbarrier.arrive $0xFFFF;
	s2 =	simm.s32 @!p0 $0x1C01  }
0x35: {  	[timem:s3], [sflag:s2] =	dma.local @!p0 [hbm:s0], s1  }
0x36: {  	s0 =	simm.s32 @!p0 $0x1  }
0x37: {  	_ =	swait.ge @!p0 [sflag:s0], s1  }
0x38: {  	s1 =	ssub.s32 @!p0 $0x0, s1;
	[sflag:s0] =	ssyncset.done @!p0 $0x0  }
0x39: {  	[sflag:s0] =	ssyncadd.s32 @!p0 s1  }
0x3a: {  	[bflag:$0x3] =	sbarrier.arrive $0xFFFF  }
0x3b: {  	_ =	shalt  }

// kernel: kernel.14.cloned.1.call-start
scs
__scs_entry_jumppad:
0x0: {  	(pc) =	sbr.rel $0x88, $3  }
0x1: {  	(tag) =	ssettag $0x0;
	lr =	simm.s32 $0x1  }
0x2: {  	[smem:$0x3F9B] =	sst lr;
	_ =	strace $0xD0000000  }
0x3: {  	_ = 	snop  }
0x4: {  	_ = 	snop  }
0x5: {  	_ = 	snop  }
0x6: {  	_ = 	snop  }
0x7: {  	_ = 	snop  }
__scs_overlays_trampoline_lowered:
0x8: {  	[smem:$0x3FAA] =	sst s0  }
0x9: {  	[smem:$0x3FAB] =	sst s1  }
0xa: {  	[smem:$0x3FAC] =	sst s2  }
0xb: {  	[smem:$0x3FAD] =	sst s3  }
0xc: {  	[smem:$0x3FAE] =	sst s4  }
0xd: {  	[smem:$0x3FAF] =	sst s5  }
0xe: {  	[smem:$0x3FB0] =	sst s6  }
0xf: {  	[smem:$0x3FB1] =	sst s7  }
0x10: {  	[smem:$0x3FB2] =	sst s8  }
0x11: {  	[smem:$0x3FB3] =	sst s9;
	s0 =	simm.s32 @!p0 $0x0  }
0x12: {  	s1 =	sld [smem:$0x3F99];
	s0 =	simm.s32 @p0 $0x1  }
0x13: {  	[smem:$0x3FB4] =	sst s0;
	s0 =	simm.s32 @!p1 $0x0  }
0x14: {  	s2 =	sld [smem:$0x3F98];
	s0 =	simm.s32 @p1 $0x1  }
0x15: {  	[smem:$0x3FB5] =	sst s0;
	s0 =	simm.s32 @!p2 $0x0  }
0x16: {  	s3 =	sld [smem:$0x3FDB];
	s0 =	simm.s32 @p2 $0x1  }
0x17: {  	s4 =	simm.s32 $0x1BF5;
	[smem:$0x3FB7] =	sst s0  }
0x18: {  	s0 =	sld [smem:$0x3F9A];
	_ =	swait.ge [sflag:s4], $0x0  }
0x19: {  	s7 =	sld [smem:$0x3F9B]  }
0x1a: {  	s8 =	sadd.s32 $0xFFFFE003, lr  }
0x1b: {  	s9 =	sadd.s32 $0xFFFFFEF7, lr;
	s5 =	simm.s32 $0xFFFFFFFF;
	p2 =	slt.u32 s8, $0xFFFFF086  }
0x1c: {  	p1 =	slt.u32 s9, $0xF7A;
	s5 =	simm.s32 @!p2 $0x0  }
0x1d: {  	s5 =	simm.s32 @p1 $0x1;
	p0 =	seq.s32 s7, s2  }
0x1e: {  	s7 =	smul.u32 @!p0 $0xF7A, s2;
	p2 =	seq.s32 @!p0 s5, $0x0  }
0x1f: {  	s9 =	smul.u32 $0xF7A, s1;
	s8 =	simm.s32 @!p0 $0x1BF5;
	p2 =	por !p2, p0  }
0x20: {  	[sflag:s8] =	ssyncset.s32 @!p0 $0xFFFFF086;
	s6 =	sadd.s32 @!p0 s3, s7;
	s7 =	simm.s32 @!p0 $0x108  }
0x21: {  	s3 =	sadd.s32 s3, s9;
	s6 =	sadd.s32 @!p0 $0x88, s6;
	s7 =	simm.s32 @p2 $0x1082  }
0x22: {  	[simem:s7], [sflag:s8] =	dma.local @!p0 [hbm:s6], $0xF7A  }
0x23: {  	s9 =	sor.u32 $0xD0000000, s2;
	s6 =	simm.s32 $0x108;
	_ =	swait.ge @!p0 [sflag:s8], $0x0  }
0x24: {  	s3 =	sadd.s32 $0x88, s3;
	s6 =	simm.s32 @!p1 $0x1082;
	[sflag:s4] =	ssyncset.s32 $0xFFFFF086  }
0x25: {  	[simem:s6], [sflag:s4] =	dma.local [hbm:s3], $0xF7A  }
0x26: {  	[smem:$0x3F9B] =	sst s1;
	(tag) =	ssettag s2;
	_ =	strace s9  }
0x27: {  	s1 =	sld [smem:$0x3FAB]  }
0x28: {  	s2 =	sld [smem:$0x3FAC]  }
0x29: {  	s4 =	sld [smem:$0x3FAE]  }
0x2a: {  	p0 =	seq.s32 s5, $0x0;
	s5 =	sld [smem:$0x3FAF]  }
0x2b: {  	s6 =	sld [smem:$0x3FB0]  }
0x2c: {  	s7 =	sld [smem:$0x3FB1]  }
0x2d: {  	s3 =	simm.s32 $0x108;
	s8 =	sld [smem:$0x3FB2]  }
0x2e: {  	s3 =	simm.s32 @!p0 $0x1082;
	s9 =	sld [smem:$0x3FB3]  }
0x2f: {  	lr =	sadd.s32 s0, s3;
	s0 =	sld [smem:$0x3FAA]  }
0x30: {  	s3 =	sld [smem:$0x3FAD]  }
0x31: {  	[smem:$0x3FB6] =	sst s10  }
0x32: {  	s10 =	sld [smem:$0x3FB4];
	_ =	sdelay $0x3  }
0x33: {  	p0 =	seq.s32 s10, $0x1;
	s10 =	sld [smem:$0x3FB6];
	_ =	sdelay $0x3  }
0x34: {  	[smem:$0x3FB6] =	sst s10  }
0x35: {  	s10 =	sld [smem:$0x3FB5];
	_ =	sdelay $0x3  }
0x36: {  	p1 =	seq.s32 s10, $0x1;
	s10 =	sld [smem:$0x3FB6];
	_ =	sdelay $0x3  }
0x37: {  	[smem:$0x3FB6] =	sst s10  }
0x38: {  	s10 =	sld [smem:$0x3FB7]  }
0x39: {  	_ = 	snop;
	(pc) =	sbr.ind lr, $3  }
0x3a: {  	_ = 	snop  }
0x3b: {  	_ = 	snop  }
0x3c: {  	p2 =	seq.s32 s10, $0x1;
	s10 =	sld [smem:$0x3FB6]  }
0x3d: {  	_ =	shalt  }
0x3e: {  	_ =	shalt  }
0x3f: {  	_ =	shalt  }
0x40: {  	_ =	shalt  }
0x41: {  	_ =	shalt  }
0x42: {  	_ =	shalt  }
0x43: {  	_ =	shalt  }
0x44: {  	_ =	shalt  }
0x45: {  	_ =	shalt  }
0x46: {  	_ =	shalt  }
0x47: {  	_ =	shalt  }
0x48: {  	_ =	shalt  }
0x49: {  	_ =	shalt  }
0x4a: {  	_ =	shalt  }
0x4b: {  	_ =	shalt  }
0x4c: {  	_ =	shalt  }
0x4d: {  	_ =	shalt  }
0x4e: {  	_ =	shalt  }
0x4f: {  	_ =	shalt  }
0x50: {  	_ =	shalt  }
0x51: {  	_ =	shalt  }
0x52: {  	_ =	shalt  }
0x53: {  	_ =	shalt  }
0x54: {  	_ =	shalt  }
0x55: {  	_ =	shalt  }
0x56: {  	_ =	shalt  }
0x57: {  	_ =	shalt  }
0x58: {  	_ =	shalt  }
0x59: {  	_ =	shalt  }
0x5a: {  	_ =	shalt  }
0x5b: {  	_ =	shalt  }
0x5c: {  	_ =	shalt  }
0x5d: {  	_ =	shalt  }
0x5e: {  	_ =	shalt  }
0x5f: {  	_ =	shalt  }
0x60: {  	_ =	shalt  }
0x61: {  	_ =	shalt  }
0x62: {  	_ =	shalt  }
0x63: {  	_ =	shalt  }
0x64: {  	_ =	shalt  }
0x65: {  	_ =	shalt  }
0x66: {  	_ =	shalt  }
0x67: {  	_ =	shalt  }
0x68: {  	_ =	shalt  }
0x69: {  	_ =	shalt  }
0x6a: {  	_ =	shalt  }
0x6b: {  	_ =	shalt  }
0x6c: {  	_ =	shalt  }
0x6d: {  	_ =	shalt  }
0x6e: {  	_ =	shalt  }
0x6f: {  	_ =	shalt  }
0x70: {  	_ =	shalt  }
0x71: {  	_ =	shalt  }
0x72: {  	_ =	shalt  }
0x73: {  	_ =	shalt  }
0x74: {  	_ =	shalt  }
0x75: {  	_ =	shalt  }
0x76: {  	_ =	shalt  }
0x77: {  	_ =	shalt  }
0x78: {  	_ =	shalt  }
0x79: {  	_ =	shalt  }
0x7a: {  	_ =	shalt  }
0x7b: {  	_ =	shalt  }
0x7c: {  	_ =	shalt  }
0x7d: {  	_ =	shalt  }
0x7e: {  	_ =	shalt  }
0x7f: {  	_ =	shalt  }
0x80: {  	_ =	shalt  }
0x81: {  	_ =	shalt  }
0x82: {  	_ =	shalt  }
0x83: {  	_ =	shalt  }
0x84: {  	_ =	shalt  }
0x85: {  	_ =	shalt  }
0x86: {  	_ =	shalt  }
0x87: {  	_ =	shalt  }
.Lfunc_end0:
.L_simem_size_0:
called_computation.2_lowered:
.L_overlay_start_0:
0x88: {  	s2 =	sld [smem:$0x3FD9]  }
0x89: {  	s3 =	sld [smem:$0x3FFE];
	_ =	sdelay $0x1  }
0x8a: {  	s1 =	srdreg.scid  }
0x8b: {  	s0 =	sand.u32 $0x1, s1  }
0x8c: {  	s17 =	sshll.u32 s0, $0xA;
	s2 =	sadd.s32 s3, s2  }
0x8d: {  	s2 =	sadd.s32 s2, s17  }
0x8e: {  	[smem:$0x3FC2] =	sst s2  }
0x8f: {  	_ = 	snop  }
0x90: {  	s2 =	sld [smem:$0x3FD0];
	(tm) =	ssettm $0x1  }
0x91: {  	s18 =	sld [smem:$0x3FFB];
	_ =	sdelay $0x3  }
0x92: {  	_ =	strace s18  }
0x93: {  	s3 =	sld [smem:$0x3FFC];
	_ =	sdelay $0x3  }
0x94: {  	_ =	strace s3  }
0x95: {  	s3 =	sld [smem:$0x3FFD];
	_ =	sdelay $0x3  }
0x96: {  	_ =	strace s3  }
0x97: {  	_ =	strace $0x8FFFFFFF  }
0x98: {  	s19 =	sld [smem:$0x3FDB];
	_ =	sdelay $0x1  }
0x99: {  	s4 =	simm.s32 $_scs_section_size  }
0x9a: {  	s5 =	simm.s32 $_size__tile_overlayer_lowered;
	s6 =	simm.s32 $_tile_overlayer_lowered  }
0x9b: {  	s22 =	simm.s32 $0x1BFF;
	s21 =	sshll.u32 s6, $0x1;
	s3 =	sadd.s32 s4, s19  }
0x9c: {  	s7 =	simm.s32 $0x0;
	s20 =	sshll.u32 s5, $0x1;
	s5 =	sadd.s32 s21, s3  }
0x9d: {  	[timem:s7], [sflag:s22] =	dma.local [hbm:s5], s20  }
0x9e: {  	_ =	swait.ge [sflag:s22], s20  }
0x9f: {  	s4 =	ssub.s32 $0x0, s20;
	[sflag:s22] =	ssyncset.done $0x0  }
0xa0: {  	[sflag:s22] =	ssyncadd.s32 s4;
	_ =	sdelay $0x1  }
0xa1: {  	s23 =	simm.s32 $0x1B8B  }
0xa2: {  	_ =	swait.ge [sflag:s23], $0x1  }
0xa3: {  	[sflag:s23] =	ssyncset.done $0x0  }
0xa4: {  	s25 =	simm.s32 $0x1B8E;
	s24 =	sld [smem:$0x3FFE];
	[sflag:s23] =	ssyncadd.s32 $0xFFFFFFFF  }
0xa5: {  	s26 =	simm.s32 $execute0_lowered;
	[smem:$0x3FD2] =	sst s25  }
0xa6: {  	s5 =	sshll.u32 s26, $0x1;
	_ =	strace $0x8000004C;
	[dreg:$0x1] =	wrdreg $0xFFFFFFFF  }
0xa7: {  	s28 =	simm.s32 $_size_execute0_lowered;
	s3 =	sadd.s32 s3, s5;
	[dreg:$0x0] =	wrdreg $0x0  }
0xa8: {  	s5 =	sshll.u32 s28, $0x1;
	[dreg:$0x2] =	wrdreg s3  }
0xa9: {  	[dreg:$0x3] =	wrdreg s5  }
0xaa: {  	[dreg:$0x4] =	wrdreg $0xC0  }
0xab: {  	_ =	task [dreg:s7], $0x5FFFF  }
0xac: {  	[dreg:$0x1] =	wrdreg $0xFFFFFFFF  }
0xad: {  	[dreg:$0x0] =	wrdreg $0x60  }
0xae: {  	[dreg:$0x2] =	wrdreg s24  }
0xaf: {  	[dreg:$0x3] =	wrdreg s2  }
0xb0: {  	[dreg:$0x4] =	wrdreg $0xA8000  }
0xb1: {  	[dreg:$0x5] =	wrdreg $0x9  }
0xb2: {  	_ =	task.clear_ibuf [dreg:s7], $0x6FFFF;
	_ =	strace $0x9000004C  }
0xb3: {  	s29 =	simm.s32 $0x9;
	_ =	strace $0x8000004E  }
0xb4: {  	_ =	swait.ge [sflag:s29], $0x1  }
0xb5: {  	[sflag:s29] =	ssyncadd.s32 $0xFFFFFFFF  }
0xb6: {  	_ =	strace $0x9000004E  }
0xb7: {  	_ =	sfence  }
0xb8: {  	s30 =	sld [smem:$0x0];
	_ =	sdelay $0x2  }
0xb9: {  	s31 =	sshll.u32 s1, $0xD;
	s1 =	sshrl.u32 s1, $0x2  }
0xba: {  	s3 =	sand.u32 $0x4000, s31;
	s1 =	sadd.s32 s1, s30  }
0xbb: {  	s0 =	sor.u32 s3, s0;
	s1 =	sshll.u32 s1, $0x11  }
0xbc: {  	s0 =	sor.u32 s1, s0  }
0xbd: {  	s0 =	sadd.s32 $0x8F2B, s0  }
0xbe: {  	[sflag:s0] =	ssyncadd.remote.s32 $0x1  }
0xbf: {  	_ =	sfence.sel $0xFFFF  }
0xc0: {  	[dreg:$0x0] =	wrdreg $0xFFFFFFFF;
	(pc) =	sbr.abs _section_cstart, $3  }
0xc1: {  	[dreg:$0x1] =	wrdreg $0xFFFFFFFF  }
0xc2: {  	_ =	task.clear_ibuf [dreg:s7], $0x2FFFF;
	_ =	strace $0x9FFFFFFF  }
0xc3: {  	(tm) =	ssettm $0x7FFFFFFF  }
tec
execute0_lowered:
.L_overlay_start_1:
0x0: {  	(tag) =	ssettag $0x1  }
0x1: {  	s5 =	rddreg [dreg:$0x0]  }
0x2: {  	s9 =	rddreg [dreg:$0x1]  }
0x3: {  	s2 =	rddreg [dreg:$0x2]  }
0x4: {  	s0 =	rddreg [dreg:$0x3];
	s1 =	stileid.u32  }
0x5: {  	s4 =	srdreg.scid;
	s3 =	simm.s32 $0x0;
	s16 =	simm.s32 $0x80  }
0x6: {  	s17 =	simm.s32 $0x2800;
	s18 =	simm.s32 $0x6800;
	s19 =	simm.s32 $0x1  }
0x7: {  	s20 =	simm.s32 $0x2;
	s21 =	simm.s32 $0x2700;
	s22 =	simm.s32 $0x2780  }
0x8: {  	s23 =	simm.s32 $0x0;
	s6 =	smul.u32 $0x14000, s1;
	s7 =	sand.u32 $0x1, s4  }
0x9: {  	[smem:$0x7FF] =	sst s3;
	s4 =	sadd.s32 $0xB400, s5;
	s11 =	sadd.s32 $0x1400, s5  }
0xa: {  	s25 =	smul.u32 $0x50000, s1;
	s12 =	sshll.u32 s1, $0x1;
	s30 =	sshll.u32 s1, $0x6  }
0xb: {  	s8 =	smul.u32 $0x140000, s7;
	_ =	strace $0x8000004D;
	s26 =	ssub.s32 $0x2, s7  }
0xc: {  	s28 =	sor.u32 s7, s12;
	s10 =	sshrl.u32 s6, $0x3;
	s29 =	sshrl.u32 s26, $0x1  }
0xd: {  	s12 =	smul.u32 $0x2800, s28;
	s10 =	sadd.s32 s10, s5;
	s6 =	sadd.s32 s6, s8  }
0xe: {  	s8 =	sshrl.u32 s25, $0x2;
	s14 =	ssub.s32 s26, s29;
	s6 =	sshrl.u32 s6, $0x3  }
0xf: {  	s15 =	sadd.s32 s8, s2;
	s31 =	sshrl.u32 s12, $0x3;
	s12 =	smax.u32 s14, $0x1  }
0x10: {  	s14 =	simm.s32 $0x3;
	s13 =	sadd.s32 s6, s5;
	s5 =	sadd.s32 $0x33400, s10  }
0x11: {  	s6 =	sor.u32 $0x1C03, s30;
	s7 =	sadd.s32 s9, s31;
	s10 =	sadd.s32 $0x280, s31  }
0x12: {  	s8 =	sadd.s32 s11, s31;
	s9 =	sadd.s32 s9, s10;
	s10 =	sadd.s32 s11, s10  }
0x13: {  	s11 =	sadd.s32 $0x83400, s13;
	s13 =	sshrl.u32 s15, $0x3;
	s15 =	simm.s32 $0x1400  }
.LBB2_1:
0x14: {  	[spmem:s13], [sflag:s6] =	dma.local [hbm:s5], $0x2800  }
0x15: {  	_ =	swait.ge [sflag:s14], $0x2800  }
0x16: {  	[sflag:s14] =	ssyncset.done $0x0  }
0x17: {  	[sflag:s14] =	ssyncadd.s32 $0xFFFFD800  }
0x18: {  	[bflag:$0x0] =	sbarrier.arrive $0xFFFF  }
0x19: {  	[tilespmem:s3], [sflag:$0x3] =	stream.linear.gather [hbm4b:s7+s3], $0x1400, $0x38;
	[tilespmem:$0x1E800] =	vst v63  }
0x1a: {  	_ =	swait.ge [sflag:s14], $0x1400  }
0x1b: {  	[sflag:s14] =	ssyncset.done $0x0  }
0x1c: {  	[sflag:s14] =	ssyncadd.s32 $0xFFFFEC00  }
0x1d: {  	[tilespmem:s15], [sflag:$0x3] =	stream.linear.gather [hbm4b:s8+s3], $0x1400, $0x38;
	[tilespmem:$0x1E800] =	vst v63  }
0x1e: {  	_ =	swait.ge [sflag:s14], $0x1400  }
0x1f: {  	[sflag:s14] =	ssyncset.done $0x0  }
0x20: {  	[sflag:s14] =	ssyncadd.s32 $0xFFFFEC00  }
0x21: {  	[tilespmem:s17], [sflag:$0x1] =	stream.indirect.gather [hbm4b:s4+s16], $0x80, s3, s16, $0xb8;
	[tilespmem:$0x1E800] =	vst v63  }
0x22: {  	_ = 	snop  }
0x23: {  	[tilespmem:s18], [sflag:$0x2] =	stream.indirect.gather [hbm4b:s4+s16], $0x80, s16, s16, $0xb8;
	[tilespmem:$0x1E800] =	vst v63  }
0x24: {  	_ =	swait.ge [sflag:s19], $0x4000  }
0x25: {  	[sflag:s19] =	ssyncset.done $0x0  }
0x26: {  	s24 =	simm.s32 $0x1400;
	[sflag:s19] =	ssyncadd.s32 $0xFFFFC000  }
0x27: {  	[spmem:s2] =	stream.indirect.scatter.add.f32 [tilespmem:s17], [sflag:$0x3], $0x80, s24, s16, $0xb8;
	[tilespmem:$0x1E800] =	vst v63  }
0x28: {  	_ =	swait.ge [sflag:s14], $0x4000  }
0x29: {  	[sflag:s14] =	ssyncset.done $0x0  }
0x2a: {  	s30 =	simm.s32 $0x100;
	[sflag:s14] =	ssyncadd.s32 $0xFFFFC000  }
0x2b: {  	[tilespmem:s17], [sflag:$0x1] =	stream.indirect.gather [hbm4b:s4+s16], $0x80, s30, s16, $0xb8;
	[tilespmem:$0x1E800] =	vst v63  }
0x2c: {  	_ =	swait.ge [sflag:s20], $0x4000  }
0x2d: {  	[sflag:s20] =	ssyncset.done $0x0  }
0x2e: {  	s31 =	simm.s32 $0x1480;
	[sflag:s20] =	ssyncadd.s32 $0xFFFFC000  }
0x2f: {  	[spmem:s2] =	stream.indirect.scatter.add.f32 [tilespmem:s18], [sflag:$0x3], $0x80, s31, s16, $0xb8;
	[tilespmem:$0x1E800] =	vst v63  }
0x30: {  	_ =	swait.ge [sflag:s14], $0x4000  }
0x31: {  	[sflag:s14] =	ssyncset.done $0x0  }
0x32: {  	s25 =	simm.s32 $0x180;
	s24 =	simm.s32 $0x400;
	[sflag:s14] =	ssyncadd.s32 $0xFFFFC000  }
.LBB2_2:
0x33: {  	[tilespmem:s18], [sflag:$0x2] =	stream.indirect.gather [hbm4b:s4+s16], $0x80, s25, s16, $0xb8;
	[tilespmem:$0x1E800] =	vst v63  }
0x34: {  	s25 =	smov.u32 s24  }
0x35: {  	p0 =	sne.s32 s24, $0x4800;
	s24 =	sadd.s32 $0x400, s24;
	_ =	swait.ge [sflag:s19], $0x4000  }
0x36: {  	s25 =	sshra.s32 s25, $0x2;
	[sflag:s19] =	ssyncset.done $0x0  }
0x37: {  	s26 =	sadd.s32 $0x1400, s25;
	[sflag:s19] =	ssyncadd.s32 $0xFFFFC000  }
0x38: {  	[spmem:s2] =	stream.indirect.scatter.add.f32 [tilespmem:s17], [sflag:$0x3], $0x80, s26, s16, $0xb8;
	[tilespmem:$0x1E800] =	vst v63  }
0x39: {  	_ =	swait.ge [sflag:s14], $0x4000  }
0x3a: {  	[sflag:s14] =	ssyncset.done $0x0  }
0x3b: {  	s26 =	sadd.s32 $0x100, s25;
	[sflag:s14] =	ssyncadd.s32 $0xFFFFC000  }
0x3c: {  	[tilespmem:s17], [sflag:$0x1] =	stream.indirect.gather [hbm4b:s4+s16], $0x80, s26, s16, $0xb8;
	[tilespmem:$0x1E800] =	vst v63  }
0x3d: {  	_ =	swait.ge [sflag:s20], $0x4000  }
0x3e: {  	[sflag:s20] =	ssyncset.done $0x0  }
.Ltmp0:
0x3f: {  	s26 =	sadd.s32 $0x1480, s25;
	[sflag:s20] =	ssyncadd.s32 $0xFFFFC000;
	(pc) =	sbr.rel @p0 .LBB2_2-.Ltmp0, $4  }
0x40: {  	[spmem:s2] =	stream.indirect.scatter.add.f32 [tilespmem:s18], [sflag:$0x3], $0x80, s26, s16, $0xb8;
	[tilespmem:$0x1E800] =	vst v63  }
0x41: {  	_ =	swait.ge [sflag:s14], $0x4000  }
0x42: {  	[sflag:s14] =	ssyncset.done $0x0  }
0x43: {  	s25 =	sadd.s32 $0x180, s25;
	[sflag:s14] =	ssyncadd.s32 $0xFFFFC000  }
0x44: {  	[tilespmem:s18], [sflag:$0x2] =	stream.indirect.gather [hbm4b:s4+s16], $0x80, s25, s16, $0xb8;
	[tilespmem:$0x1E800] =	vst v63  }
0x45: {  	_ =	swait.ge [sflag:s19], $0x4000  }
0x46: {  	[sflag:s19] =	ssyncset.done $0x0  }
0x47: {  	[sflag:s19] =	ssyncadd.s32 $0xFFFFC000  }
0x48: {  	[spmem:s2] =	stream.indirect.scatter.add.f32 [tilespmem:s17], [sflag:$0x3], $0x80, s21, s16, $0xb8;
	[tilespmem:$0x1E800] =	vst v63  }
0x49: {  	_ =	swait.ge [sflag:s14], $0x4000  }
0x4a: {  	[sflag:s14] =	ssyncset.done $0x0  }
0x4b: {  	[sflag:s14] =	ssyncadd.s32 $0xFFFFC000  }
0x4c: {  	_ =	swait.ge [sflag:s20], $0x4000  }
0x4d: {  	[sflag:s20] =	ssyncset.done $0x0  }
0x4e: {  	[sflag:s20] =	ssyncadd.s32 $0xFFFFC000  }
0x4f: {  	[spmem:s2] =	stream.indirect.scatter.add.f32 [tilespmem:s18], [sflag:$0x3], $0x80, s22, s16, $0xb8;
	[tilespmem:$0x1E800] =	vst v63  }
0x50: {  	_ =	swait.ge [sflag:s14], $0x4000  }
0x51: {  	[sflag:s14] =	ssyncset.done $0x0  }
0x52: {  	s24 =	simm.s32 $0x0;
	[sflag:s14] =	ssyncadd.s32 $0xFFFFC000  }
0x53: {  	[tilespmem:s24], [sflag:$0x3] =	stream.linear.gather [hbm4b:s9+s24], $0x1400, $0x38;
	[tilespmem:$0x1E800] =	vst v63  }
0x54: {  	_ =	swait.ge [sflag:s14], $0x1400  }
0x55: {  	[sflag:s14] =	ssyncset.done $0x0  }
0x56: {  	[sflag:s14] =	ssyncadd.s32 $0xFFFFEC00  }
0x57: {  	[tilespmem:s15], [sflag:$0x3] =	stream.linear.gather [hbm4b:s10+s24], $0x1400, $0x38;
	[tilespmem:$0x1E800] =	vst v63  }
0x58: {  	_ =	swait.ge [sflag:s14], $0x1400  }
0x59: {  	[sflag:s14] =	ssyncset.done $0x0  }
0x5a: {  	[sflag:s14] =	ssyncadd.s32 $0xFFFFEC00  }
0x5b: {  	[tilespmem:s17], [sflag:$0x1] =	stream.indirect.gather [hbm4b:s4+s16], $0x80, s24, s16, $0xb8;
	[tilespmem:$0x1E800] =	vst v63  }
0x5c: {  	_ = 	snop  }
0x5d: {  	[tilespmem:s18], [sflag:$0x2] =	stream.indirect.gather [hbm4b:s4+s16], $0x80, s16, s16, $0xb8;
	[tilespmem:$0x1E800] =	vst v63  }
0x5e: {  	_ =	swait.ge [sflag:s19], $0x4000  }
0x5f: {  	[sflag:s19] =	ssyncset.done $0x0  }
0x60: {  	s29 =	simm.s32 $0x1400;
	[sflag:s19] =	ssyncadd.s32 $0xFFFFC000  }
0x61: {  	[spmem:s2] =	stream.indirect.scatter.add.f32 [tilespmem:s17], [sflag:$0x3], $0x80, s29, s16, $0xb8;
	[tilespmem:$0x1E800] =	vst v63  }
0x62: {  	_ =	swait.ge [sflag:s14], $0x4000  }
0x63: {  	[sflag:s14] =	ssyncset.done $0x0  }
0x64: {  	s30 =	simm.s32 $0x100;
	[sflag:s14] =	ssyncadd.s32 $0xFFFFC000  }
0x65: {  	[tilespmem:s17], [sflag:$0x1] =	stream.indirect.gather [hbm4b:s4+s16], $0x80, s30, s16, $0xb8;
	[tilespmem:$0x1E800] =	vst v63  }
0x66: {  	_ =	swait.ge [sflag:s20], $0x4000  }
0x67: {  	[sflag:s20] =	ssyncset.done $0x0  }
0x68: {  	s31 =	simm.s32 $0x1480;
	[sflag:s20] =	ssyncadd.s32 $0xFFFFC000  }
0x69: {  	[spmem:s2] =	stream.indirect.scatter.add.f32 [tilespmem:s18], [sflag:$0x3], $0x80, s31, s16, $0xb8;
	[tilespmem:$0x1E800] =	vst v63  }
0x6a: {  	_ =	swait.ge [sflag:s14], $0x4000  }
0x6b: {  	[sflag:s14] =	ssyncset.done $0x0  }
0x6c: {  	s25 =	simm.s32 $0x180;
	s24 =	simm.s32 $0x400;
	[sflag:s14] =	ssyncadd.s32 $0xFFFFC000  }
.LBB2_4:
0x6d: {  	[tilespmem:s18], [sflag:$0x2] =	stream.indirect.gather [hbm4b:s4+s16], $0x80, s25, s16, $0xb8;
	[tilespmem:$0x1E800] =	vst v63  }
0x6e: {  	s25 =	smov.u32 s24  }
0x6f: {  	p0 =	sne.s32 s24, $0x4800;
	s24 =	sadd.s32 $0x400, s24;
	_ =	swait.ge [sflag:s19], $0x4000  }
0x70: {  	s25 =	sshra.s32 s25, $0x2;
	[sflag:s19] =	ssyncset.done $0x0  }
0x71: {  	s26 =	sadd.s32 $0x1400, s25;
	[sflag:s19] =	ssyncadd.s32 $0xFFFFC000  }
0x72: {  	[spmem:s2] =	stream.indirect.scatter.add.f32 [tilespmem:s17], [sflag:$0x3], $0x80, s26, s16, $0xb8;
	[tilespmem:$0x1E800] =	vst v63  }
0x73: {  	_ =	swait.ge [sflag:s14], $0x4000  }
0x74: {  	[sflag:s14] =	ssyncset.done $0x0  }
0x75: {  	s26 =	sadd.s32 $0x100, s25;
	[sflag:s14] =	ssyncadd.s32 $0xFFFFC000  }
0x76: {  	[tilespmem:s17], [sflag:$0x1] =	stream.indirect.gather [hbm4b:s4+s16], $0x80, s26, s16, $0xb8;
	[tilespmem:$0x1E800] =	vst v63  }
0x77: {  	_ =	swait.ge [sflag:s20], $0x4000  }
0x78: {  	[sflag:s20] =	ssyncset.done $0x0  }
.Ltmp1:
0x79: {  	s26 =	sadd.s32 $0x1480, s25;
	[sflag:s20] =	ssyncadd.s32 $0xFFFFC000;
	(pc) =	sbr.rel @p0 .LBB2_4-.Ltmp1, $4  }
0x7a: {  	[spmem:s2] =	stream.indirect.scatter.add.f32 [tilespmem:s18], [sflag:$0x3], $0x80, s26, s16, $0xb8;
	[tilespmem:$0x1E800] =	vst v63  }
0x7b: {  	_ =	swait.ge [sflag:s14], $0x4000  }
0x7c: {  	[sflag:s14] =	ssyncset.done $0x0  }
0x7d: {  	s25 =	sadd.s32 $0x180, s25;
	[sflag:s14] =	ssyncadd.s32 $0xFFFFC000  }
0x7e: {  	[tilespmem:s18], [sflag:$0x2] =	stream.indirect.gather [hbm4b:s4+s16], $0x80, s25, s16, $0xb8;
	[tilespmem:$0x1E800] =	vst v63  }
0x7f: {  	_ =	swait.ge [sflag:s19], $0x4000  }
0x80: {  	[sflag:s19] =	ssyncset.done $0x0  }
0x81: {  	[sflag:s19] =	ssyncadd.s32 $0xFFFFC000  }
0x82: {  	[spmem:s2] =	stream.indirect.scatter.add.f32 [tilespmem:s17], [sflag:$0x3], $0x80, s21, s16, $0xb8;
	[tilespmem:$0x1E800] =	vst v63  }
0x83: {  	_ =	swait.ge [sflag:s14], $0x4000  }
0x84: {  	[sflag:s14] =	ssyncset.done $0x0  }
0x85: {  	[sflag:s14] =	ssyncadd.s32 $0xFFFFC000  }
0x86: {  	_ =	swait.ge [sflag:s20], $0x4000  }
0x87: {  	[sflag:s20] =	ssyncset.done $0x0  }
0x88: {  	[sflag:s20] =	ssyncadd.s32 $0xFFFFC000  }
0x89: {  	[spmem:s2] =	stream.indirect.scatter.add.f32 [tilespmem:s18], [sflag:$0x3], $0x80, s22, s16, $0xb8;
	[tilespmem:$0x1E800] =	vst v63  }
0x8a: {  	_ =	swait.ge [sflag:s14], $0x4000  }
0x8b: {  	s23 =	sadd.s32 $0x1, s23;
	[sflag:s14] =	ssyncset.done $0x0  }
0x8c: {  	p0 =	sne.s32 s23, s12;
	[sflag:s14] =	ssyncadd.s32 $0xFFFFC000  }
.Ltmp2:
0x8d: {  	[bflag:$0x0] =	sbarrier.arrive $0xFFFF;
	(pc) =	sbr.rel @p0 .LBB2_1-.Ltmp2, $4  }
0x8e: {  	[hbm:s11], [sflag:s6] =	dma.local [spmem:s13], $0x2800  }
0x8f: {  	_ =	swait.ge [sflag:s14], $0x2800  }
0x90: {  	[sflag:s14] =	ssyncset.done $0x0  }
0x91: {  	[sflag:s14] =	ssyncadd.s32 $0xFFFFD800  }
0x92: {  	_ =	sfence.sel $0x180000  }
0x93: {  	[bflag:$0x0] =	sbarrier.arrive $0xFFFF  }
0x94: {  	p0 =	sne.s32 s1, $0x0;
	_ =	strace $0x9000004D  }
0x95: {  	s0 =	sadd.s32 @!p0 $0x100000, s0;
	[bflag:$0x2] =	sbarrier.arrive $0xFFFF  }
0x96: {  	[sflag:s0] =	ssyncadd.tile.s32 @!p0 $0x1;
	_ =	shalt  }
.Lfunc_end2:
_tile_overlayer_lowered:
.L_overlay_start_2:
0x97: {  	(tag) =	ssettag $0x2  }
0x98: {  	s0 =	rddreg [dreg:$0x0];
	s2 =	stileid.u32  }
0x99: {  	s1 =	rddreg [dreg:$0x1];
	p0 =	sne.s32 s2, $0x0  }
0x9a: {  	s3 =	rddreg [dreg:$0x2];
	[bflag:$0x3] =	sbarrier.arrive $0xFFFF;
	s2 =	simm.s32 @!p0 $0x1C03  }
0x9b: {  	[timem:s3], [sflag:s2] =	dma.local @!p0 [hbm:s0], s1  }
0x9c: {  	s0 =	simm.s32 @!p0 $0x3  }
0x9d: {  	_ =	swait.ge @!p0 [sflag:s0], s1  }
0x9e: {  	s1 =	ssub.s32 @!p0 $0x0, s1;
	[sflag:s0] =	ssyncset.done @!p0 $0x0  }
0x9f: {  	[sflag:s0] =	ssyncadd.s32 @!p0 s1  }
0xa0: {  	[bflag:$0x3] =	sbarrier.arrive $0xFFFF  }
0xa1: {  	_ =	shalt  }

// kernel: kernel.8.cloned.1.call-start
scs
__scs_entry_jumppad:
0x0: {  	(pc) =	sbr.rel $0x88, $3  }
0x1: {  	(tag) =	ssettag $0x0;
	lr =	simm.s32 $0x1  }
0x2: {  	[smem:$0x3F9B] =	sst lr;
	_ =	strace $0xD0000000  }
0x3: {  	_ = 	snop  }
0x4: {  	_ = 	snop  }
0x5: {  	_ = 	snop  }
0x6: {  	_ = 	snop  }
0x7: {  	_ = 	snop  }
__scs_overlays_trampoline_lowered:
0x8: {  	[smem:$0x3FAA] =	sst s0  }
0x9: {  	[smem:$0x3FAB] =	sst s1  }
0xa: {  	[smem:$0x3FAC] =	sst s2  }
0xb: {  	[smem:$0x3FAD] =	sst s3  }
0xc: {  	[smem:$0x3FAE] =	sst s4  }
0xd: {  	[smem:$0x3FAF] =	sst s5  }
0xe: {  	[smem:$0x3FB0] =	sst s6  }
0xf: {  	[smem:$0x3FB1] =	sst s7  }
0x10: {  	[smem:$0x3FB2] =	sst s8  }
0x11: {  	[smem:$0x3FB3] =	sst s9;
	s0 =	simm.s32 @!p0 $0x0  }
0x12: {  	s1 =	sld [smem:$0x3F99];
	s0 =	simm.s32 @p0 $0x1  }
0x13: {  	[smem:$0x3FB4] =	sst s0;
	s0 =	simm.s32 @!p1 $0x0  }
0x14: {  	s2 =	sld [smem:$0x3F98];
	s0 =	simm.s32 @p1 $0x1  }
0x15: {  	[smem:$0x3FB5] =	sst s0;
	s0 =	simm.s32 @!p2 $0x0  }
0x16: {  	s3 =	sld [smem:$0x3FDB];
	s0 =	simm.s32 @p2 $0x1  }
0x17: {  	s4 =	simm.s32 $0x1BF5;
	[smem:$0x3FB7] =	sst s0  }
0x18: {  	s0 =	sld [smem:$0x3F9A];
	_ =	swait.ge [sflag:s4], $0x0  }
0x19: {  	s7 =	sld [smem:$0x3F9B]  }
0x1a: {  	s8 =	sadd.s32 $0xFFFFE003, lr  }
0x1b: {  	s9 =	sadd.s32 $0xFFFFFEF7, lr;
	s5 =	simm.s32 $0xFFFFFFFF;
	p2 =	slt.u32 s8, $0xFFFFF086  }
0x1c: {  	p1 =	slt.u32 s9, $0xF7A;
	s5 =	simm.s32 @!p2 $0x0  }
0x1d: {  	s5 =	simm.s32 @p1 $0x1;
	p0 =	seq.s32 s7, s2  }
0x1e: {  	s7 =	smul.u32 @!p0 $0xF7A, s2;
	p2 =	seq.s32 @!p0 s5, $0x0  }
0x1f: {  	s9 =	smul.u32 $0xF7A, s1;
	s8 =	simm.s32 @!p0 $0x1BF5;
	p2 =	por !p2, p0  }
0x20: {  	[sflag:s8] =	ssyncset.s32 @!p0 $0xFFFFF086;
	s6 =	sadd.s32 @!p0 s3, s7;
	s7 =	simm.s32 @!p0 $0x108  }
0x21: {  	s3 =	sadd.s32 s3, s9;
	s6 =	sadd.s32 @!p0 $0x88, s6;
	s7 =	simm.s32 @p2 $0x1082  }
0x22: {  	[simem:s7], [sflag:s8] =	dma.local @!p0 [hbm:s6], $0xF7A  }
0x23: {  	s9 =	sor.u32 $0xD0000000, s2;
	s6 =	simm.s32 $0x108;
	_ =	swait.ge @!p0 [sflag:s8], $0x0  }
0x24: {  	s3 =	sadd.s32 $0x88, s3;
	s6 =	simm.s32 @!p1 $0x1082;
	[sflag:s4] =	ssyncset.s32 $0xFFFFF086  }
0x25: {  	[simem:s6], [sflag:s4] =	dma.local [hbm:s3], $0xF7A  }
0x26: {  	[smem:$0x3F9B] =	sst s1;
	(tag) =	ssettag s2;
	_ =	strace s9  }
0x27: {  	s1 =	sld [smem:$0x3FAB]  }
0x28: {  	s2 =	sld [smem:$0x3FAC]  }
0x29: {  	s4 =	sld [smem:$0x3FAE]  }
0x2a: {  	p0 =	seq.s32 s5, $0x0;
	s5 =	sld [smem:$0x3FAF]  }
0x2b: {  	s6 =	sld [smem:$0x3FB0]  }
0x2c: {  	s7 =	sld [smem:$0x3FB1]  }
0x2d: {  	s3 =	simm.s32 $0x108;
	s8 =	sld [smem:$0x3FB2]  }
0x2e: {  	s3 =	simm.s32 @!p0 $0x1082;
	s9 =	sld [smem:$0x3FB3]  }
0x2f: {  	lr =	sadd.s32 s0, s3;
	s0 =	sld [smem:$0x3FAA]  }
0x30: {  	s3 =	sld [smem:$0x3FAD]  }
0x31: {  	[smem:$0x3FB6] =	sst s10  }
0x32: {  	s10 =	sld [smem:$0x3FB4];
	_ =	sdelay $0x3  }
0x33: {  	p0 =	seq.s32 s10, $0x1;
	s10 =	sld [smem:$0x3FB6];
	_ =	sdelay $0x3  }
0x34: {  	[smem:$0x3FB6] =	sst s10  }
0x35: {  	s10 =	sld [smem:$0x3FB5];
	_ =	sdelay $0x3  }
0x36: {  	p1 =	seq.s32 s10, $0x1;
	s10 =	sld [smem:$0x3FB6];
	_ =	sdelay $0x3  }
0x37: {  	[smem:$0x3FB6] =	sst s10  }
0x38: {  	s10 =	sld [smem:$0x3FB7]  }
0x39: {  	_ = 	snop;
	(pc) =	sbr.ind lr, $3  }
0x3a: {  	_ = 	snop  }
0x3b: {  	_ = 	snop  }
0x3c: {  	p2 =	seq.s32 s10, $0x1;
	s10 =	sld [smem:$0x3FB6]  }
0x3d: {  	_ =	shalt  }
0x3e: {  	_ =	shalt  }
0x3f: {  	_ =	shalt  }
0x40: {  	_ =	shalt  }
0x41: {  	_ =	shalt  }
0x42: {  	_ =	shalt  }
0x43: {  	_ =	shalt  }
0x44: {  	_ =	shalt  }
0x45: {  	_ =	shalt  }
0x46: {  	_ =	shalt  }
0x47: {  	_ =	shalt  }
0x48: {  	_ =	shalt  }
0x49: {  	_ =	shalt  }
0x4a: {  	_ =	shalt  }
0x4b: {  	_ =	shalt  }
0x4c: {  	_ =	shalt  }
0x4d: {  	_ =	shalt  }
0x4e: {  	_ =	shalt  }
0x4f: {  	_ =	shalt  }
0x50: {  	_ =	shalt  }
0x51: {  	_ =	shalt  }
0x52: {  	_ =	shalt  }
0x53: {  	_ =	shalt  }
0x54: {  	_ =	shalt  }
0x55: {  	_ =	shalt  }
0x56: {  	_ =	shalt  }
0x57: {  	_ =	shalt  }
0x58: {  	_ =	shalt  }
0x59: {  	_ =	shalt  }
0x5a: {  	_ =	shalt  }
0x5b: {  	_ =	shalt  }
0x5c: {  	_ =	shalt  }
0x5d: {  	_ =	shalt  }
0x5e: {  	_ =	shalt  }
0x5f: {  	_ =	shalt  }
0x60: {  	_ =	shalt  }
0x61: {  	_ =	shalt  }
0x62: {  	_ =	shalt  }
0x63: {  	_ =	shalt  }
0x64: {  	_ =	shalt  }
0x65: {  	_ =	shalt  }
0x66: {  	_ =	shalt  }
0x67: {  	_ =	shalt  }
0x68: {  	_ =	shalt  }
0x69: {  	_ =	shalt  }
0x6a: {  	_ =	shalt  }
0x6b: {  	_ =	shalt  }
0x6c: {  	_ =	shalt  }
0x6d: {  	_ =	shalt  }
0x6e: {  	_ =	shalt  }
0x6f: {  	_ =	shalt  }
0x70: {  	_ =	shalt  }
0x71: {  	_ =	shalt  }
0x72: {  	_ =	shalt  }
0x73: {  	_ =	shalt  }
0x74: {  	_ =	shalt  }
0x75: {  	_ =	shalt  }
0x76: {  	_ =	shalt  }
0x77: {  	_ =	shalt  }
0x78: {  	_ =	shalt  }
0x79: {  	_ =	shalt  }
0x7a: {  	_ =	shalt  }
0x7b: {  	_ =	shalt  }
0x7c: {  	_ =	shalt  }
0x7d: {  	_ =	shalt  }
0x7e: {  	_ =	shalt  }
0x7f: {  	_ =	shalt  }
0x80: {  	_ =	shalt  }
0x81: {  	_ =	shalt  }
0x82: {  	_ =	shalt  }
0x83: {  	_ =	shalt  }
0x84: {  	_ =	shalt  }
0x85: {  	_ =	shalt  }
0x86: {  	_ =	shalt  }
0x87: {  	_ =	shalt  }
.Lfunc_end0:
.L_simem_size_0:
called_computation_lowered:
.L_overlay_start_0:
0x88: {  	s2 =	sld [smem:$0x3FD9]  }
0x89: {  	s3 =	sld [smem:$0x3FFE];
	_ =	sdelay $0x1  }
0x8a: {  	s1 =	srdreg.scid  }
0x8b: {  	s0 =	sand.u32 $0x1, s1  }
0x8c: {  	s17 =	sshll.u32 s0, $0xA;
	s2 =	sadd.s32 s3, s2  }
0x8d: {  	s2 =	sadd.s32 s2, s17  }
0x8e: {  	[smem:$0x3FC2] =	sst s2  }
0x8f: {  	_ = 	snop  }
0x90: {  	s2 =	sld [smem:$0x3FD0];
	(tm) =	ssettm $0x1  }
0x91: {  	s18 =	sld [smem:$0x3FFB];
	_ =	sdelay $0x3  }
0x92: {  	_ =	strace s18  }
0x93: {  	s3 =	sld [smem:$0x3FFC];
	_ =	sdelay $0x3  }
0x94: {  	_ =	strace s3  }
0x95: {  	s3 =	sld [smem:$0x3FFD];
	_ =	sdelay $0x3  }
0x96: {  	_ =	strace s3  }
0x97: {  	_ =	strace $0x8FFFFFFF  }
0x98: {  	s19 =	sld [smem:$0x3FDB];
	_ =	sdelay $0x1  }
0x99: {  	s4 =	simm.s32 $_scs_section_size  }
0x9a: {  	s5 =	simm.s32 $_size__tile_overlayer_lowered;
	s6 =	simm.s32 $_tile_overlayer_lowered  }
0x9b: {  	s22 =	simm.s32 $0x1BFF;
	s21 =	sshll.u32 s6, $0x1;
	s3 =	sadd.s32 s4, s19  }
0x9c: {  	s7 =	simm.s32 $0x0;
	s20 =	sshll.u32 s5, $0x1;
	s5 =	sadd.s32 s21, s3  }
0x9d: {  	[timem:s7], [sflag:s22] =	dma.local [hbm:s5], s20  }
0x9e: {  	_ =	swait.ge [sflag:s22], s20  }
0x9f: {  	s4 =	ssub.s32 $0x0, s20;
	[sflag:s22] =	ssyncset.done $0x0  }
0xa0: {  	[sflag:s22] =	ssyncadd.s32 s4;
	_ =	sdelay $0x1  }
0xa1: {  	s23 =	simm.s32 $0x1B8B  }
0xa2: {  	_ =	swait.ge [sflag:s23], $0x1  }
0xa3: {  	[sflag:s23] =	ssyncset.done $0x0  }
0xa4: {  	s25 =	simm.s32 $0x1B8E;
	s24 =	sld [smem:$0x3FFE];
	[sflag:s23] =	ssyncadd.s32 $0xFFFFFFFF  }
0xa5: {  	s26 =	simm.s32 $execute0_lowered;
	[smem:$0x3FD2] =	sst s25  }
0xa6: {  	s5 =	sshll.u32 s26, $0x1;
	_ =	strace $0x80000046;
	[dreg:$0x1] =	wrdreg $0xFFFFFFFF  }
0xa7: {  	s28 =	simm.s32 $_size_execute0_lowered;
	s3 =	sadd.s32 s3, s5;
	[dreg:$0x0] =	wrdreg $0x0  }
0xa8: {  	s5 =	sshll.u32 s28, $0x1;
	[dreg:$0x2] =	wrdreg s3  }
0xa9: {  	[dreg:$0x3] =	wrdreg s5  }
0xaa: {  	[dreg:$0x4] =	wrdreg $0xC0  }
0xab: {  	_ =	task [dreg:s7], $0x5FFFF  }
0xac: {  	[dreg:$0x1] =	wrdreg $0xFFFFFFFF  }
0xad: {  	[dreg:$0x0] =	wrdreg $0x60  }
0xae: {  	[dreg:$0x2] =	wrdreg s24  }
0xaf: {  	[dreg:$0x3] =	wrdreg s2  }
0xb0: {  	[dreg:$0x4] =	wrdreg $0xA8000  }
0xb1: {  	[dreg:$0x5] =	wrdreg $0x9  }
0xb2: {  	_ =	task.clear_ibuf [dreg:s7], $0x6FFFF;
	_ =	strace $0x90000046  }
0xb3: {  	s29 =	simm.s32 $0x9;
	_ =	strace $0x80000048  }
0xb4: {  	_ =	swait.ge [sflag:s29], $0x1  }
0xb5: {  	[sflag:s29] =	ssyncadd.s32 $0xFFFFFFFF  }
0xb6: {  	_ =	strace $0x90000048  }
0xb7: {  	_ =	sfence  }
0xb8: {  	s30 =	sld [smem:$0x0];
	_ =	sdelay $0x2  }
0xb9: {  	s31 =	sshll.u32 s1, $0xD;
	s1 =	sshrl.u32 s1, $0x2  }
0xba: {  	s3 =	sand.u32 $0x4000, s31;
	s1 =	sadd.s32 s1, s30  }
0xbb: {  	s0 =	sor.u32 s3, s0;
	s1 =	sshll.u32 s1, $0x11  }
0xbc: {  	s0 =	sor.u32 s1, s0  }
0xbd: {  	s0 =	sadd.s32 $0x8F2B, s0  }
0xbe: {  	[sflag:s0] =	ssyncadd.remote.s32 $0x1  }
0xbf: {  	_ =	sfence.sel $0xFFFF  }
0xc0: {  	[dreg:$0x0] =	wrdreg $0xFFFFFFFF;
	(pc) =	sbr.abs _section_cstart, $3  }
0xc1: {  	[dreg:$0x1] =	wrdreg $0xFFFFFFFF  }
0xc2: {  	_ =	task.clear_ibuf [dreg:s7], $0x2FFFF;
	_ =	strace $0x9FFFFFFF  }
0xc3: {  	(tm) =	ssettm $0x7FFFFFFF  }
tec
execute0_lowered:
.L_overlay_start_1:
0x0: {  	(tag) =	ssettag $0x1  }
0x1: {  	s5 =	rddreg [dreg:$0x0]  }
0x2: {  	s9 =	rddreg [dreg:$0x1]  }
0x3: {  	s2 =	rddreg [dreg:$0x2]  }
0x4: {  	s0 =	rddreg [dreg:$0x3];
	s1 =	stileid.u32  }
0x5: {  	s4 =	srdreg.scid;
	s3 =	simm.s32 $0x0;
	s16 =	simm.s32 $0x80  }
0x6: {  	s17 =	simm.s32 $0x2800;
	s18 =	simm.s32 $0x6800;
	s19 =	simm.s32 $0x1  }
0x7: {  	s20 =	simm.s32 $0x2;
	s21 =	simm.s32 $0x2700;
	s22 =	simm.s32 $0x2780  }
0x8: {  	s23 =	simm.s32 $0x0;
	s6 =	smul.u32 $0x14000, s1;
	s7 =	sand.u32 $0x1, s4  }
0x9: {  	[smem:$0x7FF] =	sst s3;
	s4 =	sadd.s32 $0xB400, s5;
	s11 =	sadd.s32 $0x1400, s5  }
0xa: {  	s25 =	smul.u32 $0x50000, s1;
	s12 =	sshll.u32 s1, $0x1;
	s30 =	sshll.u32 s1, $0x6  }
0xb: {  	s8 =	smul.u32 $0x140000, s7;
	_ =	strace $0x80000047;
	s26 =	ssub.s32 $0x2, s7  }
0xc: {  	s28 =	sor.u32 s7, s12;
	s10 =	sshrl.u32 s6, $0x3;
	s29 =	sshrl.u32 s26, $0x1  }
0xd: {  	s12 =	smul.u32 $0x2800, s28;
	s10 =	sadd.s32 s10, s5;
	s6 =	sadd.s32 s6, s8  }
0xe: {  	s8 =	sshrl.u32 s25, $0x2;
	s14 =	ssub.s32 s26, s29;
	s6 =	sshrl.u32 s6, $0x3  }
0xf: {  	s15 =	sadd.s32 s8, s2;
	s31 =	sshrl.u32 s12, $0x3;
	s12 =	smax.u32 s14, $0x1  }
0x10: {  	s14 =	simm.s32 $0x3;
	s13 =	sadd.s32 s6, s5;
	s5 =	sadd.s32 $0x33400, s10  }
0x11: {  	s6 =	sor.u32 $0x1C03, s30;
	s7 =	sadd.s32 s9, s31;
	s10 =	sadd.s32 $0x280, s31  }
0x12: {  	s8 =	sadd.s32 s11, s31;
	s9 =	sadd.s32 s9, s10;
	s10 =	sadd.s32 s11, s10  }
0x13: {  	s11 =	sadd.s32 $0x5B400, s13;
	s13 =	sshrl.u32 s15, $0x3;
	s15 =	simm.s32 $0x1400  }
.LBB2_1:
0x14: {  	[spmem:s13], [sflag:s6] =	dma.local [hbm:s5], $0x2800  }
0x15: {  	_ =	swait.ge [sflag:s14], $0x2800  }
0x16: {  	[sflag:s14] =	ssyncset.done $0x0  }
0x17: {  	[sflag:s14] =	ssyncadd.s32 $0xFFFFD800  }
0x18: {  	[bflag:$0x0] =	sbarrier.arrive $0xFFFF  }
0x19: {  	[tilespmem:s3], [sflag:$0x3] =	stream.linear.gather [hbm4b:s7+s3], $0x1400, $0x38;
	[tilespmem:$0x1E800] =	vst v63  }
0x1a: {  	_ =	swait.ge [sflag:s14], $0x1400  }
0x1b: {  	[sflag:s14] =	ssyncset.done $0x0  }
0x1c: {  	[sflag:s14] =	ssyncadd.s32 $0xFFFFEC00  }
0x1d: {  	[tilespmem:s15], [sflag:$0x3] =	stream.linear.gather [hbm4b:s8+s3], $0x1400, $0x38;
	[tilespmem:$0x1E800] =	vst v63  }
0x1e: {  	_ =	swait.ge [sflag:s14], $0x1400  }
0x1f: {  	[sflag:s14] =	ssyncset.done $0x0  }
0x20: {  	[sflag:s14] =	ssyncadd.s32 $0xFFFFEC00  }
0x21: {  	[tilespmem:s17], [sflag:$0x1] =	stream.indirect.gather [hbm4b:s4+s16], $0x80, s3, s16, $0xb8;
	[tilespmem:$0x1E800] =	vst v63  }
0x22: {  	_ = 	snop  }
0x23: {  	[tilespmem:s18], [sflag:$0x2] =	stream.indirect.gather [hbm4b:s4+s16], $0x80, s16, s16, $0xb8;
	[tilespmem:$0x1E800] =	vst v63  }
0x24: {  	_ =	swait.ge [sflag:s19], $0x4000  }
0x25: {  	[sflag:s19] =	ssyncset.done $0x0  }
0x26: {  	s24 =	simm.s32 $0x1400;
	[sflag:s19] =	ssyncadd.s32 $0xFFFFC000  }
0x27: {  	[spmem:s2] =	stream.indirect.scatter.add.f32 [tilespmem:s17], [sflag:$0x3], $0x80, s24, s16, $0xb8;
	[tilespmem:$0x1E800] =	vst v63  }
0x28: {  	_ =	swait.ge [sflag:s14], $0x4000  }
0x29: {  	[sflag:s14] =	ssyncset.done $0x0  }
0x2a: {  	s30 =	simm.s32 $0x100;
	[sflag:s14] =	ssyncadd.s32 $0xFFFFC000  }
0x2b: {  	[tilespmem:s17], [sflag:$0x1] =	stream.indirect.gather [hbm4b:s4+s16], $0x80, s30, s16, $0xb8;
	[tilespmem:$0x1E800] =	vst v63  }
0x2c: {  	_ =	swait.ge [sflag:s20], $0x4000  }
0x2d: {  	[sflag:s20] =	ssyncset.done $0x0  }
0x2e: {  	s31 =	simm.s32 $0x1480;
	[sflag:s20] =	ssyncadd.s32 $0xFFFFC000  }
0x2f: {  	[spmem:s2] =	stream.indirect.scatter.add.f32 [tilespmem:s18], [sflag:$0x3], $0x80, s31, s16, $0xb8;
	[tilespmem:$0x1E800] =	vst v63  }
0x30: {  	_ =	swait.ge [sflag:s14], $0x4000  }
0x31: {  	[sflag:s14] =	ssyncset.done $0x0  }
0x32: {  	s25 =	simm.s32 $0x180;
	s24 =	simm.s32 $0x400;
	[sflag:s14] =	ssyncadd.s32 $0xFFFFC000  }
.LBB2_2:
0x33: {  	[tilespmem:s18], [sflag:$0x2] =	stream.indirect.gather [hbm4b:s4+s16], $0x80, s25, s16, $0xb8;
	[tilespmem:$0x1E800] =	vst v63  }
0x34: {  	s25 =	smov.u32 s24  }
0x35: {  	p0 =	sne.s32 s24, $0x4800;
	s24 =	sadd.s32 $0x400, s24;
	_ =	swait.ge [sflag:s19], $0x4000  }
0x36: {  	s25 =	sshra.s32 s25, $0x2;
	[sflag:s19] =	ssyncset.done $0x0  }
0x37: {  	s26 =	sadd.s32 $0x1400, s25;
	[sflag:s19] =	ssyncadd.s32 $0xFFFFC000  }
0x38: {  	[spmem:s2] =	stream.indirect.scatter.add.f32 [tilespmem:s17], [sflag:$0x3], $0x80, s26, s16, $0xb8;
	[tilespmem:$0x1E800] =	vst v63  }
0x39: {  	_ =	swait.ge [sflag:s14], $0x4000  }
0x3a: {  	[sflag:s14] =	ssyncset.done $0x0  }
0x3b: {  	s26 =	sadd.s32 $0x100, s25;
	[sflag:s14] =	ssyncadd.s32 $0xFFFFC000  }
0x3c: {  	[tilespmem:s17], [sflag:$0x1] =	stream.indirect.gather [hbm4b:s4+s16], $0x80, s26, s16, $0xb8;
	[tilespmem:$0x1E800] =	vst v63  }
0x3d: {  	_ =	swait.ge [sflag:s20], $0x4000  }
0x3e: {  	[sflag:s20] =	ssyncset.done $0x0  }
.Ltmp0:
0x3f: {  	s26 =	sadd.s32 $0x1480, s25;
	[sflag:s20] =	ssyncadd.s32 $0xFFFFC000;
	(pc) =	sbr.rel @p0 .LBB2_2-.Ltmp0, $4  }
0x40: {  	[spmem:s2] =	stream.indirect.scatter.add.f32 [tilespmem:s18], [sflag:$0x3], $0x80, s26, s16, $0xb8;
	[tilespmem:$0x1E800] =	vst v63  }
0x41: {  	_ =	swait.ge [sflag:s14], $0x4000  }
0x42: {  	[sflag:s14] =	ssyncset.done $0x0  }
0x43: {  	s25 =	sadd.s32 $0x180, s25;
	[sflag:s14] =	ssyncadd.s32 $0xFFFFC000  }
0x44: {  	[tilespmem:s18], [sflag:$0x2] =	stream.indirect.gather [hbm4b:s4+s16], $0x80, s25, s16, $0xb8;
	[tilespmem:$0x1E800] =	vst v63  }
0x45: {  	_ =	swait.ge [sflag:s19], $0x4000  }
0x46: {  	[sflag:s19] =	ssyncset.done $0x0  }
0x47: {  	[sflag:s19] =	ssyncadd.s32 $0xFFFFC000  }
0x48: {  	[spmem:s2] =	stream.indirect.scatter.add.f32 [tilespmem:s17], [sflag:$0x3], $0x80, s21, s16, $0xb8;
	[tilespmem:$0x1E800] =	vst v63  }
0x49: {  	_ =	swait.ge [sflag:s14], $0x4000  }
0x4a: {  	[sflag:s14] =	ssyncset.done $0x0  }
0x4b: {  	[sflag:s14] =	ssyncadd.s32 $0xFFFFC000  }
0x4c: {  	_ =	swait.ge [sflag:s20], $0x4000  }
0x4d: {  	[sflag:s20] =	ssyncset.done $0x0  }
0x4e: {  	[sflag:s20] =	ssyncadd.s32 $0xFFFFC000  }
0x4f: {  	[spmem:s2] =	stream.indirect.scatter.add.f32 [tilespmem:s18], [sflag:$0x3], $0x80, s22, s16, $0xb8;
	[tilespmem:$0x1E800] =	vst v63  }
0x50: {  	_ =	swait.ge [sflag:s14], $0x4000  }
0x51: {  	[sflag:s14] =	ssyncset.done $0x0  }
0x52: {  	s24 =	simm.s32 $0x0;
	[sflag:s14] =	ssyncadd.s32 $0xFFFFC000  }
0x53: {  	[tilespmem:s24], [sflag:$0x3] =	stream.linear.gather [hbm4b:s9+s24], $0x1400, $0x38;
	[tilespmem:$0x1E800] =	vst v63  }
0x54: {  	_ =	swait.ge [sflag:s14], $0x1400  }
0x55: {  	[sflag:s14] =	ssyncset.done $0x0  }
0x56: {  	[sflag:s14] =	ssyncadd.s32 $0xFFFFEC00  }
0x57: {  	[tilespmem:s15], [sflag:$0x3] =	stream.linear.gather [hbm4b:s10+s24], $0x1400, $0x38;
	[tilespmem:$0x1E800] =	vst v63  }
0x58: {  	_ =	swait.ge [sflag:s14], $0x1400  }
0x59: {  	[sflag:s14] =	ssyncset.done $0x0  }
0x5a: {  	[sflag:s14] =	ssyncadd.s32 $0xFFFFEC00  }
0x5b: {  	[tilespmem:s17], [sflag:$0x1] =	stream.indirect.gather [hbm4b:s4+s16], $0x80, s24, s16, $0xb8;
	[tilespmem:$0x1E800] =	vst v63  }
0x5c: {  	_ = 	snop  }
0x5d: {  	[tilespmem:s18], [sflag:$0x2] =	stream.indirect.gather [hbm4b:s4+s16], $0x80, s16, s16, $0xb8;
	[tilespmem:$0x1E800] =	vst v63  }
0x5e: {  	_ =	swait.ge [sflag:s19], $0x4000  }
0x5f: {  	[sflag:s19] =	ssyncset.done $0x0  }
0x60: {  	s29 =	simm.s32 $0x1400;
	[sflag:s19] =	ssyncadd.s32 $0xFFFFC000  }
0x61: {  	[spmem:s2] =	stream.indirect.scatter.add.f32 [tilespmem:s17], [sflag:$0x3], $0x80, s29, s16, $0xb8;
	[tilespmem:$0x1E800] =	vst v63  }
0x62: {  	_ =	swait.ge [sflag:s14], $0x4000  }
0x63: {  	[sflag:s14] =	ssyncset.done $0x0  }
0x64: {  	s30 =	simm.s32 $0x100;
	[sflag:s14] =	ssyncadd.s32 $0xFFFFC000  }
0x65: {  	[tilespmem:s17], [sflag:$0x1] =	stream.indirect.gather [hbm4b:s4+s16], $0x80, s30, s16, $0xb8;
	[tilespmem:$0x1E800] =	vst v63  }
0x66: {  	_ =	swait.ge [sflag:s20], $0x4000  }
0x67: {  	[sflag:s20] =	ssyncset.done $0x0  }
0x68: {  	s31 =	simm.s32 $0x1480;
	[sflag:s20] =	ssyncadd.s32 $0xFFFFC000  }
0x69: {  	[spmem:s2] =	stream.indirect.scatter.add.f32 [tilespmem:s18], [sflag:$0x3], $0x80, s31, s16, $0xb8;
	[tilespmem:$0x1E800] =	vst v63  }
0x6a: {  	_ =	swait.ge [sflag:s14], $0x4000  }
0x6b: {  	[sflag:s14] =	ssyncset.done $0x0  }
0x6c: {  	s25 =	simm.s32 $0x180;
	s24 =	simm.s32 $0x400;
	[sflag:s14] =	ssyncadd.s32 $0xFFFFC000  }
.LBB2_4:
0x6d: {  	[tilespmem:s18], [sflag:$0x2] =	stream.indirect.gather [hbm4b:s4+s16], $0x80, s25, s16, $0xb8;
	[tilespmem:$0x1E800] =	vst v63  }
0x6e: {  	s25 =	smov.u32 s24  }
0x6f: {  	p0 =	sne.s32 s24, $0x4800;
	s24 =	sadd.s32 $0x400, s24;
	_ =	swait.ge [sflag:s19], $0x4000  }
0x70: {  	s25 =	sshra.s32 s25, $0x2;
	[sflag:s19] =	ssyncset.done $0x0  }
0x71: {  	s26 =	sadd.s32 $0x1400, s25;
	[sflag:s19] =	ssyncadd.s32 $0xFFFFC000  }
0x72: {  	[spmem:s2] =	stream.indirect.scatter.add.f32 [tilespmem:s17], [sflag:$0x3], $0x80, s26, s16, $0xb8;
	[tilespmem:$0x1E800] =	vst v63  }
0x73: {  	_ =	swait.ge [sflag:s14], $0x4000  }
0x74: {  	[sflag:s14] =	ssyncset.done $0x0  }
0x75: {  	s26 =	sadd.s32 $0x100, s25;
	[sflag:s14] =	ssyncadd.s32 $0xFFFFC000  }
0x76: {  	[tilespmem:s17], [sflag:$0x1] =	stream.indirect.gather [hbm4b:s4+s16], $0x80, s26, s16, $0xb8;
	[tilespmem:$0x1E800] =	vst v63  }
0x77: {  	_ =	swait.ge [sflag:s20], $0x4000  }
0x78: {  	[sflag:s20] =	ssyncset.done $0x0  }
.Ltmp1:
0x79: {  	s26 =	sadd.s32 $0x1480, s25;
	[sflag:s20] =	ssyncadd.s32 $0xFFFFC000;
	(pc) =	sbr.rel @p0 .LBB2_4-.Ltmp1, $4  }
0x7a: {  	[spmem:s2] =	stream.indirect.scatter.add.f32 [tilespmem:s18], [sflag:$0x3], $0x80, s26, s16, $0xb8;
	[tilespmem:$0x1E800] =	vst v63  }
0x7b: {  	_ =	swait.ge [sflag:s14], $0x4000  }
0x7c: {  	[sflag:s14] =	ssyncset.done $0x0  }
0x7d: {  	s25 =	sadd.s32 $0x180, s25;
	[sflag:s14] =	ssyncadd.s32 $0xFFFFC000  }
0x7e: {  	[tilespmem:s18], [sflag:$0x2] =	stream.indirect.gather [hbm4b:s4+s16], $0x80, s25, s16, $0xb8;
	[tilespmem:$0x1E800] =	vst v63  }
0x7f: {  	_ =	swait.ge [sflag:s19], $0x4000  }
0x80: {  	[sflag:s19] =	ssyncset.done $0x0  }
0x81: {  	[sflag:s19] =	ssyncadd.s32 $0xFFFFC000  }
0x82: {  	[spmem:s2] =	stream.indirect.scatter.add.f32 [tilespmem:s17], [sflag:$0x3], $0x80, s21, s16, $0xb8;
	[tilespmem:$0x1E800] =	vst v63  }
0x83: {  	_ =	swait.ge [sflag:s14], $0x4000  }
0x84: {  	[sflag:s14] =	ssyncset.done $0x0  }
0x85: {  	[sflag:s14] =	ssyncadd.s32 $0xFFFFC000  }
0x86: {  	_ =	swait.ge [sflag:s20], $0x4000  }
0x87: {  	[sflag:s20] =	ssyncset.done $0x0  }
0x88: {  	[sflag:s20] =	ssyncadd.s32 $0xFFFFC000  }
0x89: {  	[spmem:s2] =	stream.indirect.scatter.add.f32 [tilespmem:s18], [sflag:$0x3], $0x80, s22, s16, $0xb8;
	[tilespmem:$0x1E800] =	vst v63  }
0x8a: {  	_ =	swait.ge [sflag:s14], $0x4000  }
0x8b: {  	s23 =	sadd.s32 $0x1, s23;
	[sflag:s14] =	ssyncset.done $0x0  }
0x8c: {  	p0 =	sne.s32 s23, s12;
	[sflag:s14] =	ssyncadd.s32 $0xFFFFC000  }
.Ltmp2:
0x8d: {  	[bflag:$0x0] =	sbarrier.arrive $0xFFFF;
	(pc) =	sbr.rel @p0 .LBB2_1-.Ltmp2, $4  }
0x8e: {  	[hbm:s11], [sflag:s6] =	dma.local [spmem:s13], $0x2800  }
0x8f: {  	_ =	swait.ge [sflag:s14], $0x2800  }
0x90: {  	[sflag:s14] =	ssyncset.done $0x0  }
0x91: {  	[sflag:s14] =	ssyncadd.s32 $0xFFFFD800  }
0x92: {  	_ =	sfence.sel $0x180000  }
0x93: {  	[bflag:$0x0] =	sbarrier.arrive $0xFFFF  }
0x94: {  	p0 =	sne.s32 s1, $0x0;
	_ =	strace $0x90000047  }
0x95: {  	s0 =	sadd.s32 @!p0 $0x100000, s0;
	[bflag:$0x2] =	sbarrier.arrive $0xFFFF  }
0x96: {  	[sflag:s0] =	ssyncadd.tile.s32 @!p0 $0x1;
	_ =	shalt  }
.Lfunc_end2:
_tile_overlayer_lowered:
.L_overlay_start_2:
0x97: {  	(tag) =	ssettag $0x2  }
0x98: {  	s0 =	rddreg [dreg:$0x0];
	s2 =	stileid.u32  }
0x99: {  	s1 =	rddreg [dreg:$0x1];
	p0 =	sne.s32 s2, $0x0  }
0x9a: {  	s3 =	rddreg [dreg:$0x2];
	[bflag:$0x3] =	sbarrier.arrive $0xFFFF;
	s2 =	simm.s32 @!p0 $0x1C03  }
0x9b: {  	[timem:s3], [sflag:s2] =	dma.local @!p0 [hbm:s0], s1  }
0x9c: {  	s0 =	simm.s32 @!p0 $0x3  }
0x9d: {  	_ =	swait.ge @!p0 [sflag:s0], s1  }
0x9e: {  	s1 =	ssub.s32 @!p0 $0x0, s1;
	[sflag:s0] =	ssyncset.done @!p0 $0x0  }
0x9f: {  	[sflag:s0] =	ssyncadd.s32 @!p0 s1  }
0xa0: {  	[bflag:$0x3] =	sbarrier.arrive $0xFFFF  }
0xa1: {  	_ =	shalt  }

</sc_bundles>
